<compile_context>
chip_gen: v7x
topology: tpu7x:2x2x1
jax: 0.10.2.dev20260603
libtpu: 0.0.44.dev20260713+nightly
codegen_flags: <defaults>
</compile_context>

<pallas_src>
import functools

import jax
import jax.numpy as jnp
from jax import lax
from jax.experimental import pallas as pl
from jax.experimental.pallas import tpu as pltpu
from jax.experimental.pallas import tpu_sc as plsc

N_NODES = 10000
N_EDGES = 320000
D_FEAT = 128

_INFO = plsc.get_sparse_core_info()
_NC = _INFO.num_cores
_NS = _INFO.num_subcores
_NW = _NC * _NS
_L = _INFO.num_lanes

_C = 64
_NCHUNKS = N_EDGES // _C
_ROUNDS = -(-_NCHUNKS // _NW)


def _make_kernel():
    mesh = plsc.VectorSubcoreMesh(core_axis_name="c", subcore_axis_name="s")

    @functools.partial(
        pl.kernel,
        mesh=mesh,
        out_type=jax.ShapeDtypeStruct((N_EDGES,), jnp.float32),
        scratch_types=[
            pltpu.VMEM((2, _C), jnp.int32),
            pltpu.VMEM((2, _C), jnp.int32),
            pltpu.VMEM((_C, D_FEAT), jnp.float32),
            pltpu.VMEM((_C, D_FEAT), jnp.float32),
            pltpu.VMEM((_C, D_FEAT), jnp.float32),
            pltpu.VMEM((_C, D_FEAT), jnp.float32),
            pltpu.VMEM((_C,), jnp.float32),
            pltpu.VMEM((_C,), jnp.float32),
            pltpu.VMEM((_L, 17), jnp.float32),
            pltpu.VMEM_SHARED((N_NODES, D_FEAT), jnp.float32),
            pltpu.SemaphoreType.DMA,
            pltpu.SemaphoreType.DMA,
            pltpu.SemaphoreType.DMA,
            pltpu.SemaphoreType.DMA,
            pltpu.SemaphoreType.DMA,
            pltpu.SemaphoreType.DMA,
            pltpu.SemaphoreType.DMA,
            pltpu.SemaphoreType.DMA,
        ],
        compiler_params=pltpu.CompilerParams(needs_layout_passes=False),
    )
    def dot_scores(idx_hbm, h_hbm, out_hbm,
                   i0, i1, u0, u1, v0, v1, s0, s1, pmat, h_sp,
                   su0, su1, sv0, sv1, si0, si1, so0, so1):
        wid = lax.axis_index("s") * _NC + lax.axis_index("c")
        sid = lax.axis_index("s")
        lanes = lax.iota(jnp.int32, _L)

        idx_slot = [i0, i1]
        u_slot = [u0, u1]
        v_slot = [v0, v1]
        sc_slot = [s0, s1]
        su_slot = [su0, su1]
        sv_slot = [sv0, sv1]
        si_slot = [si0, si1]
        so_slot = [so0, so1]

        rows_per_tile = 624
        stage0 = sid * rows_per_tile
        pltpu.sync_copy(h_hbm.at[pl.ds(stage0, rows_per_tile)],
                        h_sp.at[pl.ds(stage0, rows_per_tile)])

        @pl.when(sid == 0)
        def _():
            tail = N_NODES - _NS * rows_per_tile
            pltpu.sync_copy(h_hbm.at[pl.ds(_NS * rows_per_tile, tail)],
                            h_sp.at[pl.ds(_NS * rows_per_tile, tail)])

        plsc.subcore_barrier()

        def cid_of(t):
            return t * _NW + wid

        def idx_copy(t, slot):
            @pl.when(cid_of(t) < _NCHUNKS)
            def _():
                pltpu.async_copy(idx_hbm.at[cid_of(t)], idx_slot[slot],
                                 si_slot[slot])

        def idx_wait(t, slot):
            @pl.when(cid_of(t) < _NCHUNKS)
            def _():
                pltpu.make_async_copy(idx_hbm.at[cid_of(t)], idx_slot[slot],
                                      si_slot[slot]).wait()

        def gathers_issue(t, slot):
            @pl.when(cid_of(t) < _NCHUNKS)
            def _():
                pltpu.async_copy(h_sp.at[idx_slot[slot].at[0]],
                                 u_slot[slot], su_slot[slot])
                pltpu.async_copy(h_hbm.at[idx_slot[slot].at[1]],
                                 v_slot[slot], sv_slot[slot])

        def gathers_wait(t, slot):
            @pl.when(cid_of(t) < _NCHUNKS)
            def _():
                pltpu.make_async_copy(h_sp.at[idx_slot[slot].at[0]],
                                      u_slot[slot], su_slot[slot]).wait()
                pltpu.make_async_copy(h_hbm.at[idx_slot[slot].at[1]],
                                      v_slot[slot], sv_slot[slot]).wait()

        def out_drain(slot):
            pltpu.make_async_copy(sc_slot[slot], out_hbm.at[pl.ds(0, _C)],
                                  so_slot[slot]).wait()

        def compute(t, slot):
            cid = cid_of(t)

            @pl.when(cid < _NCHUNKS)
            def _():
                u_rows = u_slot[slot]
                v_rows = v_slot[slot]
                scores = sc_slot[slot]

                @pl.when(t >= 2)
                def _():
                    out_drain(slot)

                def edge_loads(e):
                    us = [u_rows[e, pl.ds(k * _L, _L)]
                          for k in range(D_FEAT // _L)]
                    vs = [v_rows[e, pl.ds(k * _L, _L)]
                          for k in range(D_FEAT // _L)]
                    return us, vs

                def edge_arith(j, us, vs):
                    parts = [us[k] * vs[k] for k in range(D_FEAT // _L)]
                    while len(parts) > 1:
                        parts = [parts[i] + parts[i + 1]
                                 for i in range(0, len(parts), 2)]
                    pmat[j, pl.ds(0, _L)] = parts[0]

                def group_body(g, gcarry):
                    rows = g * _L + lanes
                    prev = edge_loads(g * _L)
                    for j in range(_L):
                        cur = edge_loads(g * _L + j + 1) if j + 1 < _L else None
                        edge_arith(j, *prev)
                        prev = cur
                    gath = [plsc.load_gather(
                                pmat, [lanes, jnp.full((_L,), k, jnp.int32)])
                            for k in range(_L)]
                    while len(gath) > 1:
                        gath = [gath[i] + gath[i + 1]
                                for i in range(0, len(gath), 2)]
                    plsc.store_scatter(scores, [rows], gath[0])
                    return gcarry

                lax.fori_loop(0, _C // _L, group_body, 0)
                pltpu.async_copy(scores, out_hbm.at[pl.ds(cid * _C, _C)],
                                 so_slot[slot])

        def step(t, slot):
            other = 1 - slot
            idx_wait(t + 1, other)
            gathers_issue(t + 1, other)
            gathers_wait(t, slot)
            idx_copy(t + 2, slot)
            compute(t, slot)

        idx_copy(jnp.int32(0), 0)
        idx_wait(jnp.int32(0), 0)
        gathers_issue(jnp.int32(0), 0)
        idx_copy(jnp.int32(1), 1)

        def pair_body(p, carry):
            t0 = p * 2
            step(t0, 0)
            step(t0 + 1, 1)
            return carry

        lax.fori_loop(0, (_ROUNDS + 1) // 2, pair_body, 0)

        n_valid = (_NCHUNKS - wid + _NW - 1) // _NW

        for s in (0, 1):
            @pl.when(n_valid > s)
            def _(s=s):
                out_drain(s)

    return dot_scores


_dot_scores = _make_kernel()


def kernel(h, edge_index):
    idx = edge_index.astype(jnp.int32).reshape(2, _NCHUNKS, _C)
    idx_packed = idx.transpose(1, 0, 2)
    return _dot_scores(idx_packed, h)

# --- scband reference (transcript-rebuilt; emitter-appended) ---
"""Pipeline reference for scband-dot-predictor-9277129359731 (READ-ONLY COPY).

The authoritative reference and input builder live on the scoring server;
editing this copy changes nothing except your own understanding.
"""

import jax, jax.numpy as jnp
import numpy as np

N_NODES = 10000
N_EDGES = 320000
D_FEAT = 128


def setup_inputs(seed: int = 0) -> dict:
    key = jax.random.key(seed)
    k1, k2 = jax.random.split(key)
    h = jax.random.normal(k1, (N_NODES, D_FEAT), dtype=jnp.float32)
    edge_index = jax.random.randint(k2, (2, N_EDGES), 0, N_NODES, dtype=jnp.int64)
    return {"h": h, "edge_index": edge_index}


def reference(h, edge_index):
    # DGL u_dot_v('h','h','score'): for each edge (u, v), score = dot(h[u], h[v]).
    # g.edata['score'] has shape [E, 1]; [:, 0] squeezes to [E].
    src = edge_index[0]
    dst = edge_index[1]
    h_u = jnp.take(h, src, axis=0)
    h_v = jnp.take(h, dst, axis=0)
    score = jnp.sum(h_u * h_v, axis=-1)
    return score

if __name__ == "__main__":
    import jax
    _d = setup_inputs()
    print(jax.jit(kernel)(*tuple(_d.values())))

</pallas_src>

<mosaic_0001>
#map = affine_map<(d0, d1) -> (0, 0, 0)>
#map1 = affine_map<(d0, d1) -> (0, 0)>
#map2 = affine_map<(d0, d1) -> (0)>
module attributes {stable_mosaic.version = 14 : i64} {
  func.func @dot_scores(%arg0: i32, %arg1: i32, %arg2: memref<5000x2x64xi32, #tpu.memory_space<hbm>>, %arg3: memref<10000x128xf32, #tpu.memory_space<hbm>>, %arg4: memref<320000xf32, #tpu.memory_space<hbm>>, %arg5: memref<2x64xi32, #tpu.memory_space<vmem>>, %arg6: memref<2x64xi32, #tpu.memory_space<vmem>>, %arg7: memref<64x128xf32, #tpu.memory_space<vmem>>, %arg8: memref<64x128xf32, #tpu.memory_space<vmem>>, %arg9: memref<64x128xf32, #tpu.memory_space<vmem>>, %arg10: memref<64x128xf32, #tpu.memory_space<vmem>>, %arg11: memref<64xf32, #tpu.memory_space<vmem>>, %arg12: memref<64xf32, #tpu.memory_space<vmem>>, %arg13: memref<16x17xf32, #tpu.memory_space<vmem>>, %arg14: memref<10000x128xf32, #tpu.memory_space<vmem_shared>>, %arg15: memref<!tpu.dma_semaphore, #tpu.memory_space<semaphore_mem>>, %arg16: memref<!tpu.dma_semaphore, #tpu.memory_space<semaphore_mem>>, %arg17: memref<!tpu.dma_semaphore, #tpu.memory_space<semaphore_mem>>, %arg18: memref<!tpu.dma_semaphore, #tpu.memory_space<semaphore_mem>>, %arg19: memref<!tpu.dma_semaphore, #tpu.memory_space<semaphore_mem>>, %arg20: memref<!tpu.dma_semaphore, #tpu.memory_space<semaphore_mem>>, %arg21: memref<!tpu.dma_semaphore, #tpu.memory_space<semaphore_mem>>, %arg22: memref<!tpu.dma_semaphore, #tpu.memory_space<semaphore_mem>>) attributes {dimension_semantics = [#tpu.dimension_semantics<core_parallel>, #tpu.dimension_semantics<subcore_parallel>], iteration_bounds = array<i64: 2, 16>, scalar_prefetch = 0 : i64, scratch_operands = 18 : i64, tpu.core_type = #tpu.core_type<sc_vector_subcore>, window_params = [{transform_indices = #map}, {transform_indices = #map1}, {transform_indices = #map2}]} {
    %mul3A = arith.constant 2 : i32
    %mul3A_0 = arith.muli %arg1, %mul3A : i32
    %add3A = arith.addi %mul3A_0, %arg0 : i32
    %iota3A = tpu.iota {dimensions = array<i32: 0>} : vector<16xi32>
    %mul3A_1 = arith.constant 624 : i32
    %mul3A_2 = arith.muli %arg1, %mul3A_1 : i32
    "tpu.region"() ({
      %run_scoped3A = tpu.sem_alloc : memref<!tpu.dma_semaphore, #tpu.memory_space<semaphore_mem>>
      %dma_start3A = arith.constant 0 : i32
      %dma_start3A_79 = tpu.memref_slice %arg14[%mul3A_2, %dma_start3A] : memref<10000x128xf32, #tpu.memory_space<vmem_shared>> -> memref<624x128xf32, #tpu.memory_space<vmem_shared>>
      %dma_start3A_80 = arith.constant 0 : i32
      %dma_start3A_81 = tpu.memref_slice %arg3[%mul3A_2, %dma_start3A_80] : memref<10000x128xf32, #tpu.memory_space<hbm>> -> memref<624x128xf32, #tpu.memory_space<hbm>>
      tpu.enqueue_dma source(%dma_start3A_81 : memref<624x128xf32, #tpu.memory_space<hbm>>) target(%dma_start3A_79 : memref<624x128xf32, #tpu.memory_space<vmem_shared>>) target_semaphore(%run_scoped3A : memref<!tpu.dma_semaphore, #tpu.memory_space<semaphore_mem>>)
      %dma_wait3A = arith.constant 0 : i32
      %dma_wait3A_82 = tpu.memref_slice %arg14[%mul3A_2, %dma_wait3A] : memref<10000x128xf32, #tpu.memory_space<vmem_shared>> -> memref<624x128xf32, #tpu.memory_space<vmem_shared>>
      %dma_wait3A_83 = arith.constant 0 : i32
      %dma_wait3A_84 = tpu.memref_slice %arg3[%mul3A_2, %dma_wait3A_83] : memref<10000x128xf32, #tpu.memory_space<hbm>> -> memref<624x128xf32, #tpu.memory_space<hbm>>
      tpu.wait_dma2 semaphore(%run_scoped3A : memref<!tpu.dma_semaphore, #tpu.memory_space<semaphore_mem>>) src(%dma_wait3A_84 : memref<624x128xf32, #tpu.memory_space<hbm>>) dst(%dma_wait3A_82 : memref<624x128xf32, #tpu.memory_space<vmem_shared>>)
      tpu.yield
    }) : () -> ()
    %eq3A = arith.constant 0 : i32
    %eq3A_3 = arith.cmpi eq, %arg1, %eq3A : i32
    %convert_element_type3A = arith.extui %eq3A_3 : i1 to i32
    %cond3A = arith.constant 0 : i32
    %cond3A_4 = arith.cmpi ne, %convert_element_type3A, %cond3A : i32
    scf.if %cond3A_4 {
      "tpu.region"() ({
        %run_scoped3A = tpu.sem_alloc : memref<!tpu.dma_semaphore, #tpu.memory_space<semaphore_mem>>
        %dma_start3A = arith.constant 9984 : i32
        %dma_start3A_79 = arith.constant 0 : i32
        %dma_start3A_80 = tpu.memref_slice %arg14[%dma_start3A, %dma_start3A_79] : memref<10000x128xf32, #tpu.memory_space<vmem_shared>> -> memref<16x128xf32, #tpu.memory_space<vmem_shared>>
        %dma_start3A_81 = arith.constant 9984 : i32
        %dma_start3A_82 = arith.constant 0 : i32
        %dma_start3A_83 = tpu.memref_slice %arg3[%dma_start3A_81, %dma_start3A_82] : memref<10000x128xf32, #tpu.memory_space<hbm>> -> memref<16x128xf32, #tpu.memory_space<hbm>>
        tpu.enqueue_dma source(%dma_start3A_83 : memref<16x128xf32, #tpu.memory_space<hbm>>) target(%dma_start3A_80 : memref<16x128xf32, #tpu.memory_space<vmem_shared>>) target_semaphore(%run_scoped3A : memref<!tpu.dma_semaphore, #tpu.memory_space<semaphore_mem>>)
        %dma_wait3A = arith.constant 9984 : i32
        %dma_wait3A_84 = arith.constant 0 : i32
        %dma_wait3A_85 = tpu.memref_slice %arg14[%dma_wait3A, %dma_wait3A_84] : memref<10000x128xf32, #tpu.memory_space<vmem_shared>> -> memref<16x128xf32, #tpu.memory_space<vmem_shared>>
        %dma_wait3A_86 = arith.constant 9984 : i32
        %dma_wait3A_87 = arith.constant 0 : i32
        %dma_wait3A_88 = tpu.memref_slice %arg3[%dma_wait3A_86, %dma_wait3A_87] : memref<10000x128xf32, #tpu.memory_space<hbm>> -> memref<16x128xf32, #tpu.memory_space<hbm>>
        tpu.wait_dma2 semaphore(%run_scoped3A : memref<!tpu.dma_semaphore, #tpu.memory_space<semaphore_mem>>) src(%dma_wait3A_88 : memref<16x128xf32, #tpu.memory_space<hbm>>) dst(%dma_wait3A_85 : memref<16x128xf32, #tpu.memory_space<vmem_shared>>)
        tpu.yield
      }) : () -> ()
    } else {
    }
    %barrier3A = arith.constant 0 : index
    tpu.barrier barrier_id(%barrier3A)
    %mul3A_5 = arith.constant 0 : i32
    %mul3A_6 = arith.constant 32 : i32
    %mul3A_7 = arith.muli %mul3A_5, %mul3A_6 : i32
    %add3A_8 = arith.addi %mul3A_7, %add3A : i32
    %lt3A = arith.constant 5000 : i32
    %lt3A_9 = arith.cmpi slt, %add3A_8, %lt3A : i32
    %convert_element_type3A_10 = arith.extui %lt3A_9 : i1 to i32
    %cond3A_11 = arith.constant 0 : i32
    %cond3A_12 = arith.constant 0 : i32
    %cond3A_13 = arith.cmpi ne, %convert_element_type3A_10, %cond3A_12 : i32
    scf.if %cond3A_13 {
      %mul3A_79 = arith.constant 32 : i32
      %mul3A_80 = arith.muli %cond3A_11, %mul3A_79 : i32
      %add3A_81 = arith.addi %mul3A_80, %add3A : i32
      %dma_start3A = arith.constant 0 : i32
      %dma_start3A_82 = arith.constant 0 : i32
      %dma_start3A_83 = tpu.memref_slice %arg2[%add3A_81, %dma_start3A, %dma_start3A_82] : memref<5000x2x64xi32, #tpu.memory_space<hbm>> -> memref<1x2x64xi32, #tpu.memory_space<hbm>>
      %dma_start3A_84 = tpu.memref_squeeze %dma_start3A_83 : memref<1x2x64xi32, #tpu.memory_space<hbm>> -> memref<2x64xi32, #tpu.memory_space<hbm>>
      %dma_start3A_85 = arith.constant 0 : i32
      %dma_start3A_86 = arith.constant 0 : i32
      %dma_start3A_87 = tpu.memref_slice %arg2[%add3A_81, %dma_start3A_85, %dma_start3A_86] : memref<5000x2x64xi32, #tpu.memory_space<hbm>> -> memref<1x2x64xi32, #tpu.memory_space<hbm>>
      %dma_start3A_88 = tpu.memref_squeeze %dma_start3A_87 : memref<1x2x64xi32, #tpu.memory_space<hbm>> -> memref<2x64xi32, #tpu.memory_space<hbm>>
      tpu.enqueue_dma source(%dma_start3A_88 : memref<2x64xi32, #tpu.memory_space<hbm>>) target(%arg5 : memref<2x64xi32, #tpu.memory_space<vmem>>) target_semaphore(%arg19 : memref<!tpu.dma_semaphore, #tpu.memory_space<semaphore_mem>>)
    } else {
    }
    %mul3A_14 = arith.constant 0 : i32
    %mul3A_15 = arith.constant 32 : i32
    %mul3A_16 = arith.muli %mul3A_14, %mul3A_15 : i32
    %add3A_17 = arith.addi %mul3A_16, %add3A : i32
    %lt3A_18 = arith.constant 5000 : i32
    %lt3A_19 = arith.cmpi slt, %add3A_17, %lt3A_18 : i32
    %convert_element_type3A_20 = arith.extui %lt3A_19 : i1 to i32
    %cond3A_21 = arith.constant 0 : i32
    %cond3A_22 = arith.constant 0 : i32
    %cond3A_23 = arith.cmpi ne, %convert_element_type3A_20, %cond3A_22 : i32
    scf.if %cond3A_23 {
      %mul3A_79 = arith.constant 32 : i32
      %mul3A_80 = arith.muli %cond3A_21, %mul3A_79 : i32
      %add3A_81 = arith.addi %mul3A_80, %add3A : i32
      %dma_wait3A = arith.constant 0 : i32
      %dma_wait3A_82 = arith.constant 0 : i32
      %dma_wait3A_83 = tpu.memref_slice %arg2[%add3A_81, %dma_wait3A, %dma_wait3A_82] : memref<5000x2x64xi32, #tpu.memory_space<hbm>> -> memref<1x2x64xi32, #tpu.memory_space<hbm>>
      %dma_wait3A_84 = tpu.memref_squeeze %dma_wait3A_83 : memref<1x2x64xi32, #tpu.memory_space<hbm>> -> memref<2x64xi32, #tpu.memory_space<hbm>>
      %dma_wait3A_85 = arith.constant 0 : i32
      %dma_wait3A_86 = arith.constant 0 : i32
      %dma_wait3A_87 = tpu.memref_slice %arg2[%add3A_81, %dma_wait3A_85, %dma_wait3A_86] : memref<5000x2x64xi32, #tpu.memory_space<hbm>> -> memref<1x2x64xi32, #tpu.memory_space<hbm>>
      %dma_wait3A_88 = tpu.memref_squeeze %dma_wait3A_87 : memref<1x2x64xi32, #tpu.memory_space<hbm>> -> memref<2x64xi32, #tpu.memory_space<hbm>>
      tpu.wait_dma2 semaphore(%arg19 : memref<!tpu.dma_semaphore, #tpu.memory_space<semaphore_mem>>) src(%dma_wait3A_88 : memref<2x64xi32, #tpu.memory_space<hbm>>) dst(%arg5 : memref<2x64xi32, #tpu.memory_space<vmem>>)
    } else {
    }
    %mul3A_24 = arith.constant 0 : i32
    %mul3A_25 = arith.constant 32 : i32
    %mul3A_26 = arith.muli %mul3A_24, %mul3A_25 : i32
    %add3A_27 = arith.addi %mul3A_26, %add3A : i32
    %lt3A_28 = arith.constant 5000 : i32
    %lt3A_29 = arith.cmpi slt, %add3A_27, %lt3A_28 : i32
    %convert_element_type3A_30 = arith.extui %lt3A_29 : i1 to i32
    %cond3A_31 = arith.constant 0 : i32
    %cond3A_32 = arith.cmpi ne, %convert_element_type3A_30, %cond3A_31 : i32
    scf.if %cond3A_32 {
      %dma_start3A = arith.constant 0 : i32
      %dma_start3A_79 = arith.constant 0 : i32
      %dma_start3A_80 = tpu.memref_slice %arg5[%dma_start3A, %dma_start3A_79] : memref<2x64xi32, #tpu.memory_space<vmem>> -> memref<1x64xi32, #tpu.memory_space<vmem>>
      %dma_start3A_81 = tpu.memref_squeeze %dma_start3A_80 : memref<1x64xi32, #tpu.memory_space<vmem>> -> memref<64xi32, #tpu.memory_space<vmem>>
      %dma_start3A_82 = arith.constant 0 : i32
      %dma_start3A_83 = arith.constant 0 : i32
      %dma_start3A_84 = tpu.memref_slice %arg14[%dma_start3A_82, %dma_start3A_83] : memref<10000x128xf32, #tpu.memory_space<vmem_shared>> -> memref<10000x128xf32, #tpu.memory_space<vmem_shared>>
      tpu.enqueue_indirect_dma source(%dma_start3A_84 : memref<10000x128xf32, #tpu.memory_space<vmem_shared>>) target(%arg7 : memref<64x128xf32, #tpu.memory_space<vmem>>) offsets(%dma_start3A_81 : memref<64xi32, #tpu.memory_space<vmem>>) semaphore(%arg15 : memref<!tpu.dma_semaphore, #tpu.memory_space<semaphore_mem>>)
      %dma_start3A_85 = arith.constant 1 : i32
      %dma_start3A_86 = arith.constant 0 : i32
      %dma_start3A_87 = tpu.memref_slice %arg5[%dma_start3A_85, %dma_start3A_86] : memref<2x64xi32, #tpu.memory_space<vmem>> -> memref<1x64xi32, #tpu.memory_space<vmem>>
      %dma_start3A_88 = tpu.memref_squeeze %dma_start3A_87 : memref<1x64xi32, #tpu.memory_space<vmem>> -> memref<64xi32, #tpu.memory_space<vmem>>
      %dma_start3A_89 = arith.constant 0 : i32
      %dma_start3A_90 = arith.constant 0 : i32
      %dma_start3A_91 = tpu.memref_slice %arg3[%dma_start3A_89, %dma_start3A_90] : memref<10000x128xf32, #tpu.memory_space<hbm>> -> memref<10000x128xf32, #tpu.memory_space<hbm>>
      tpu.enqueue_indirect_dma source(%dma_start3A_91 : memref<10000x128xf32, #tpu.memory_space<hbm>>) target(%arg9 : memref<64x128xf32, #tpu.memory_space<vmem>>) offsets(%dma_start3A_88 : memref<64xi32, #tpu.memory_space<vmem>>) semaphore(%arg17 : memref<!tpu.dma_semaphore, #tpu.memory_space<semaphore_mem>>)
    } else {
    }
    %mul3A_33 = arith.constant 1 : i32
    %mul3A_34 = arith.constant 32 : i32
    %mul3A_35 = arith.muli %mul3A_33, %mul3A_34 : i32
    %add3A_36 = arith.addi %mul3A_35, %add3A : i32
    %lt3A_37 = arith.constant 5000 : i32
    %lt3A_38 = arith.cmpi slt, %add3A_36, %lt3A_37 : i32
    %convert_element_type3A_39 = arith.extui %lt3A_38 : i1 to i32
    %cond3A_40 = arith.constant 1 : i32
    %cond3A_41 = arith.constant 0 : i32
    %cond3A_42 = arith.cmpi ne, %convert_element_type3A_39, %cond3A_41 : i32
    scf.if %cond3A_42 {
      %mul3A_79 = arith.constant 32 : i32
      %mul3A_80 = arith.muli %cond3A_40, %mul3A_79 : i32
      %add3A_81 = arith.addi %mul3A_80, %add3A : i32
      %dma_start3A = arith.constant 0 : i32
      %dma_start3A_82 = arith.constant 0 : i32
      %dma_start3A_83 = tpu.memref_slice %arg2[%add3A_81, %dma_start3A, %dma_start3A_82] : memref<5000x2x64xi32, #tpu.memory_space<hbm>> -> memref<1x2x64xi32, #tpu.memory_space<hbm>>
      %dma_start3A_84 = tpu.memref_squeeze %dma_start3A_83 : memref<1x2x64xi32, #tpu.memory_space<hbm>> -> memref<2x64xi32, #tpu.memory_space<hbm>>
      %dma_start3A_85 = arith.constant 0 : i32
      %dma_start3A_86 = arith.constant 0 : i32
      %dma_start3A_87 = tpu.memref_slice %arg2[%add3A_81, %dma_start3A_85, %dma_start3A_86] : memref<5000x2x64xi32, #tpu.memory_space<hbm>> -> memref<1x2x64xi32, #tpu.memory_space<hbm>>
      %dma_start3A_88 = tpu.memref_squeeze %dma_start3A_87 : memref<1x2x64xi32, #tpu.memory_space<hbm>> -> memref<2x64xi32, #tpu.memory_space<hbm>>
      tpu.enqueue_dma source(%dma_start3A_88 : memref<2x64xi32, #tpu.memory_space<hbm>>) target(%arg6 : memref<2x64xi32, #tpu.memory_space<vmem>>) target_semaphore(%arg20 : memref<!tpu.dma_semaphore, #tpu.memory_space<semaphore_mem>>)
    } else {
    }
    %scan3A = arith.constant 0 : i32
    %scan3A_43 = arith.constant 0 : i32
    %scan3A_44 = arith.constant 79 : i32
    %scan3A_45 = arith.addi %scan3A_43, %scan3A_44 : i32
    %scan3A_46 = arith.constant 1 : i32
    scf.for %scan3A_79 = %scan3A_43 to %scan3A_45 step %scan3A_46  : i32 {
      %mul3A_80 = arith.constant 2 : i32
      %mul3A_81 = arith.muli %scan3A_79, %mul3A_80 : i32
      %add3A_82 = arith.constant 1 : i32
      %add3A_83 = arith.addi %mul3A_81, %add3A_82 : i32
      %mul3A_84 = arith.constant 32 : i32
      %mul3A_85 = arith.muli %add3A_83, %mul3A_84 : i32
      %add3A_86 = arith.addi %mul3A_85, %add3A : i32
      %lt3A_87 = arith.constant 5000 : i32
      %lt3A_88 = arith.cmpi slt, %add3A_86, %lt3A_87 : i32
      %convert_element_type3A_89 = arith.extui %lt3A_88 : i1 to i32
      %cond3A_90 = arith.constant 0 : i32
      %cond3A_91 = arith.cmpi ne, %convert_element_type3A_89, %cond3A_90 : i32
      scf.if %cond3A_91 {
        %mul3A_176 = arith.constant 32 : i32
        %mul3A_177 = arith.muli %add3A_83, %mul3A_176 : i32
        %add3A_178 = arith.addi %mul3A_177, %add3A : i32
        %dma_wait3A = arith.constant 0 : i32
        %dma_wait3A_179 = arith.constant 0 : i32
        %dma_wait3A_180 = tpu.memref_slice %arg2[%add3A_178, %dma_wait3A, %dma_wait3A_179] : memref<5000x2x64xi32, #tpu.memory_space<hbm>> -> memref<1x2x64xi32, #tpu.memory_space<hbm>>
        %dma_wait3A_181 = tpu.memref_squeeze %dma_wait3A_180 : memref<1x2x64xi32, #tpu.memory_space<hbm>> -> memref<2x64xi32, #tpu.memory_space<hbm>>
        %dma_wait3A_182 = arith.constant 0 : i32
        %dma_wait3A_183 = arith.constant 0 : i32
        %dma_wait3A_184 = tpu.memref_slice %arg2[%add3A_178, %dma_wait3A_182, %dma_wait3A_183] : memref<5000x2x64xi32, #tpu.memory_space<hbm>> -> memref<1x2x64xi32, #tpu.memory_space<hbm>>
        %dma_wait3A_185 = tpu.memref_squeeze %dma_wait3A_184 : memref<1x2x64xi32, #tpu.memory_space<hbm>> -> memref<2x64xi32, #tpu.memory_space<hbm>>
        tpu.wait_dma2 semaphore(%arg20 : memref<!tpu.dma_semaphore, #tpu.memory_space<semaphore_mem>>) src(%dma_wait3A_185 : memref<2x64xi32, #tpu.memory_space<hbm>>) dst(%arg6 : memref<2x64xi32, #tpu.memory_space<vmem>>)
      } else {
      }
      %add3A_92 = arith.constant 1 : i32
      %add3A_93 = arith.addi %mul3A_81, %add3A_92 : i32
      %mul3A_94 = arith.constant 32 : i32
      %mul3A_95 = arith.muli %add3A_93, %mul3A_94 : i32
      %add3A_96 = arith.addi %mul3A_95, %add3A : i32
      %lt3A_97 = arith.constant 5000 : i32
      %lt3A_98 = arith.cmpi slt, %add3A_96, %lt3A_97 : i32
      %convert_element_type3A_99 = arith.extui %lt3A_98 : i1 to i32
      %cond3A_100 = arith.constant 0 : i32
      %cond3A_101 = arith.cmpi ne, %convert_element_type3A_99, %cond3A_100 : i32
      scf.if %cond3A_101 {
        %dma_start3A = arith.constant 0 : i32
        %dma_start3A_176 = arith.constant 0 : i32
        %dma_start3A_177 = tpu.memref_slice %arg6[%dma_start3A, %dma_start3A_176] : memref<2x64xi32, #tpu.memory_space<vmem>> -> memref<1x64xi32, #tpu.memory_space<vmem>>
        %dma_start3A_178 = tpu.memref_squeeze %dma_start3A_177 : memref<1x64xi32, #tpu.memory_space<vmem>> -> memref<64xi32, #tpu.memory_space<vmem>>
        %dma_start3A_179 = arith.constant 0 : i32
        %dma_start3A_180 = arith.constant 0 : i32
        %dma_start3A_181 = tpu.memref_slice %arg14[%dma_start3A_179, %dma_start3A_180] : memref<10000x128xf32, #tpu.memory_space<vmem_shared>> -> memref<10000x128xf32, #tpu.memory_space<vmem_shared>>
        tpu.enqueue_indirect_dma source(%dma_start3A_181 : memref<10000x128xf32, #tpu.memory_space<vmem_shared>>) target(%arg8 : memref<64x128xf32, #tpu.memory_space<vmem>>) offsets(%dma_start3A_178 : memref<64xi32, #tpu.memory_space<vmem>>) semaphore(%arg16 : memref<!tpu.dma_semaphore, #tpu.memory_space<semaphore_mem>>)
        %dma_start3A_182 = arith.constant 1 : i32
        %dma_start3A_183 = arith.constant 0 : i32
        %dma_start3A_184 = tpu.memref_slice %arg6[%dma_start3A_182, %dma_start3A_183] : memref<2x64xi32, #tpu.memory_space<vmem>> -> memref<1x64xi32, #tpu.memory_space<vmem>>
        %dma_start3A_185 = tpu.memref_squeeze %dma_start3A_184 : memref<1x64xi32, #tpu.memory_space<vmem>> -> memref<64xi32, #tpu.memory_space<vmem>>
        %dma_start3A_186 = arith.constant 0 : i32
        %dma_start3A_187 = arith.constant 0 : i32
        %dma_start3A_188 = tpu.memref_slice %arg3[%dma_start3A_186, %dma_start3A_187] : memref<10000x128xf32, #tpu.memory_space<hbm>> -> memref<10000x128xf32, #tpu.memory_space<hbm>>
        tpu.enqueue_indirect_dma source(%dma_start3A_188 : memref<10000x128xf32, #tpu.memory_space<hbm>>) target(%arg10 : memref<64x128xf32, #tpu.memory_space<vmem>>) offsets(%dma_start3A_185 : memref<64xi32, #tpu.memory_space<vmem>>) semaphore(%arg18 : memref<!tpu.dma_semaphore, #tpu.memory_space<semaphore_mem>>)
      } else {
      }
      %mul3A_102 = arith.constant 32 : i32
      %mul3A_103 = arith.muli %mul3A_81, %mul3A_102 : i32
      %add3A_104 = arith.addi %mul3A_103, %add3A : i32
      %lt3A_105 = arith.constant 5000 : i32
      %lt3A_106 = arith.cmpi slt, %add3A_104, %lt3A_105 : i32
      %convert_element_type3A_107 = arith.extui %lt3A_106 : i1 to i32
      %cond3A_108 = arith.constant 0 : i32
      %cond3A_109 = arith.cmpi ne, %convert_element_type3A_107, %cond3A_108 : i32
      scf.if %cond3A_109 {
        %dma_wait3A = arith.constant 0 : i32
        %dma_wait3A_176 = arith.constant 0 : i32
        %dma_wait3A_177 = tpu.memref_slice %arg5[%dma_wait3A, %dma_wait3A_176] : memref<2x64xi32, #tpu.memory_space<vmem>> -> memref<1x64xi32, #tpu.memory_space<vmem>>
        %dma_wait3A_178 = tpu.memref_squeeze %dma_wait3A_177 : memref<1x64xi32, #tpu.memory_space<vmem>> -> memref<64xi32, #tpu.memory_space<vmem>>
        %dma_wait3A_179 = arith.constant 0 : i32
        %dma_wait3A_180 = arith.constant 0 : i32
        %dma_wait3A_181 = tpu.memref_slice %arg14[%dma_wait3A_179, %dma_wait3A_180] : memref<10000x128xf32, #tpu.memory_space<vmem_shared>> -> memref<10000x128xf32, #tpu.memory_space<vmem_shared>>
        tpu.wait_indirect_dma semaphore(%arg15 : memref<!tpu.dma_semaphore, #tpu.memory_space<semaphore_mem>>) src(%dma_wait3A_181 : memref<10000x128xf32, #tpu.memory_space<vmem_shared>>) dst(%arg7 : memref<64x128xf32, #tpu.memory_space<vmem>>)
        %dma_wait3A_182 = arith.constant 1 : i32
        %dma_wait3A_183 = arith.constant 0 : i32
        %dma_wait3A_184 = tpu.memref_slice %arg5[%dma_wait3A_182, %dma_wait3A_183] : memref<2x64xi32, #tpu.memory_space<vmem>> -> memref<1x64xi32, #tpu.memory_space<vmem>>
        %dma_wait3A_185 = tpu.memref_squeeze %dma_wait3A_184 : memref<1x64xi32, #tpu.memory_space<vmem>> -> memref<64xi32, #tpu.memory_space<vmem>>
        %dma_wait3A_186 = arith.constant 0 : i32
        %dma_wait3A_187 = arith.constant 0 : i32
        %dma_wait3A_188 = tpu.memref_slice %arg3[%dma_wait3A_186, %dma_wait3A_187] : memref<10000x128xf32, #tpu.memory_space<hbm>> -> memref<10000x128xf32, #tpu.memory_space<hbm>>
        tpu.wait_indirect_dma semaphore(%arg17 : memref<!tpu.dma_semaphore, #tpu.memory_space<semaphore_mem>>) src(%dma_wait3A_188 : memref<10000x128xf32, #tpu.memory_space<hbm>>) dst(%arg9 : memref<64x128xf32, #tpu.memory_space<vmem>>)
      } else {
      }
      %add3A_110 = arith.constant 2 : i32
      %add3A_111 = arith.addi %mul3A_81, %add3A_110 : i32
      %mul3A_112 = arith.constant 32 : i32
      %mul3A_113 = arith.muli %add3A_111, %mul3A_112 : i32
      %add3A_114 = arith.addi %mul3A_113, %add3A : i32
      %lt3A_115 = arith.constant 5000 : i32
      %lt3A_116 = arith.cmpi slt, %add3A_114, %lt3A_115 : i32
      %convert_element_type3A_117 = arith.extui %lt3A_116 : i1 to i32
      %cond3A_118 = arith.constant 0 : i32
      %cond3A_119 = arith.cmpi ne, %convert_element_type3A_117, %cond3A_118 : i32
      scf.if %cond3A_119 {
        %mul3A_176 = arith.constant 32 : i32
        %mul3A_177 = arith.muli %add3A_111, %mul3A_176 : i32
        %add3A_178 = arith.addi %mul3A_177, %add3A : i32
        %dma_start3A = arith.constant 0 : i32
        %dma_start3A_179 = arith.constant 0 : i32
        %dma_start3A_180 = tpu.memref_slice %arg2[%add3A_178, %dma_start3A, %dma_start3A_179] : memref<5000x2x64xi32, #tpu.memory_space<hbm>> -> memref<1x2x64xi32, #tpu.memory_space<hbm>>
        %dma_start3A_181 = tpu.memref_squeeze %dma_start3A_180 : memref<1x2x64xi32, #tpu.memory_space<hbm>> -> memref<2x64xi32, #tpu.memory_space<hbm>>
        %dma_start3A_182 = arith.constant 0 : i32
        %dma_start3A_183 = arith.constant 0 : i32
        %dma_start3A_184 = tpu.memref_slice %arg2[%add3A_178, %dma_start3A_182, %dma_start3A_183] : memref<5000x2x64xi32, #tpu.memory_space<hbm>> -> memref<1x2x64xi32, #tpu.memory_space<hbm>>
        %dma_start3A_185 = tpu.memref_squeeze %dma_start3A_184 : memref<1x2x64xi32, #tpu.memory_space<hbm>> -> memref<2x64xi32, #tpu.memory_space<hbm>>
        tpu.enqueue_dma source(%dma_start3A_185 : memref<2x64xi32, #tpu.memory_space<hbm>>) target(%arg5 : memref<2x64xi32, #tpu.memory_space<vmem>>) target_semaphore(%arg19 : memref<!tpu.dma_semaphore, #tpu.memory_space<semaphore_mem>>)
      } else {
      }
      %mul3A_120 = arith.constant 32 : i32
      %mul3A_121 = arith.muli %mul3A_81, %mul3A_120 : i32
      %add3A_122 = arith.addi %mul3A_121, %add3A : i32
      %lt3A_123 = arith.constant 5000 : i32
      %lt3A_124 = arith.cmpi slt, %add3A_122, %lt3A_123 : i32
      %convert_element_type3A_125 = arith.extui %lt3A_124 : i1 to i32
      %cond3A_126 = arith.constant 0 : i32
      %cond3A_127 = arith.cmpi ne, %convert_element_type3A_125, %cond3A_126 : i32
      scf.if %cond3A_127 {
        %ge3A = arith.constant 2 : i32
        %ge3A_176 = arith.cmpi sge, %mul3A_81, %ge3A : i32
        %convert_element_type3A_177 = arith.extui %ge3A_176 : i1 to i32
        %cond3A_178 = arith.constant 0 : i32
        %cond3A_179 = arith.cmpi ne, %convert_element_type3A_177, %cond3A_178 : i32
        scf.if %cond3A_179 {
          %dma_wait3A = arith.constant 0 : i32
          %dma_wait3A_189 = tpu.memref_slice %arg4[%dma_wait3A] : memref<320000xf32, #tpu.memory_space<hbm>> -> memref<64xf32, #tpu.memory_space<hbm>>
          %dma_wait3A_190 = arith.constant 0 : i32
          %dma_wait3A_191 = tpu.memref_slice %arg4[%dma_wait3A_190] : memref<320000xf32, #tpu.memory_space<hbm>> -> memref<64xf32, #tpu.memory_space<hbm>>
          tpu.wait_dma2 semaphore(%arg21 : memref<!tpu.dma_semaphore, #tpu.memory_space<semaphore_mem>>) src(%arg11 : memref<64xf32, #tpu.memory_space<vmem>>) dst(%dma_wait3A_191 : memref<64xf32, #tpu.memory_space<hbm>>)
        } else {
        }
        %scan3A_180 = arith.constant 0 : i32
        %scan3A_181 = arith.constant 0 : i32
        %scan3A_182 = arith.constant 4 : i32
        %scan3A_183 = arith.addi %scan3A_181, %scan3A_182 : i32
        %scan3A_184 = arith.constant 1 : i32
        scf.for %scan3A_189 = %scan3A_181 to %scan3A_183 step %scan3A_184  : i32 {
          %mul3A_190 = arith.constant 16 : i32
          %mul3A_191 = arith.muli %scan3A_189, %mul3A_190 : i32
          %add3A_192 = vector.broadcast %mul3A_191 : i32 to vector<16xi32>
          %add3A_193 = arith.addi %add3A_192, %iota3A : vector<16xi32>
          %mul3A_194 = arith.constant 16 : i32
          %mul3A_195 = arith.muli %scan3A_189, %mul3A_194 : i32
          %get3A = arith.index_cast %mul3A_195 : i32 to index
          %get3A_196 = arith.constant 0 : index
          %get3A_197 = tpu.vector_load %arg7[%get3A, %get3A_196] {strides = array<i32>} : memref<64x128xf32, #tpu.memory_space<vmem>>, vector<16xf32>,
          %get3A_198 = arith.index_cast %mul3A_195 : i32 to index
          %get3A_199 = arith.constant 16 : index
          %get3A_200 = tpu.vector_load %arg7[%get3A_198, %get3A_199] {strides = array<i32>} : memref<64x128xf32, #tpu.memory_space<vmem>>, vector<16xf32>,
          %get3A_201 = arith.index_cast %mul3A_195 : i32 to index
          %get3A_202 = arith.constant 32 : index
          %get3A_203 = tpu.vector_load %arg7[%get3A_201, %get3A_202] {strides = array<i32>} : memref<64x128xf32, #tpu.memory_space<vmem>>, vector<16xf32>,
          %get3A_204 = arith.index_cast %mul3A_195 : i32 to index
          %get3A_205 = arith.constant 48 : index
          %get3A_206 = tpu.vector_load %arg7[%get3A_204, %get3A_205] {strides = array<i32>} : memref<64x128xf32, #tpu.memory_space<vmem>>, vector<16xf32>,
          %get3A_207 = arith.index_cast %mul3A_195 : i32 to index
          %get3A_208 = arith.constant 64 : index
          %get3A_209 = tpu.vector_load %arg7[%get3A_207, %get3A_208] {strides = array<i32>} : memref<64x128xf32, #tpu.memory_space<vmem>>, vector<16xf32>,
          %get3A_210 = arith.index_cast %mul3A_195 : i32 to index
          %get3A_211 = arith.constant 80 : index
          %get3A_212 = tpu.vector_load %arg7[%get3A_210, %get3A_211] {strides = array<i32>} : memref<64x128xf32, #tpu.memory_space<vmem>>, vector<16xf32>,
          %get3A_213 = arith.index_cast %mul3A_195 : i32 to index
          %get3A_214 = arith.constant 96 : index
          %get3A_215 = tpu.vector_load %arg7[%get3A_213, %get3A_214] {strides = array<i32>} : memref<64x128xf32, #tpu.memory_space<vmem>>, vector<16xf32>,
          %get3A_216 = arith.index_cast %mul3A_195 : i32 to index
          %get3A_217 = arith.constant 112 : index
          %get3A_218 = tpu.vector_load %arg7[%get3A_216, %get3A_217] {strides = array<i32>} : memref<64x128xf32, #tpu.memory_space<vmem>>, vector<16xf32>,
          %get3A_219 = arith.index_cast %mul3A_195 : i32 to index
          %get3A_220 = arith.constant 0 : index
          %get3A_221 = tpu.vector_load %arg9[%get3A_219, %get3A_220] {strides = array<i32>} : memref<64x128xf32, #tpu.memory_space<vmem>>, vector<16xf32>,
          %get3A_222 = arith.index_cast %mul3A_195 : i32 to index
          %get3A_223 = arith.constant 16 : index
          %get3A_224 = tpu.vector_load %arg9[%get3A_222, %get3A_223] {strides = array<i32>} : memref<64x128xf32, #tpu.memory_space<vmem>>, vector<16xf32>,
          %get3A_225 = arith.index_cast %mul3A_195 : i32 to index
          %get3A_226 = arith.constant 32 : index
          %get3A_227 = tpu.vector_load %arg9[%get3A_225, %get3A_226] {strides = array<i32>} : memref<64x128xf32, #tpu.memory_space<vmem>>, vector<16xf32>,
          %get3A_228 = arith.index_cast %mul3A_195 : i32 to index
          %get3A_229 = arith.constant 48 : index
          %get3A_230 = tpu.vector_load %arg9[%get3A_228, %get3A_229] {strides = array<i32>} : memref<64x128xf32, #tpu.memory_space<vmem>>, vector<16xf32>,
          %get3A_231 = arith.index_cast %mul3A_195 : i32 to index
          %get3A_232 = arith.constant 64 : index
          %get3A_233 = tpu.vector_load %arg9[%get3A_231, %get3A_232] {strides = array<i32>} : memref<64x128xf32, #tpu.memory_space<vmem>>, vector<16xf32>,
          %get3A_234 = arith.index_cast %mul3A_195 : i32 to index
          %get3A_235 = arith.constant 80 : index
          %get3A_236 = tpu.vector_load %arg9[%get3A_234, %get3A_235] {strides = array<i32>} : memref<64x128xf32, #tpu.memory_space<vmem>>, vector<16xf32>,
          %get3A_237 = arith.index_cast %mul3A_195 : i32 to index
          %get3A_238 = arith.constant 96 : index
          %get3A_239 = tpu.vector_load %arg9[%get3A_237, %get3A_238] {strides = array<i32>} : memref<64x128xf32, #tpu.memory_space<vmem>>, vector<16xf32>,
          %get3A_240 = arith.index_cast %mul3A_195 : i32 to index
          %get3A_241 = arith.constant 112 : index
          %get3A_242 = tpu.vector_load %arg9[%get3A_240, %get3A_241] {strides = array<i32>} : memref<64x128xf32, #tpu.memory_space<vmem>>, vector<16xf32>,
          %mul3A_243 = arith.constant 16 : i32
          %mul3A_244 = arith.muli %scan3A_189, %mul3A_243 : i32
          %add3A_245 = arith.constant 0 : i32
          %add3A_246 = arith.addi %mul3A_244, %add3A_245 : i32
          %add3A_247 = arith.constant 1 : i32
          %add3A_248 = arith.addi %add3A_246, %add3A_247 : i32
          %get3A_249 = arith.index_cast %add3A_248 : i32 to index
          %get3A_250 = arith.constant 0 : index
          %get3A_251 = tpu.vector_load %arg7[%get3A_249, %get3A_250] {strides = array<i32>} : memref<64x128xf32, #tpu.memory_space<vmem>>, vector<16xf32>,
          %get3A_252 = arith.index_cast %add3A_248 : i32 to index
          %get3A_253 = arith.constant 16 : index
          %get3A_254 = tpu.vector_load %arg7[%get3A_252, %get3A_253] {strides = array<i32>} : memref<64x128xf32, #tpu.memory_space<vmem>>, vector<16xf32>,
          %get3A_255 = arith.index_cast %add3A_248 : i32 to index
          %get3A_256 = arith.constant 32 : index
          %get3A_257 = tpu.vector_load %arg7[%get3A_255, %get3A_256] {strides = array<i32>} : memref<64x128xf32, #tpu.memory_space<vmem>>, vector<16xf32>,
          %get3A_258 = arith.index_cast %add3A_248 : i32 to index
          %get3A_259 = arith.constant 48 : index
          %get3A_260 = tpu.vector_load %arg7[%get3A_258, %get3A_259] {strides = array<i32>} : memref<64x128xf32, #tpu.memory_space<vmem>>, vector<16xf32>,
          %get3A_261 = arith.index_cast %add3A_248 : i32 to index
          %get3A_262 = arith.constant 64 : index
          %get3A_263 = tpu.vector_load %arg7[%get3A_261, %get3A_262] {strides = array<i32>} : memref<64x128xf32, #tpu.memory_space<vmem>>, vector<16xf32>,
          %get3A_264 = arith.index_cast %add3A_248 : i32 to index
          %get3A_265 = arith.constant 80 : index
          %get3A_266 = tpu.vector_load %arg7[%get3A_264, %get3A_265] {strides = array<i32>} : memref<64x128xf32, #tpu.memory_space<vmem>>, vector<16xf32>,
          %get3A_267 = arith.index_cast %add3A_248 : i32 to index
          %get3A_268 = arith.constant 96 : index
          %get3A_269 = tpu.vector_load %arg7[%get3A_267, %get3A_268] {strides = array<i32>} : memref<64x128xf32, #tpu.memory_space<vmem>>, vector<16xf32>,
          %get3A_270 = arith.index_cast %add3A_248 : i32 to index
          %get3A_271 = arith.constant 112 : index
          %get3A_272 = tpu.vector_load %arg7[%get3A_270, %get3A_271] {strides = array<i32>} : memref<64x128xf32, #tpu.memory_space<vmem>>, vector<16xf32>,
          %get3A_273 = arith.index_cast %add3A_248 : i32 to index
          %get3A_274 = arith.constant 0 : index
          %get3A_275 = tpu.vector_load %arg9[%get3A_273, %get3A_274] {strides = array<i32>} : memref<64x128xf32, #tpu.memory_space<vmem>>, vector<16xf32>,
          %get3A_276 = arith.index_cast %add3A_248 : i32 to index
          %get3A_277 = arith.constant 16 : index
          %get3A_278 = tpu.vector_load %arg9[%get3A_276, %get3A_277] {strides = array<i32>} : memref<64x128xf32, #tpu.memory_space<vmem>>, vector<16xf32>,
          %get3A_279 = arith.index_cast %add3A_248 : i32 to index
          %get3A_280 = arith.constant 32 : index
          %get3A_281 = tpu.vector_load %arg9[%get3A_279, %get3A_280] {strides = array<i32>} : memref<64x128xf32, #tpu.memory_space<vmem>>, vector<16xf32>,
          %get3A_282 = arith.index_cast %add3A_248 : i32 to index
          %get3A_283 = arith.constant 48 : index
          %get3A_284 = tpu.vector_load %arg9[%get3A_282, %get3A_283] {strides = array<i32>} : memref<64x128xf32, #tpu.memory_space<vmem>>, vector<16xf32>,
          %get3A_285 = arith.index_cast %add3A_248 : i32 to index
          %get3A_286 = arith.constant 64 : index
          %get3A_287 = tpu.vector_load %arg9[%get3A_285, %get3A_286] {strides = array<i32>} : memref<64x128xf32, #tpu.memory_space<vmem>>, vector<16xf32>,
          %get3A_288 = arith.index_cast %add3A_248 : i32 to index
          %get3A_289 = arith.constant 80 : index
          %get3A_290 = tpu.vector_load %arg9[%get3A_288, %get3A_289] {strides = array<i32>} : memref<64x128xf32, #tpu.memory_space<vmem>>, vector<16xf32>,
          %get3A_291 = arith.index_cast %add3A_248 : i32 to index
          %get3A_292 = arith.constant 96 : index
          %get3A_293 = tpu.vector_load %arg9[%get3A_291, %get3A_292] {strides = array<i32>} : memref<64x128xf32, #tpu.memory_space<vmem>>, vector<16xf32>,
          %get3A_294 = arith.index_cast %add3A_248 : i32 to index
          %get3A_295 = arith.constant 112 : index
          %get3A_296 = tpu.vector_load %arg9[%get3A_294, %get3A_295] {strides = array<i32>} : memref<64x128xf32, #tpu.memory_space<vmem>>, vector<16xf32>,
          %mul3A_297 = arith.mulf %get3A_197, %get3A_221 : vector<16xf32>
          %mul3A_298 = arith.mulf %get3A_200, %get3A_224 : vector<16xf32>
          %mul3A_299 = arith.mulf %get3A_203, %get3A_227 : vector<16xf32>
          %mul3A_300 = arith.mulf %get3A_206, %get3A_230 : vector<16xf32>
          %mul3A_301 = arith.mulf %get3A_209, %get3A_233 : vector<16xf32>
          %mul3A_302 = arith.mulf %get3A_212, %get3A_236 : vector<16xf32>
          %mul3A_303 = arith.mulf %get3A_215, %get3A_239 : vector<16xf32>
          %mul3A_304 = arith.mulf %get3A_218, %get3A_242 : vector<16xf32>
          %add3A_305 = arith.addf %mul3A_297, %mul3A_298 : vector<16xf32>
          %add3A_306 = arith.addf %mul3A_299, %mul3A_300 : vector<16xf32>
          %add3A_307 = arith.addf %mul3A_301, %mul3A_302 : vector<16xf32>
          %add3A_308 = arith.addf %mul3A_303, %mul3A_304 : vector<16xf32>
          %add3A_309 = arith.addf %add3A_305, %add3A_306 : vector<16xf32>
          %add3A_310 = arith.addf %add3A_307, %add3A_308 : vector<16xf32>
          %add3A_311 = arith.addf %add3A_309, %add3A_310 : vector<16xf32>
          %swap3A = arith.constant 0 : i32
          %swap3A_312 = arith.index_cast %swap3A : i32 to index
          %swap3A_313 = arith.constant 0 : index
          %swap3A_314 = tpu.vector_load %arg13[%swap3A_312, %swap3A_313] {strides = array<i32>} : memref<16x17xf32, #tpu.memory_space<vmem>>, vector<16xf32>,
          tpu.vector_store %arg13[%swap3A_312, %swap3A_313], %add3A_311 {strides = array<i32>} : memref<16x17xf32, #tpu.memory_space<vmem>>, vector<16xf32>,
          %mul3A_315 = arith.constant 16 : i32
          %mul3A_316 = arith.muli %scan3A_189, %mul3A_315 : i32
          %add3A_317 = arith.constant 1 : i32
          %add3A_318 = arith.addi %mul3A_316, %add3A_317 : i32
          %add3A_319 = arith.constant 1 : i32
          %add3A_320 = arith.addi %add3A_318, %add3A_319 : i32
          %get3A_321 = arith.index_cast %add3A_320 : i32 to index
          %get3A_322 = arith.constant 0 : index
          %get3A_323 = tpu.vector_load %arg7[%get3A_321, %get3A_322] {strides = array<i32>} : memref<64x128xf32, #tpu.memory_space<vmem>>, vector<16xf32>,
          %get3A_324 = arith.index_cast %add3A_320 : i32 to index
          %get3A_325 = arith.constant 16 : index
          %get3A_326 = tpu.vector_load %arg7[%get3A_324, %get3A_325] {strides = array<i32>} : memref<64x128xf32, #tpu.memory_space<vmem>>, vector<16xf32>,
          %get3A_327 = arith.index_cast %add3A_320 : i32 to index
          %get3A_328 = arith.constant 32 : index
          %get3A_329 = tpu.vector_load %arg7[%get3A_327, %get3A_328] {strides = array<i32>} : memref<64x128xf32, #tpu.memory_space<vmem>>, vector<16xf32>,
          %get3A_330 = arith.index_cast %add3A_320 : i32 to index
          %get3A_331 = arith.constant 48 : index
          %get3A_332 = tpu.vector_load %arg7[%get3A_330, %get3A_331] {strides = array<i32>} : memref<64x128xf32, #tpu.memory_space<vmem>>, vector<16xf32>,
          %get3A_333 = arith.index_cast %add3A_320 : i32 to index
          %get3A_334 = arith.constant 64 : index
          %get3A_335 = tpu.vector_load %arg7[%get3A_333, %get3A_334] {strides = array<i32>} : memref<64x128xf32, #tpu.memory_space<vmem>>, vector<16xf32>,
          %get3A_336 = arith.index_cast %add3A_320 : i32 to index
          %get3A_337 = arith.constant 80 : index
          %get3A_338 = tpu.vector_load %arg7[%get3A_336, %get3A_337] {strides = array<i32>} : memref<64x128xf32, #tpu.memory_space<vmem>>, vector<16xf32>,
          %get3A_339 = arith.index_cast %add3A_320 : i32 to index
          %get3A_340 = arith.constant 96 : index
          %get3A_341 = tpu.vector_load %arg7[%get3A_339, %get3A_340] {strides = array<i32>} : memref<64x128xf32, #tpu.memory_space<vmem>>, vector<16xf32>,
          %get3A_342 = arith.index_cast %add3A_320 : i32 to index
          %get3A_343 = arith.constant 112 : index
          %get3A_344 = tpu.vector_load %arg7[%get3A_342, %get3A_343] {strides = array<i32>} : memref<64x128xf32, #tpu.memory_space<vmem>>, vector<16xf32>,
          %get3A_345 = arith.index_cast %add3A_320 : i32 to index
          %get3A_346 = arith.constant 0 : index
          %get3A_347 = tpu.vector_load %arg9[%get3A_345, %get3A_346] {strides = array<i32>} : memref<64x128xf32, #tpu.memory_space<vmem>>, vector<16xf32>,
          %get3A_348 = arith.index_cast %add3A_320 : i32 to index
          %get3A_349 = arith.constant 16 : index
          %get3A_350 = tpu.vector_load %arg9[%get3A_348, %get3A_349] {strides = array<i32>} : memref<64x128xf32, #tpu.memory_space<vmem>>, vector<16xf32>,
          %get3A_351 = arith.index_cast %add3A_320 : i32 to index
          %get3A_352 = arith.constant 32 : index
          %get3A_353 = tpu.vector_load %arg9[%get3A_351, %get3A_352] {strides = array<i32>} : memref<64x128xf32, #tpu.memory_space<vmem>>, vector<16xf32>,
          %get3A_354 = arith.index_cast %add3A_320 : i32 to index
          %get3A_355 = arith.constant 48 : index
          %get3A_356 = tpu.vector_load %arg9[%get3A_354, %get3A_355] {strides = array<i32>} : memref<64x128xf32, #tpu.memory_space<vmem>>, vector<16xf32>,
          %get3A_357 = arith.index_cast %add3A_320 : i32 to index
          %get3A_358 = arith.constant 64 : index
          %get3A_359 = tpu.vector_load %arg9[%get3A_357, %get3A_358] {strides = array<i32>} : memref<64x128xf32, #tpu.memory_space<vmem>>, vector<16xf32>,
          %get3A_360 = arith.index_cast %add3A_320 : i32 to index
          %get3A_361 = arith.constant 80 : index
          %get3A_362 = tpu.vector_load %arg9[%get3A_360, %get3A_361] {strides = array<i32>} : memref<64x128xf32, #tpu.memory_space<vmem>>, vector<16xf32>,
          %get3A_363 = arith.index_cast %add3A_320 : i32 to index
          %get3A_364 = arith.constant 96 : index
          %get3A_365 = tpu.vector_load %arg9[%get3A_363, %get3A_364] {strides = array<i32>} : memref<64x128xf32, #tpu.memory_space<vmem>>, vector<16xf32>,
          %get3A_366 = arith.index_cast %add3A_320 : i32 to index
          %get3A_367 = arith.constant 112 : index
          %get3A_368 = tpu.vector_load %arg9[%get3A_366, %get3A_367] {strides = array<i32>} : memref<64x128xf32, #tpu.memory_space<vmem>>, vector<16xf32>,
          %mul3A_369 = arith.mulf %get3A_251, %get3A_275 : vector<16xf32>
          %mul3A_370 = arith.mulf %get3A_254, %get3A_278 : vector<16xf32>
          %mul3A_371 = arith.mulf %get3A_257, %get3A_281 : vector<16xf32>
          %mul3A_372 = arith.mulf %get3A_260, %get3A_284 : vector<16xf32>
          %mul3A_373 = arith.mulf %get3A_263, %get3A_287 : vector<16xf32>
          %mul3A_374 = arith.mulf %get3A_266, %get3A_290 : vector<16xf32>
          %mul3A_375 = arith.mulf %get3A_269, %get3A_293 : vector<16xf32>
          %mul3A_376 = arith.mulf %get3A_272, %get3A_296 : vector<16xf32>
          %add3A_377 = arith.addf %mul3A_369, %mul3A_370 : vector<16xf32>
          %add3A_378 = arith.addf %mul3A_371, %mul3A_372 : vector<16xf32>
          %add3A_379 = arith.addf %mul3A_373, %mul3A_374 : vector<16xf32>
          %add3A_380 = arith.addf %mul3A_375, %mul3A_376 : vector<16xf32>
          %add3A_381 = arith.addf %add3A_377, %add3A_378 : vector<16xf32>
          %add3A_382 = arith.addf %add3A_379, %add3A_380 : vector<16xf32>
          %add3A_383 = arith.addf %add3A_381, %add3A_382 : vector<16xf32>
          %swap3A_384 = arith.constant 1 : i32
          %swap3A_385 = arith.index_cast %swap3A_384 : i32 to index
          %swap3A_386 = arith.constant 0 : index
          %swap3A_387 = tpu.vector_load %arg13[%swap3A_385, %swap3A_386] {strides = array<i32>} : memref<16x17xf32, #tpu.memory_space<vmem>>, vector<16xf32>,
          tpu.vector_store %arg13[%swap3A_385, %swap3A_386], %add3A_383 {strides = array<i32>} : memref<16x17xf32, #tpu.memory_space<vmem>>, vector<16xf32>,
          %mul3A_388 = arith.constant 16 : i32
          %mul3A_389 = arith.muli %scan3A_189, %mul3A_388 : i32
          %add3A_390 = arith.constant 2 : i32
          %add3A_391 = arith.addi %mul3A_389, %add3A_390 : i32
          %add3A_392 = arith.constant 1 : i32
          %add3A_393 = arith.addi %add3A_391, %add3A_392 : i32
          %get3A_394 = arith.index_cast %add3A_393 : i32 to index
          %get3A_395 = arith.constant 0 : index
          %get3A_396 = tpu.vector_load %arg7[%get3A_394, %get3A_395] {strides = array<i32>} : memref<64x128xf32, #tpu.memory_space<vmem>>, vector<16xf32>,
          %get3A_397 = arith.index_cast %add3A_393 : i32 to index
          %get3A_398 = arith.constant 16 : index
          %get3A_399 = tpu.vector_load %arg7[%get3A_397, %get3A_398] {strides = array<i32>} : memref<64x128xf32, #tpu.memory_space<vmem>>, vector<16xf32>,
          %get3A_400 = arith.index_cast %add3A_393 : i32 to index
          %get3A_401 = arith.constant 32 : index
          %get3A_402 = tpu.vector_load %arg7[%get3A_400, %get3A_401] {strides = array<i32>} : memref<64x128xf32, #tpu.memory_space<vmem>>, vector<16xf32>,
          %get3A_403 = arith.index_cast %add3A_393 : i32 to index
          %get3A_404 = arith.constant 48 : index
          %get3A_405 = tpu.vector_load %arg7[%get3A_403, %get3A_404] {strides = array<i32>} : memref<64x128xf32, #tpu.memory_space<vmem>>, vector<16xf32>,
          %get3A_406 = arith.index_cast %add3A_393 : i32 to index
          %get3A_407 = arith.constant 64 : index
          %get3A_408 = tpu.vector_load %arg7[%get3A_406, %get3A_407] {strides = array<i32>} : memref<64x128xf32, #tpu.memory_space<vmem>>, vector<16xf32>,
          %get3A_409 = arith.index_cast %add3A_393 : i32 to index
          %get3A_410 = arith.constant 80 : index
          %get3A_411 = tpu.vector_load %arg7[%get3A_409, %get3A_410] {strides = array<i32>} : memref<64x128xf32, #tpu.memory_space<vmem>>, vector<16xf32>,
          %get3A_412 = arith.index_cast %add3A_393 : i32 to index
          %get3A_413 = arith.constant 96 : index
          %get3A_414 = tpu.vector_load %arg7[%get3A_412, %get3A_413] {strides = array<i32>} : memref<64x128xf32, #tpu.memory_space<vmem>>, vector<16xf32>,
          %get3A_415 = arith.index_cast %add3A_393 : i32 to index
          %get3A_416 = arith.constant 112 : index
          %get3A_417 = tpu.vector_load %arg7[%get3A_415, %get3A_416] {strides = array<i32>} : memref<64x128xf32, #tpu.memory_space<vmem>>, vector<16xf32>,
          %get3A_418 = arith.index_cast %add3A_393 : i32 to index
          %get3A_419 = arith.constant 0 : index
          %get3A_420 = tpu.vector_load %arg9[%get3A_418, %get3A_419] {strides = array<i32>} : memref<64x128xf32, #tpu.memory_space<vmem>>, vector<16xf32>,
          %get3A_421 = arith.index_cast %add3A_393 : i32 to index
          %get3A_422 = arith.constant 16 : index
          %get3A_423 = tpu.vector_load %arg9[%get3A_421, %get3A_422] {strides = array<i32>} : memref<64x128xf32, #tpu.memory_space<vmem>>, vector<16xf32>,
          %get3A_424 = arith.index_cast %add3A_393 : i32 to index
          %get3A_425 = arith.constant 32 : index
          %get3A_426 = tpu.vector_load %arg9[%get3A_424, %get3A_425] {strides = array<i32>} : memref<64x128xf32, #tpu.memory_space<vmem>>, vector<16xf32>,
          %get3A_427 = arith.index_cast %add3A_393 : i32 to index
          %get3A_428 = arith.constant 48 : index
          %get3A_429 = tpu.vector_load %arg9[%get3A_427, %get3A_428] {strides = array<i32>} : memref<64x128xf32, #tpu.memory_space<vmem>>, vector<16xf32>,
          %get3A_430 = arith.index_cast %add3A_393 : i32 to index
          %get3A_431 = arith.constant 64 : index
          %get3A_432 = tpu.vector_load %arg9[%get3A_430, %get3A_431] {strides = array<i32>} : memref<64x128xf32, #tpu.memory_space<vmem>>, vector<16xf32>,
          %get3A_433 = arith.index_cast %add3A_393 : i32 to index
          %get3A_434 = arith.constant 80 : index
          %get3A_435 = tpu.vector_load %arg9[%get3A_433, %get3A_434] {strides = array<i32>} : memref<64x128xf32, #tpu.memory_space<vmem>>, vector<16xf32>,
          %get3A_436 = arith.index_cast %add3A_393 : i32 to index
          %get3A_437 = arith.constant 96 : index
          %get3A_438 = tpu.vector_load %arg9[%get3A_436, %get3A_437] {strides = array<i32>} : memref<64x128xf32, #tpu.memory_space<vmem>>, vector<16xf32>,
          %get3A_439 = arith.index_cast %add3A_393 : i32 to index
          %get3A_440 = arith.constant 112 : index
          %get3A_441 = tpu.vector_load %arg9[%get3A_439, %get3A_440] {strides = array<i32>} : memref<64x128xf32, #tpu.memory_space<vmem>>, vector<16xf32>,
          %mul3A_442 = arith.mulf %get3A_323, %get3A_347 : vector<16xf32>
          %mul3A_443 = arith.mulf %get3A_326, %get3A_350 : vector<16xf32>
          %mul3A_444 = arith.mulf %get3A_329, %get3A_353 : vector<16xf32>
          %mul3A_445 = arith.mulf %get3A_332, %get3A_356 : vector<16xf32>
          %mul3A_446 = arith.mulf %get3A_335, %get3A_359 : vector<16xf32>
          %mul3A_447 = arith.mulf %get3A_338, %get3A_362 : vector<16xf32>
          %mul3A_448 = arith.mulf %get3A_341, %get3A_365 : vector<16xf32>
          %mul3A_449 = arith.mulf %get3A_344, %get3A_368 : vector<16xf32>
          %add3A_450 = arith.addf %mul3A_442, %mul3A_443 : vector<16xf32>
          %add3A_451 = arith.addf %mul3A_444, %mul3A_445 : vector<16xf32>
          %add3A_452 = arith.addf %mul3A_446, %mul3A_447 : vector<16xf32>
          %add3A_453 = arith.addf %mul3A_448, %mul3A_449 : vector<16xf32>
          %add3A_454 = arith.addf %add3A_450, %add3A_451 : vector<16xf32>
          %add3A_455 = arith.addf %add3A_452, %add3A_453 : vector<16xf32>
          %add3A_456 = arith.addf %add3A_454, %add3A_455 : vector<16xf32>
          %swap3A_457 = arith.constant 2 : i32
          %swap3A_458 = arith.index_cast %swap3A_457 : i32 to index
          %swap3A_459 = arith.constant 0 : index
          %swap3A_460 = tpu.vector_load %arg13[%swap3A_458, %swap3A_459] {strides = array<i32>} : memref<16x17xf32, #tpu.memory_space<vmem>>, vector<16xf32>,
          tpu.vector_store %arg13[%swap3A_458, %swap3A_459], %add3A_456 {strides = array<i32>} : memref<16x17xf32, #tpu.memory_space<vmem>>, vector<16xf32>,
          %mul3A_461 = arith.constant 16 : i32
          %mul3A_462 = arith.muli %scan3A_189, %mul3A_461 : i32
          %add3A_463 = arith.constant 3 : i32
          %add3A_464 = arith.addi %mul3A_462, %add3A_463 : i32
          %add3A_465 = arith.constant 1 : i32
          %add3A_466 = arith.addi %add3A_464, %add3A_465 : i32
          %get3A_467 = arith.index_cast %add3A_466 : i32 to index
          %get3A_468 = arith.constant 0 : index
          %get3A_469 = tpu.vector_load %arg7[%get3A_467, %get3A_468] {strides = array<i32>} : memref<64x128xf32, #tpu.memory_space<vmem>>, vector<16xf32>,
          %get3A_470 = arith.index_cast %add3A_466 : i32 to index
          %get3A_471 = arith.constant 16 : index
          %get3A_472 = tpu.vector_load %arg7[%get3A_470, %get3A_471] {strides = array<i32>} : memref<64x128xf32, #tpu.memory_space<vmem>>, vector<16xf32>,
          %get3A_473 = arith.index_cast %add3A_466 : i32 to index
          %get3A_474 = arith.constant 32 : index
          %get3A_475 = tpu.vector_load %arg7[%get3A_473, %get3A_474] {strides = array<i32>} : memref<64x128xf32, #tpu.memory_space<vmem>>, vector<16xf32>,
          %get3A_476 = arith.index_cast %add3A_466 : i32 to index
          %get3A_477 = arith.constant 48 : index
          %get3A_478 = tpu.vector_load %arg7[%get3A_476, %get3A_477] {strides = array<i32>} : memref<64x128xf32, #tpu.memory_space<vmem>>, vector<16xf32>,
          %get3A_479 = arith.index_cast %add3A_466 : i32 to index
          %get3A_480 = arith.constant 64 : index
          %get3A_481 = tpu.vector_load %arg7[%get3A_479, %get3A_480] {strides = array<i32>} : memref<64x128xf32, #tpu.memory_space<vmem>>, vector<16xf32>,
          %get3A_482 = arith.index_cast %add3A_466 : i32 to index
          %get3A_483 = arith.constant 80 : index
          %get3A_484 = tpu.vector_load %arg7[%get3A_482, %get3A_483] {strides = array<i32>} : memref<64x128xf32, #tpu.memory_space<vmem>>, vector<16xf32>,
          %get3A_485 = arith.index_cast %add3A_466 : i32 to index
          %get3A_486 = arith.constant 96 : index
          %get3A_487 = tpu.vector_load %arg7[%get3A_485, %get3A_486] {strides = array<i32>} : memref<64x128xf32, #tpu.memory_space<vmem>>, vector<16xf32>,
          %get3A_488 = arith.index_cast %add3A_466 : i32 to index
          %get3A_489 = arith.constant 112 : index
          %get3A_490 = tpu.vector_load %arg7[%get3A_488, %get3A_489] {strides = array<i32>} : memref<64x128xf32, #tpu.memory_space<vmem>>, vector<16xf32>,
          %get3A_491 = arith.index_cast %add3A_466 : i32 to index
          %get3A_492 = arith.constant 0 : index
          %get3A_493 = tpu.vector_load %arg9[%get3A_491, %get3A_492] {strides = array<i32>} : memref<64x128xf32, #tpu.memory_space<vmem>>, vector<16xf32>,
          %get3A_494 = arith.index_cast %add3A_466 : i32 to index
          %get3A_495 = arith.constant 16 : index
          %get3A_496 = tpu.vector_load %arg9[%get3A_494, %get3A_495] {strides = array<i32>} : memref<64x128xf32, #tpu.memory_space<vmem>>, vector<16xf32>,
          %get3A_497 = arith.index_cast %add3A_466 : i32 to index
          %get3A_498 = arith.constant 32 : index
          %get3A_499 = tpu.vector_load %arg9[%get3A_497, %get3A_498] {strides = array<i32>} : memref<64x128xf32, #tpu.memory_space<vmem>>, vector<16xf32>,
          %get3A_500 = arith.index_cast %add3A_466 : i32 to index
          %get3A_501 = arith.constant 48 : index
          %get3A_502 = tpu.vector_load %arg9[%get3A_500, %get3A_501] {strides = array<i32>} : memref<64x128xf32, #tpu.memory_space<vmem>>, vector<16xf32>,
          %get3A_503 = arith.index_cast %add3A_466 : i32 to index
          %get3A_504 = arith.constant 64 : index
          %get3A_505 = tpu.vector_load %arg9[%get3A_503, %get3A_504] {strides = array<i32>} : memref<64x128xf32, #tpu.memory_space<vmem>>, vector<16xf32>,
          %get3A_506 = arith.index_cast %add3A_466 : i32 to index
          %get3A_507 = arith.constant 80 : index
          %get3A_508 = tpu.vector_load %arg9[%get3A_506, %get3A_507] {strides = array<i32>} : memref<64x128xf32, #tpu.memory_space<vmem>>, vector<16xf32>,
          %get3A_509 = arith.index_cast %add3A_466 : i32 to index
          %get3A_510 = arith.constant 96 : index
          %get3A_511 = tpu.vector_load %arg9[%get3A_509, %get3A_510] {strides = array<i32>} : memref<64x128xf32, #tpu.memory_space<vmem>>, vector<16xf32>,
          %get3A_512 = arith.index_cast %add3A_466 : i32 to index
          %get3A_513 = arith.constant 112 : index
          %get3A_514 = tpu.vector_load %arg9[%get3A_512, %get3A_513] {strides = array<i32>} : memref<64x128xf32, #tpu.memory_space<vmem>>, vector<16xf32>,
          %mul3A_515 = arith.mulf %get3A_396, %get3A_420 : vector<16xf32>
          %mul3A_516 = arith.mulf %get3A_399, %get3A_423 : vector<16xf32>
          %mul3A_517 = arith.mulf %get3A_402, %get3A_426 : vector<16xf32>
          %mul3A_518 = arith.mulf %get3A_405, %get3A_429 : vector<16xf32>
          %mul3A_519 = arith.mulf %get3A_408, %get3A_432 : vector<16xf32>
          %mul3A_520 = arith.mulf %get3A_411, %get3A_435 : vector<16xf32>
          %mul3A_521 = arith.mulf %get3A_414, %get3A_438 : vector<16xf32>
          %mul3A_522 = arith.mulf %get3A_417, %get3A_441 : vector<16xf32>
          %add3A_523 = arith.addf %mul3A_515, %mul3A_516 : vector<16xf32>
          %add3A_524 = arith.addf %mul3A_517, %mul3A_518 : vector<16xf32>
          %add3A_525 = arith.addf %mul3A_519, %mul3A_520 : vector<16xf32>
          %add3A_526 = arith.addf %mul3A_521, %mul3A_522 : vector<16xf32>
          %add3A_527 = arith.addf %add3A_523, %add3A_524 : vector<16xf32>
          %add3A_528 = arith.addf %add3A_525, %add3A_526 : vector<16xf32>
          %add3A_529 = arith.addf %add3A_527, %add3A_528 : vector<16xf32>
          %swap3A_530 = arith.constant 3 : i32
          %swap3A_531 = arith.index_cast %swap3A_530 : i32 to index
          %swap3A_532 = arith.constant 0 : index
          %swap3A_533 = tpu.vector_load %arg13[%swap3A_531, %swap3A_532] {strides = array<i32>} : memref<16x17xf32, #tpu.memory_space<vmem>>, vector<16xf32>,
          tpu.vector_store %arg13[%swap3A_531, %swap3A_532], %add3A_529 {strides = array<i32>} : memref<16x17xf32, #tpu.memory_space<vmem>>, vector<16xf32>,
          %mul3A_534 = arith.constant 16 : i32
          %mul3A_535 = arith.muli %scan3A_189, %mul3A_534 : i32
          %add3A_536 = arith.constant 4 : i32
          %add3A_537 = arith.addi %mul3A_535, %add3A_536 : i32
          %add3A_538 = arith.constant 1 : i32
          %add3A_539 = arith.addi %add3A_537, %add3A_538 : i32
          %get3A_540 = arith.index_cast %add3A_539 : i32 to index
          %get3A_541 = arith.constant 0 : index
          %get3A_542 = tpu.vector_load %arg7[%get3A_540, %get3A_541] {strides = array<i32>} : memref<64x128xf32, #tpu.memory_space<vmem>>, vector<16xf32>,
          %get3A_543 = arith.index_cast %add3A_539 : i32 to index
          %get3A_544 = arith.constant 16 : index
          %get3A_545 = tpu.vector_load %arg7[%get3A_543, %get3A_544] {strides = array<i32>} : memref<64x128xf32, #tpu.memory_space<vmem>>, vector<16xf32>,
          %get3A_546 = arith.index_cast %add3A_539 : i32 to index
          %get3A_547 = arith.constant 32 : index
          %get3A_548 = tpu.vector_load %arg7[%get3A_546, %get3A_547] {strides = array<i32>} : memref<64x128xf32, #tpu.memory_space<vmem>>, vector<16xf32>,
          %get3A_549 = arith.index_cast %add3A_539 : i32 to index
          %get3A_550 = arith.constant 48 : index
          %get3A_551 = tpu.vector_load %arg7[%get3A_549, %get3A_550] {strides = array<i32>} : memref<64x128xf32, #tpu.memory_space<vmem>>, vector<16xf32>,
          %get3A_552 = arith.index_cast %add3A_539 : i32 to index
          %get3A_553 = arith.constant 64 : index
          %get3A_554 = tpu.vector_load %arg7[%get3A_552, %get3A_553] {strides = array<i32>} : memref<64x128xf32, #tpu.memory_space<vmem>>, vector<16xf32>,
          %get3A_555 = arith.index_cast %add3A_539 : i32 to index
          %get3A_556 = arith.constant 80 : index
          %get3A_557 = tpu.vector_load %arg7[%get3A_555, %get3A_556] {strides = array<i32>} : memref<64x128xf32, #tpu.memory_space<vmem>>, vector<16xf32>,
          %get3A_558 = arith.index_cast %add3A_539 : i32 to index
          %get3A_559 = arith.constant 96 : index
          %get3A_560 = tpu.vector_load %arg7[%get3A_558, %get3A_559] {strides = array<i32>} : memref<64x128xf32, #tpu.memory_space<vmem>>, vector<16xf32>,
          %get3A_561 = arith.index_cast %add3A_539 : i32 to index
          %get3A_562 = arith.constant 112 : index
          %get3A_563 = tpu.vector_load %arg7[%get3A_561, %get3A_562] {strides = array<i32>} : memref<64x128xf32, #tpu.memory_space<vmem>>, vector<16xf32>,
          %get3A_564 = arith.index_cast %add3A_539 : i32 to index
          %get3A_565 = arith.constant 0 : index
          %get3A_566 = tpu.vector_load %arg9[%get3A_564, %get3A_565] {strides = array<i32>} : memref<64x128xf32, #tpu.memory_space<vmem>>, vector<16xf32>,
          %get3A_567 = arith.index_cast %add3A_539 : i32 to index
          %get3A_568 = arith.constant 16 : index
          %get3A_569 = tpu.vector_load %arg9[%get3A_567, %get3A_568] {strides = array<i32>} : memref<64x128xf32, #tpu.memory_space<vmem>>, vector<16xf32>,
          %get3A_570 = arith.index_cast %add3A_539 : i32 to index
          %get3A_571 = arith.constant 32 : index
          %get3A_572 = tpu.vector_load %arg9[%get3A_570, %get3A_571] {strides = array<i32>} : memref<64x128xf32, #tpu.memory_space<vmem>>, vector<16xf32>,
          %get3A_573 = arith.index_cast %add3A_539 : i32 to index
          %get3A_574 = arith.constant 48 : index
          %get3A_575 = tpu.vector_load %arg9[%get3A_573, %get3A_574] {strides = array<i32>} : memref<64x128xf32, #tpu.memory_space<vmem>>, vector<16xf32>,
          %get3A_576 = arith.index_cast %add3A_539 : i32 to index
          %get3A_577 = arith.constant 64 : index
          %get3A_578 = tpu.vector_load %arg9[%get3A_576, %get3A_577] {strides = array<i32>} : memref<64x128xf32, #tpu.memory_space<vmem>>, vector<16xf32>,
          %get3A_579 = arith.index_cast %add3A_539 : i32 to index
          %get3A_580 = arith.constant 80 : index
          %get3A_581 = tpu.vector_load %arg9[%get3A_579, %get3A_580] {strides = array<i32>} : memref<64x128xf32, #tpu.memory_space<vmem>>, vector<16xf32>,
          %get3A_582 = arith.index_cast %add3A_539 : i32 to index
          %get3A_583 = arith.constant 96 : index
          %get3A_584 = tpu.vector_load %arg9[%get3A_582, %get3A_583] {strides = array<i32>} : memref<64x128xf32, #tpu.memory_space<vmem>>, vector<16xf32>,
          %get3A_585 = arith.index_cast %add3A_539 : i32 to index
          %get3A_586 = arith.constant 112 : index
          %get3A_587 = tpu.vector_load %arg9[%get3A_585, %get3A_586] {strides = array<i32>} : memref<64x128xf32, #tpu.memory_space<vmem>>, vector<16xf32>,
          %mul3A_588 = arith.mulf %get3A_469, %get3A_493 : vector<16xf32>
          %mul3A_589 = arith.mulf %get3A_472, %get3A_496 : vector<16xf32>
          %mul3A_590 = arith.mulf %get3A_475, %get3A_499 : vector<16xf32>
          %mul3A_591 = arith.mulf %get3A_478, %get3A_502 : vector<16xf32>
          %mul3A_592 = arith.mulf %get3A_481, %get3A_505 : vector<16xf32>
          %mul3A_593 = arith.mulf %get3A_484, %get3A_508 : vector<16xf32>
          %mul3A_594 = arith.mulf %get3A_487, %get3A_511 : vector<16xf32>
          %mul3A_595 = arith.mulf %get3A_490, %get3A_514 : vector<16xf32>
          %add3A_596 = arith.addf %mul3A_588, %mul3A_589 : vector<16xf32>
          %add3A_597 = arith.addf %mul3A_590, %mul3A_591 : vector<16xf32>
          %add3A_598 = arith.addf %mul3A_592, %mul3A_593 : vector<16xf32>
          %add3A_599 = arith.addf %mul3A_594, %mul3A_595 : vector<16xf32>
          %add3A_600 = arith.addf %add3A_596, %add3A_597 : vector<16xf32>
          %add3A_601 = arith.addf %add3A_598, %add3A_599 : vector<16xf32>
          %add3A_602 = arith.addf %add3A_600, %add3A_601 : vector<16xf32>
          %swap3A_603 = arith.constant 4 : i32
          %swap3A_604 = arith.index_cast %swap3A_603 : i32 to index
          %swap3A_605 = arith.constant 0 : index
          %swap3A_606 = tpu.vector_load %arg13[%swap3A_604, %swap3A_605] {strides = array<i32>} : memref<16x17xf32, #tpu.memory_space<vmem>>, vector<16xf32>,
          tpu.vector_store %arg13[%swap3A_604, %swap3A_605], %add3A_602 {strides = array<i32>} : memref<16x17xf32, #tpu.memory_space<vmem>>, vector<16xf32>,
          %mul3A_607 = arith.constant 16 : i32
          %mul3A_608 = arith.muli %scan3A_189, %mul3A_607 : i32
          %add3A_609 = arith.constant 5 : i32
          %add3A_610 = arith.addi %mul3A_608, %add3A_609 : i32
          %add3A_611 = arith.constant 1 : i32
          %add3A_612 = arith.addi %add3A_610, %add3A_611 : i32
          %get3A_613 = arith.index_cast %add3A_612 : i32 to index
          %get3A_614 = arith.constant 0 : index
          %get3A_615 = tpu.vector_load %arg7[%get3A_613, %get3A_614] {strides = array<i32>} : memref<64x128xf32, #tpu.memory_space<vmem>>, vector<16xf32>,
          %get3A_616 = arith.index_cast %add3A_612 : i32 to index
          %get3A_617 = arith.constant 16 : index
          %get3A_618 = tpu.vector_load %arg7[%get3A_616, %get3A_617] {strides = array<i32>} : memref<64x128xf32, #tpu.memory_space<vmem>>, vector<16xf32>,
          %get3A_619 = arith.index_cast %add3A_612 : i32 to index
          %get3A_620 = arith.constant 32 : index
          %get3A_621 = tpu.vector_load %arg7[%get3A_619, %get3A_620] {strides = array<i32>} : memref<64x128xf32, #tpu.memory_space<vmem>>, vector<16xf32>,
          %get3A_622 = arith.index_cast %add3A_612 : i32 to index
          %get3A_623 = arith.constant 48 : index
          %get3A_624 = tpu.vector_load %arg7[%get3A_622, %get3A_623] {strides = array<i32>} : memref<64x128xf32, #tpu.memory_space<vmem>>, vector<16xf32>,
          %get3A_625 = arith.index_cast %add3A_612 : i32 to index
          %get3A_626 = arith.constant 64 : index
          %get3A_627 = tpu.vector_load %arg7[%get3A_625, %get3A_626] {strides = array<i32>} : memref<64x128xf32, #tpu.memory_space<vmem>>, vector<16xf32>,
          %get3A_628 = arith.index_cast %add3A_612 : i32 to index
          %get3A_629 = arith.constant 80 : index
          %get3A_630 = tpu.vector_load %arg7[%get3A_628, %get3A_629] {strides = array<i32>} : memref<64x128xf32, #tpu.memory_space<vmem>>, vector<16xf32>,
          %get3A_631 = arith.index_cast %add3A_612 : i32 to index
          %get3A_632 = arith.constant 96 : index
          %get3A_633 = tpu.vector_load %arg7[%get3A_631, %get3A_632] {strides = array<i32>} : memref<64x128xf32, #tpu.memory_space<vmem>>, vector<16xf32>,
          %get3A_634 = arith.index_cast %add3A_612 : i32 to index
          %get3A_635 = arith.constant 112 : index
          %get3A_636 = tpu.vector_load %arg7[%get3A_634, %get3A_635] {strides = array<i32>} : memref<64x128xf32, #tpu.memory_space<vmem>>, vector<16xf32>,
          %get3A_637 = arith.index_cast %add3A_612 : i32 to index
          %get3A_638 = arith.constant 0 : index
          %get3A_639 = tpu.vector_load %arg9[%get3A_637, %get3A_638] {strides = array<i32>} : memref<64x128xf32, #tpu.memory_space<vmem>>, vector<16xf32>,
          %get3A_640 = arith.index_cast %add3A_612 : i32 to index
          %get3A_641 = arith.constant 16 : index
          %get3A_642 = tpu.vector_load %arg9[%get3A_640, %get3A_641] {strides = array<i32>} : memref<64x128xf32, #tpu.memory_space<vmem>>, vector<16xf32>,
          %get3A_643 = arith.index_cast %add3A_612 : i32 to index
          %get3A_644 = arith.constant 32 : index
          %get3A_645 = tpu.vector_load %arg9[%get3A_643, %get3A_644] {strides = array<i32>} : memref<64x128xf32, #tpu.memory_space<vmem>>, vector<16xf32>,
          %get3A_646 = arith.index_cast %add3A_612 : i32 to index
          %get3A_647 = arith.constant 48 : index
          %get3A_648 = tpu.vector_load %arg9[%get3A_646, %get3A_647] {strides = array<i32>} : memref<64x128xf32, #tpu.memory_space<vmem>>, vector<16xf32>,
          %get3A_649 = arith.index_cast %add3A_612 : i32 to index
          %get3A_650 = arith.constant 64 : index
          %get3A_651 = tpu.vector_load %arg9[%get3A_649, %get3A_650] {strides = array<i32>} : memref<64x128xf32, #tpu.memory_space<vmem>>, vector<16xf32>,
          %get3A_652 = arith.index_cast %add3A_612 : i32 to index
          %get3A_653 = arith.constant 80 : index
          %get3A_654 = tpu.vector_load %arg9[%get3A_652, %get3A_653] {strides = array<i32>} : memref<64x128xf32, #tpu.memory_space<vmem>>, vector<16xf32>,
          %get3A_655 = arith.index_cast %add3A_612 : i32 to index
          %get3A_656 = arith.constant 96 : index
          %get3A_657 = tpu.vector_load %arg9[%get3A_655, %get3A_656] {strides = array<i32>} : memref<64x128xf32, #tpu.memory_space<vmem>>, vector<16xf32>,
          %get3A_658 = arith.index_cast %add3A_612 : i32 to index
          %get3A_659 = arith.constant 112 : index
          %get3A_660 = tpu.vector_load %arg9[%get3A_658, %get3A_659] {strides = array<i32>} : memref<64x128xf32, #tpu.memory_space<vmem>>, vector<16xf32>,
          %mul3A_661 = arith.mulf %get3A_542, %get3A_566 : vector<16xf32>
          %mul3A_662 = arith.mulf %get3A_545, %get3A_569 : vector<16xf32>
          %mul3A_663 = arith.mulf %get3A_548, %get3A_572 : vector<16xf32>
          %mul3A_664 = arith.mulf %get3A_551, %get3A_575 : vector<16xf32>
          %mul3A_665 = arith.mulf %get3A_554, %get3A_578 : vector<16xf32>
          %mul3A_666 = arith.mulf %get3A_557, %get3A_581 : vector<16xf32>
          %mul3A_667 = arith.mulf %get3A_560, %get3A_584 : vector<16xf32>
          %mul3A_668 = arith.mulf %get3A_563, %get3A_587 : vector<16xf32>
          %add3A_669 = arith.addf %mul3A_661, %mul3A_662 : vector<16xf32>
          %add3A_670 = arith.addf %mul3A_663, %mul3A_664 : vector<16xf32>
          %add3A_671 = arith.addf %mul3A_665, %mul3A_666 : vector<16xf32>
          %add3A_672 = arith.addf %mul3A_667, %mul3A_668 : vector<16xf32>
          %add3A_673 = arith.addf %add3A_669, %add3A_670 : vector<16xf32>
          %add3A_674 = arith.addf %add3A_671, %add3A_672 : vector<16xf32>
          %add3A_675 = arith.addf %add3A_673, %add3A_674 : vector<16xf32>
          %swap3A_676 = arith.constant 5 : i32
          %swap3A_677 = arith.index_cast %swap3A_676 : i32 to index
          %swap3A_678 = arith.constant 0 : index
          %swap3A_679 = tpu.vector_load %arg13[%swap3A_677, %swap3A_678] {strides = array<i32>} : memref<16x17xf32, #tpu.memory_space<vmem>>, vector<16xf32>,
          tpu.vector_store %arg13[%swap3A_677, %swap3A_678], %add3A_675 {strides = array<i32>} : memref<16x17xf32, #tpu.memory_space<vmem>>, vector<16xf32>,
          %mul3A_680 = arith.constant 16 : i32
          %mul3A_681 = arith.muli %scan3A_189, %mul3A_680 : i32
          %add3A_682 = arith.constant 6 : i32
          %add3A_683 = arith.addi %mul3A_681, %add3A_682 : i32
          %add3A_684 = arith.constant 1 : i32
          %add3A_685 = arith.addi %add3A_683, %add3A_684 : i32
          %get3A_686 = arith.index_cast %add3A_685 : i32 to index
          %get3A_687 = arith.constant 0 : index
          %get3A_688 = tpu.vector_load %arg7[%get3A_686, %get3A_687] {strides = array<i32>} : memref<64x128xf32, #tpu.memory_space<vmem>>, vector<16xf32>,
          %get3A_689 = arith.index_cast %add3A_685 : i32 to index
          %get3A_690 = arith.constant 16 : index
          %get3A_691 = tpu.vector_load %arg7[%get3A_689, %get3A_690] {strides = array<i32>} : memref<64x128xf32, #tpu.memory_space<vmem>>, vector<16xf32>,
          %get3A_692 = arith.index_cast %add3A_685 : i32 to index
          %get3A_693 = arith.constant 32 : index
          %get3A_694 = tpu.vector_load %arg7[%get3A_692, %get3A_693] {strides = array<i32>} : memref<64x128xf32, #tpu.memory_space<vmem>>, vector<16xf32>,
          %get3A_695 = arith.index_cast %add3A_685 : i32 to index
          %get3A_696 = arith.constant 48 : index
          %get3A_697 = tpu.vector_load %arg7[%get3A_695, %get3A_696] {strides = array<i32>} : memref<64x128xf32, #tpu.memory_space<vmem>>, vector<16xf32>,
          %get3A_698 = arith.index_cast %add3A_685 : i32 to index
          %get3A_699 = arith.constant 64 : index
          %get3A_700 = tpu.vector_load %arg7[%get3A_698, %get3A_699] {strides = array<i32>} : memref<64x128xf32, #tpu.memory_space<vmem>>, vector<16xf32>,
          %get3A_701 = arith.index_cast %add3A_685 : i32 to index
          %get3A_702 = arith.constant 80 : index
          %get3A_703 = tpu.vector_load %arg7[%get3A_701, %get3A_702] {strides = array<i32>} : memref<64x128xf32, #tpu.memory_space<vmem>>, vector<16xf32>,
          %get3A_704 = arith.index_cast %add3A_685 : i32 to index
          %get3A_705 = arith.constant 96 : index
          %get3A_706 = tpu.vector_load %arg7[%get3A_704, %get3A_705] {strides = array<i32>} : memref<64x128xf32, #tpu.memory_space<vmem>>, vector<16xf32>,
          %get3A_707 = arith.index_cast %add3A_685 : i32 to index
          %get3A_708 = arith.constant 112 : index
          %get3A_709 = tpu.vector_load %arg7[%get3A_707, %get3A_708] {strides = array<i32>} : memref<64x128xf32, #tpu.memory_space<vmem>>, vector<16xf32>,
          %get3A_710 = arith.index_cast %add3A_685 : i32 to index
          %get3A_711 = arith.constant 0 : index
          %get3A_712 = tpu.vector_load %arg9[%get3A_710, %get3A_711] {strides = array<i32>} : memref<64x128xf32, #tpu.memory_space<vmem>>, vector<16xf32>,
          %get3A_713 = arith.index_cast %add3A_685 : i32 to index
          %get3A_714 = arith.constant 16 : index
          %get3A_715 = tpu.vector_load %arg9[%get3A_713, %get3A_714] {strides = array<i32>} : memref<64x128xf32, #tpu.memory_space<vmem>>, vector<16xf32>,
          %get3A_716 = arith.index_cast %add3A_685 : i32 to index
          %get3A_717 = arith.constant 32 : index
          %get3A_718 = tpu.vector_load %arg9[%get3A_716, %get3A_717] {strides = array<i32>} : memref<64x128xf32, #tpu.memory_space<vmem>>, vector<16xf32>,
          %get3A_719 = arith.index_cast %add3A_685 : i32 to index
          %get3A_720 = arith.constant 48 : index
          %get3A_721 = tpu.vector_load %arg9[%get3A_719, %get3A_720] {strides = array<i32>} : memref<64x128xf32, #tpu.memory_space<vmem>>, vector<16xf32>,
          %get3A_722 = arith.index_cast %add3A_685 : i32 to index
          %get3A_723 = arith.constant 64 : index
          %get3A_724 = tpu.vector_load %arg9[%get3A_722, %get3A_723] {strides = array<i32>} : memref<64x128xf32, #tpu.memory_space<vmem>>, vector<16xf32>,
          %get3A_725 = arith.index_cast %add3A_685 : i32 to index
          %get3A_726 = arith.constant 80 : index
          %get3A_727 = tpu.vector_load %arg9[%get3A_725, %get3A_726] {strides = array<i32>} : memref<64x128xf32, #tpu.memory_space<vmem>>, vector<16xf32>,
          %get3A_728 = arith.index_cast %add3A_685 : i32 to index
          %get3A_729 = arith.constant 96 : index
          %get3A_730 = tpu.vector_load %arg9[%get3A_728, %get3A_729] {strides = array<i32>} : memref<64x128xf32, #tpu.memory_space<vmem>>, vector<16xf32>,
          %get3A_731 = arith.index_cast %add3A_685 : i32 to index
          %get3A_732 = arith.constant 112 : index
          %get3A_733 = tpu.vector_load %arg9[%get3A_731, %get3A_732] {strides = array<i32>} : memref<64x128xf32, #tpu.memory_space<vmem>>, vector<16xf32>,
          %mul3A_734 = arith.mulf %get3A_615, %get3A_639 : vector<16xf32>
          %mul3A_735 = arith.mulf %get3A_618, %get3A_642 : vector<16xf32>
          %mul3A_736 = arith.mulf %get3A_621, %get3A_645 : vector<16xf32>
          %mul3A_737 = arith.mulf %get3A_624, %get3A_648 : vector<16xf32>
          %mul3A_738 = arith.mulf %get3A_627, %get3A_651 : vector<16xf32>
          %mul3A_739 = arith.mulf %get3A_630, %get3A_654 : vector<16xf32>
          %mul3A_740 = arith.mulf %get3A_633, %get3A_657 : vector<16xf32>
          %mul3A_741 = arith.mulf %get3A_636, %get3A_660 : vector<16xf32>
          %add3A_742 = arith.addf %mul3A_734, %mul3A_735 : vector<16xf32>
          %add3A_743 = arith.addf %mul3A_736, %mul3A_737 : vector<16xf32>
          %add3A_744 = arith.addf %mul3A_738, %mul3A_739 : vector<16xf32>
          %add3A_745 = arith.addf %mul3A_740, %mul3A_741 : vector<16xf32>
          %add3A_746 = arith.addf %add3A_742, %add3A_743 : vector<16xf32>
          %add3A_747 = arith.addf %add3A_744, %add3A_745 : vector<16xf32>
          %add3A_748 = arith.addf %add3A_746, %add3A_747 : vector<16xf32>
          %swap3A_749 = arith.constant 6 : i32
          %swap3A_750 = arith.index_cast %swap3A_749 : i32 to index
          %swap3A_751 = arith.constant 0 : index
          %swap3A_752 = tpu.vector_load %arg13[%swap3A_750, %swap3A_751] {strides = array<i32>} : memref<16x17xf32, #tpu.memory_space<vmem>>, vector<16xf32>,
          tpu.vector_store %arg13[%swap3A_750, %swap3A_751], %add3A_748 {strides = array<i32>} : memref<16x17xf32, #tpu.memory_space<vmem>>, vector<16xf32>,
          %mul3A_753 = arith.constant 16 : i32
          %mul3A_754 = arith.muli %scan3A_189, %mul3A_753 : i32
          %add3A_755 = arith.constant 7 : i32
          %add3A_756 = arith.addi %mul3A_754, %add3A_755 : i32
          %add3A_757 = arith.constant 1 : i32
          %add3A_758 = arith.addi %add3A_756, %add3A_757 : i32
          %get3A_759 = arith.index_cast %add3A_758 : i32 to index
          %get3A_760 = arith.constant 0 : index
          %get3A_761 = tpu.vector_load %arg7[%get3A_759, %get3A_760] {strides = array<i32>} : memref<64x128xf32, #tpu.memory_space<vmem>>, vector<16xf32>,
          %get3A_762 = arith.index_cast %add3A_758 : i32 to index
          %get3A_763 = arith.constant 16 : index
          %get3A_764 = tpu.vector_load %arg7[%get3A_762, %get3A_763] {strides = array<i32>} : memref<64x128xf32, #tpu.memory_space<vmem>>, vector<16xf32>,
          %get3A_765 = arith.index_cast %add3A_758 : i32 to index
          %get3A_766 = arith.constant 32 : index
          %get3A_767 = tpu.vector_load %arg7[%get3A_765, %get3A_766] {strides = array<i32>} : memref<64x128xf32, #tpu.memory_space<vmem>>, vector<16xf32>,
          %get3A_768 = arith.index_cast %add3A_758 : i32 to index
          %get3A_769 = arith.constant 48 : index
          %get3A_770 = tpu.vector_load %arg7[%get3A_768, %get3A_769] {strides = array<i32>} : memref<64x128xf32, #tpu.memory_space<vmem>>, vector<16xf32>,
          %get3A_771 = arith.index_cast %add3A_758 : i32 to index
          %get3A_772 = arith.constant 64 : index
          %get3A_773 = tpu.vector_load %arg7[%get3A_771, %get3A_772] {strides = array<i32>} : memref<64x128xf32, #tpu.memory_space<vmem>>, vector<16xf32>,
          %get3A_774 = arith.index_cast %add3A_758 : i32 to index
          %get3A_775 = arith.constant 80 : index
          %get3A_776 = tpu.vector_load %arg7[%get3A_774, %get3A_775] {strides = array<i32>} : memref<64x128xf32, #tpu.memory_space<vmem>>, vector<16xf32>,
          %get3A_777 = arith.index_cast %add3A_758 : i32 to index
          %get3A_778 = arith.constant 96 : index
          %get3A_779 = tpu.vector_load %arg7[%get3A_777, %get3A_778] {strides = array<i32>} : memref<64x128xf32, #tpu.memory_space<vmem>>, vector<16xf32>,
          %get3A_780 = arith.index_cast %add3A_758 : i32 to index
          %get3A_781 = arith.constant 112 : index
          %get3A_782 = tpu.vector_load %arg7[%get3A_780, %get3A_781] {strides = array<i32>} : memref<64x128xf32, #tpu.memory_space<vmem>>, vector<16xf32>,
          %get3A_783 = arith.index_cast %add3A_758 : i32 to index
          %get3A_784 = arith.constant 0 : index
          %get3A_785 = tpu.vector_load %arg9[%get3A_783, %get3A_784] {strides = array<i32>} : memref<64x128xf32, #tpu.memory_space<vmem>>, vector<16xf32>,
          %get3A_786 = arith.index_cast %add3A_758 : i32 to index
          %get3A_787 = arith.constant 16 : index
          %get3A_788 = tpu.vector_load %arg9[%get3A_786, %get3A_787] {strides = array<i32>} : memref<64x128xf32, #tpu.memory_space<vmem>>, vector<16xf32>,
          %get3A_789 = arith.index_cast %add3A_758 : i32 to index
          %get3A_790 = arith.constant 32 : index
          %get3A_791 = tpu.vector_load %arg9[%get3A_789, %get3A_790] {strides = array<i32>} : memref<64x128xf32, #tpu.memory_space<vmem>>, vector<16xf32>,
          %get3A_792 = arith.index_cast %add3A_758 : i32 to index
          %get3A_793 = arith.constant 48 : index
          %get3A_794 = tpu.vector_load %arg9[%get3A_792, %get3A_793] {strides = array<i32>} : memref<64x128xf32, #tpu.memory_space<vmem>>, vector<16xf32>,
          %get3A_795 = arith.index_cast %add3A_758 : i32 to index
          %get3A_796 = arith.constant 64 : index
          %get3A_797 = tpu.vector_load %arg9[%get3A_795, %get3A_796] {strides = array<i32>} : memref<64x128xf32, #tpu.memory_space<vmem>>, vector<16xf32>,
          %get3A_798 = arith.index_cast %add3A_758 : i32 to index
          %get3A_799 = arith.constant 80 : index
          %get3A_800 = tpu.vector_load %arg9[%get3A_798, %get3A_799] {strides = array<i32>} : memref<64x128xf32, #tpu.memory_space<vmem>>, vector<16xf32>,
          %get3A_801 = arith.index_cast %add3A_758 : i32 to index
          %get3A_802 = arith.constant 96 : index
          %get3A_803 = tpu.vector_load %arg9[%get3A_801, %get3A_802] {strides = array<i32>} : memref<64x128xf32, #tpu.memory_space<vmem>>, vector<16xf32>,
          %get3A_804 = arith.index_cast %add3A_758 : i32 to index
          %get3A_805 = arith.constant 112 : index
          %get3A_806 = tpu.vector_load %arg9[%get3A_804, %get3A_805] {strides = array<i32>} : memref<64x128xf32, #tpu.memory_space<vmem>>, vector<16xf32>,
          %mul3A_807 = arith.mulf %get3A_688, %get3A_712 : vector<16xf32>
          %mul3A_808 = arith.mulf %get3A_691, %get3A_715 : vector<16xf32>
          %mul3A_809 = arith.mulf %get3A_694, %get3A_718 : vector<16xf32>
          %mul3A_810 = arith.mulf %get3A_697, %get3A_721 : vector<16xf32>
          %mul3A_811 = arith.mulf %get3A_700, %get3A_724 : vector<16xf32>
          %mul3A_812 = arith.mulf %get3A_703, %get3A_727 : vector<16xf32>
          %mul3A_813 = arith.mulf %get3A_706, %get3A_730 : vector<16xf32>
          %mul3A_814 = arith.mulf %get3A_709, %get3A_733 : vector<16xf32>
          %add3A_815 = arith.addf %mul3A_807, %mul3A_808 : vector<16xf32>
          %add3A_816 = arith.addf %mul3A_809, %mul3A_810 : vector<16xf32>
          %add3A_817 = arith.addf %mul3A_811, %mul3A_812 : vector<16xf32>
          %add3A_818 = arith.addf %mul3A_813, %mul3A_814 : vector<16xf32>
          %add3A_819 = arith.addf %add3A_815, %add3A_816 : vector<16xf32>
          %add3A_820 = arith.addf %add3A_817, %add3A_818 : vector<16xf32>
          %add3A_821 = arith.addf %add3A_819, %add3A_820 : vector<16xf32>
          %swap3A_822 = arith.constant 7 : i32
          %swap3A_823 = arith.index_cast %swap3A_822 : i32 to index
          %swap3A_824 = arith.constant 0 : index
          %swap3A_825 = tpu.vector_load %arg13[%swap3A_823, %swap3A_824] {strides = array<i32>} : memref<16x17xf32, #tpu.memory_space<vmem>>, vector<16xf32>,
          tpu.vector_store %arg13[%swap3A_823, %swap3A_824], %add3A_821 {strides = array<i32>} : memref<16x17xf32, #tpu.memory_space<vmem>>, vector<16xf32>,
          %mul3A_826 = arith.constant 16 : i32
          %mul3A_827 = arith.muli %scan3A_189, %mul3A_826 : i32
          %add3A_828 = arith.constant 8 : i32
          %add3A_829 = arith.addi %mul3A_827, %add3A_828 : i32
          %add3A_830 = arith.constant 1 : i32
          %add3A_831 = arith.addi %add3A_829, %add3A_830 : i32
          %get3A_832 = arith.index_cast %add3A_831 : i32 to index
          %get3A_833 = arith.constant 0 : index
          %get3A_834 = tpu.vector_load %arg7[%get3A_832, %get3A_833] {strides = array<i32>} : memref<64x128xf32, #tpu.memory_space<vmem>>, vector<16xf32>,
          %get3A_835 = arith.index_cast %add3A_831 : i32 to index
          %get3A_836 = arith.constant 16 : index
          %get3A_837 = tpu.vector_load %arg7[%get3A_835, %get3A_836] {strides = array<i32>} : memref<64x128xf32, #tpu.memory_space<vmem>>, vector<16xf32>,
          %get3A_838 = arith.index_cast %add3A_831 : i32 to index
          %get3A_839 = arith.constant 32 : index
          %get3A_840 = tpu.vector_load %arg7[%get3A_838, %get3A_839] {strides = array<i32>} : memref<64x128xf32, #tpu.memory_space<vmem>>, vector<16xf32>,
          %get3A_841 = arith.index_cast %add3A_831 : i32 to index
          %get3A_842 = arith.constant 48 : index
          %get3A_843 = tpu.vector_load %arg7[%get3A_841, %get3A_842] {strides = array<i32>} : memref<64x128xf32, #tpu.memory_space<vmem>>, vector<16xf32>,
          %get3A_844 = arith.index_cast %add3A_831 : i32 to index
          %get3A_845 = arith.constant 64 : index
          %get3A_846 = tpu.vector_load %arg7[%get3A_844, %get3A_845] {strides = array<i32>} : memref<64x128xf32, #tpu.memory_space<vmem>>, vector<16xf32>,
          %get3A_847 = arith.index_cast %add3A_831 : i32 to index
          %get3A_848 = arith.constant 80 : index
          %get3A_849 = tpu.vector_load %arg7[%get3A_847, %get3A_848] {strides = array<i32>} : memref<64x128xf32, #tpu.memory_space<vmem>>, vector<16xf32>,
          %get3A_850 = arith.index_cast %add3A_831 : i32 to index
          %get3A_851 = arith.constant 96 : index
          %get3A_852 = tpu.vector_load %arg7[%get3A_850, %get3A_851] {strides = array<i32>} : memref<64x128xf32, #tpu.memory_space<vmem>>, vector<16xf32>,
          %get3A_853 = arith.index_cast %add3A_831 : i32 to index
          %get3A_854 = arith.constant 112 : index
          %get3A_855 = tpu.vector_load %arg7[%get3A_853, %get3A_854] {strides = array<i32>} : memref<64x128xf32, #tpu.memory_space<vmem>>, vector<16xf32>,
          %get3A_856 = arith.index_cast %add3A_831 : i32 to index
          %get3A_857 = arith.constant 0 : index
          %get3A_858 = tpu.vector_load %arg9[%get3A_856, %get3A_857] {strides = array<i32>} : memref<64x128xf32, #tpu.memory_space<vmem>>, vector<16xf32>,
          %get3A_859 = arith.index_cast %add3A_831 : i32 to index
          %get3A_860 = arith.constant 16 : index
          %get3A_861 = tpu.vector_load %arg9[%get3A_859, %get3A_860] {strides = array<i32>} : memref<64x128xf32, #tpu.memory_space<vmem>>, vector<16xf32>,
          %get3A_862 = arith.index_cast %add3A_831 : i32 to index
          %get3A_863 = arith.constant 32 : index
          %get3A_864 = tpu.vector_load %arg9[%get3A_862, %get3A_863] {strides = array<i32>} : memref<64x128xf32, #tpu.memory_space<vmem>>, vector<16xf32>,
          %get3A_865 = arith.index_cast %add3A_831 : i32 to index
          %get3A_866 = arith.constant 48 : index
          %get3A_867 = tpu.vector_load %arg9[%get3A_865, %get3A_866] {strides = array<i32>} : memref<64x128xf32, #tpu.memory_space<vmem>>, vector<16xf32>,
          %get3A_868 = arith.index_cast %add3A_831 : i32 to index
          %get3A_869 = arith.constant 64 : index
          %get3A_870 = tpu.vector_load %arg9[%get3A_868, %get3A_869] {strides = array<i32>} : memref<64x128xf32, #tpu.memory_space<vmem>>, vector<16xf32>,
          %get3A_871 = arith.index_cast %add3A_831 : i32 to index
          %get3A_872 = arith.constant 80 : index
          %get3A_873 = tpu.vector_load %arg9[%get3A_871, %get3A_872] {strides = array<i32>} : memref<64x128xf32, #tpu.memory_space<vmem>>, vector<16xf32>,
          %get3A_874 = arith.index_cast %add3A_831 : i32 to index
          %get3A_875 = arith.constant 96 : index
          %get3A_876 = tpu.vector_load %arg9[%get3A_874, %get3A_875] {strides = array<i32>} : memref<64x128xf32, #tpu.memory_space<vmem>>, vector<16xf32>,
          %get3A_877 = arith.index_cast %add3A_831 : i32 to index
          %get3A_878 = arith.constant 112 : index
          %get3A_879 = tpu.vector_load %arg9[%get3A_877, %get3A_878] {strides = array<i32>} : memref<64x128xf32, #tpu.memory_space<vmem>>, vector<16xf32>,
          %mul3A_880 = arith.mulf %get3A_761, %get3A_785 : vector<16xf32>
          %mul3A_881 = arith.mulf %get3A_764, %get3A_788 : vector<16xf32>
          %mul3A_882 = arith.mulf %get3A_767, %get3A_791 : vector<16xf32>
          %mul3A_883 = arith.mulf %get3A_770, %get3A_794 : vector<16xf32>
          %mul3A_884 = arith.mulf %get3A_773, %get3A_797 : vector<16xf32>
          %mul3A_885 = arith.mulf %get3A_776, %get3A_800 : vector<16xf32>
          %mul3A_886 = arith.mulf %get3A_779, %get3A_803 : vector<16xf32>
          %mul3A_887 = arith.mulf %get3A_782, %get3A_806 : vector<16xf32>
          %add3A_888 = arith.addf %mul3A_880, %mul3A_881 : vector<16xf32>
          %add3A_889 = arith.addf %mul3A_882, %mul3A_883 : vector<16xf32>
          %add3A_890 = arith.addf %mul3A_884, %mul3A_885 : vector<16xf32>
          %add3A_891 = arith.addf %mul3A_886, %mul3A_887 : vector<16xf32>
          %add3A_892 = arith.addf %add3A_888, %add3A_889 : vector<16xf32>
          %add3A_893 = arith.addf %add3A_890, %add3A_891 : vector<16xf32>
          %add3A_894 = arith.addf %add3A_892, %add3A_893 : vector<16xf32>
          %swap3A_895 = arith.constant 8 : i32
          %swap3A_896 = arith.index_cast %swap3A_895 : i32 to index
          %swap3A_897 = arith.constant 0 : index
          %swap3A_898 = tpu.vector_load %arg13[%swap3A_896, %swap3A_897] {strides = array<i32>} : memref<16x17xf32, #tpu.memory_space<vmem>>, vector<16xf32>,
          tpu.vector_store %arg13[%swap3A_896, %swap3A_897], %add3A_894 {strides = array<i32>} : memref<16x17xf32, #tpu.memory_space<vmem>>, vector<16xf32>,
          %mul3A_899 = arith.constant 16 : i32
          %mul3A_900 = arith.muli %scan3A_189, %mul3A_899 : i32
          %add3A_901 = arith.constant 9 : i32
          %add3A_902 = arith.addi %mul3A_900, %add3A_901 : i32
          %add3A_903 = arith.constant 1 : i32
          %add3A_904 = arith.addi %add3A_902, %add3A_903 : i32
          %get3A_905 = arith.index_cast %add3A_904 : i32 to index
          %get3A_906 = arith.constant 0 : index
          %get3A_907 = tpu.vector_load %arg7[%get3A_905, %get3A_906] {strides = array<i32>} : memref<64x128xf32, #tpu.memory_space<vmem>>, vector<16xf32>,
          %get3A_908 = arith.index_cast %add3A_904 : i32 to index
          %get3A_909 = arith.constant 16 : index
          %get3A_910 = tpu.vector_load %arg7[%get3A_908, %get3A_909] {strides = array<i32>} : memref<64x128xf32, #tpu.memory_space<vmem>>, vector<16xf32>,
          %get3A_911 = arith.index_cast %add3A_904 : i32 to index
          %get3A_912 = arith.constant 32 : index
          %get3A_913 = tpu.vector_load %arg7[%get3A_911, %get3A_912] {strides = array<i32>} : memref<64x128xf32, #tpu.memory_space<vmem>>, vector<16xf32>,
          %get3A_914 = arith.index_cast %add3A_904 : i32 to index
          %get3A_915 = arith.constant 48 : index
          %get3A_916 = tpu.vector_load %arg7[%get3A_914, %get3A_915] {strides = array<i32>} : memref<64x128xf32, #tpu.memory_space<vmem>>, vector<16xf32>,
          %get3A_917 = arith.index_cast %add3A_904 : i32 to index
          %get3A_918 = arith.constant 64 : index
          %get3A_919 = tpu.vector_load %arg7[%get3A_917, %get3A_918] {strides = array<i32>} : memref<64x128xf32, #tpu.memory_space<vmem>>, vector<16xf32>,
          %get3A_920 = arith.index_cast %add3A_904 : i32 to index
          %get3A_921 = arith.constant 80 : index
          %get3A_922 = tpu.vector_load %arg7[%get3A_920, %get3A_921] {strides = array<i32>} : memref<64x128xf32, #tpu.memory_space<vmem>>, vector<16xf32>,
          %get3A_923 = arith.index_cast %add3A_904 : i32 to index
          %get3A_924 = arith.constant 96 : index
          %get3A_925 = tpu.vector_load %arg7[%get3A_923, %get3A_924] {strides = array<i32>} : memref<64x128xf32, #tpu.memory_space<vmem>>, vector<16xf32>,
          %get3A_926 = arith.index_cast %add3A_904 : i32 to index
          %get3A_927 = arith.constant 112 : index
          %get3A_928 = tpu.vector_load %arg7[%get3A_926, %get3A_927] {strides = array<i32>} : memref<64x128xf32, #tpu.memory_space<vmem>>, vector<16xf32>,
          %get3A_929 = arith.index_cast %add3A_904 : i32 to index
          %get3A_930 = arith.constant 0 : index
          %get3A_931 = tpu.vector_load %arg9[%get3A_929, %get3A_930] {strides = array<i32>} : memref<64x128xf32, #tpu.memory_space<vmem>>, vector<16xf32>,
          %get3A_932 = arith.index_cast %add3A_904 : i32 to index
          %get3A_933 = arith.constant 16 : index
          %get3A_934 = tpu.vector_load %arg9[%get3A_932, %get3A_933] {strides = array<i32>} : memref<64x128xf32, #tpu.memory_space<vmem>>, vector<16xf32>,
          %get3A_935 = arith.index_cast %add3A_904 : i32 to index
          %get3A_936 = arith.constant 32 : index
          %get3A_937 = tpu.vector_load %arg9[%get3A_935, %get3A_936] {strides = array<i32>} : memref<64x128xf32, #tpu.memory_space<vmem>>, vector<16xf32>,
          %get3A_938 = arith.index_cast %add3A_904 : i32 to index
          %get3A_939 = arith.constant 48 : index
          %get3A_940 = tpu.vector_load %arg9[%get3A_938, %get3A_939] {strides = array<i32>} : memref<64x128xf32, #tpu.memory_space<vmem>>, vector<16xf32>,
          %get3A_941 = arith.index_cast %add3A_904 : i32 to index
          %get3A_942 = arith.constant 64 : index
          %get3A_943 = tpu.vector_load %arg9[%get3A_941, %get3A_942] {strides = array<i32>} : memref<64x128xf32, #tpu.memory_space<vmem>>, vector<16xf32>,
          %get3A_944 = arith.index_cast %add3A_904 : i32 to index
          %get3A_945 = arith.constant 80 : index
          %get3A_946 = tpu.vector_load %arg9[%get3A_944, %get3A_945] {strides = array<i32>} : memref<64x128xf32, #tpu.memory_space<vmem>>, vector<16xf32>,
          %get3A_947 = arith.index_cast %add3A_904 : i32 to index
          %get3A_948 = arith.constant 96 : index
          %get3A_949 = tpu.vector_load %arg9[%get3A_947, %get3A_948] {strides = array<i32>} : memref<64x128xf32, #tpu.memory_space<vmem>>, vector<16xf32>,
          %get3A_950 = arith.index_cast %add3A_904 : i32 to index
          %get3A_951 = arith.constant 112 : index
          %get3A_952 = tpu.vector_load %arg9[%get3A_950, %get3A_951] {strides = array<i32>} : memref<64x128xf32, #tpu.memory_space<vmem>>, vector<16xf32>,
          %mul3A_953 = arith.mulf %get3A_834, %get3A_858 : vector<16xf32>
          %mul3A_954 = arith.mulf %get3A_837, %get3A_861 : vector<16xf32>
          %mul3A_955 = arith.mulf %get3A_840, %get3A_864 : vector<16xf32>
          %mul3A_956 = arith.mulf %get3A_843, %get3A_867 : vector<16xf32>
          %mul3A_957 = arith.mulf %get3A_846, %get3A_870 : vector<16xf32>
          %mul3A_958 = arith.mulf %get3A_849, %get3A_873 : vector<16xf32>
          %mul3A_959 = arith.mulf %get3A_852, %get3A_876 : vector<16xf32>
          %mul3A_960 = arith.mulf %get3A_855, %get3A_879 : vector<16xf32>
          %add3A_961 = arith.addf %mul3A_953, %mul3A_954 : vector<16xf32>
          %add3A_962 = arith.addf %mul3A_955, %mul3A_956 : vector<16xf32>
          %add3A_963 = arith.addf %mul3A_957, %mul3A_958 : vector<16xf32>
          %add3A_964 = arith.addf %mul3A_959, %mul3A_960 : vector<16xf32>
          %add3A_965 = arith.addf %add3A_961, %add3A_962 : vector<16xf32>
          %add3A_966 = arith.addf %add3A_963, %add3A_964 : vector<16xf32>
          %add3A_967 = arith.addf %add3A_965, %add3A_966 : vector<16xf32>
          %swap3A_968 = arith.constant 9 : i32
          %swap3A_969 = arith.index_cast %swap3A_968 : i32 to index
          %swap3A_970 = arith.constant 0 : index
          %swap3A_971 = tpu.vector_load %arg13[%swap3A_969, %swap3A_970] {strides = array<i32>} : memref<16x17xf32, #tpu.memory_space<vmem>>, vector<16xf32>,
          tpu.vector_store %arg13[%swap3A_969, %swap3A_970], %add3A_967 {strides = array<i32>} : memref<16x17xf32, #tpu.memory_space<vmem>>, vector<16xf32>,
          %mul3A_972 = arith.constant 16 : i32
          %mul3A_973 = arith.muli %scan3A_189, %mul3A_972 : i32
          %add3A_974 = arith.constant 10 : i32
          %add3A_975 = arith.addi %mul3A_973, %add3A_974 : i32
          %add3A_976 = arith.constant 1 : i32
          %add3A_977 = arith.addi %add3A_975, %add3A_976 : i32
          %get3A_978 = arith.index_cast %add3A_977 : i32 to index
          %get3A_979 = arith.constant 0 : index
          %get3A_980 = tpu.vector_load %arg7[%get3A_978, %get3A_979] {strides = array<i32>} : memref<64x128xf32, #tpu.memory_space<vmem>>, vector<16xf32>,
          %get3A_981 = arith.index_cast %add3A_977 : i32 to index
          %get3A_982 = arith.constant 16 : index
          %get3A_983 = tpu.vector_load %arg7[%get3A_981, %get3A_982] {strides = array<i32>} : memref<64x128xf32, #tpu.memory_space<vmem>>, vector<16xf32>,
          %get3A_984 = arith.index_cast %add3A_977 : i32 to index
          %get3A_985 = arith.constant 32 : index
          %get3A_986 = tpu.vector_load %arg7[%get3A_984, %get3A_985] {strides = array<i32>} : memref<64x128xf32, #tpu.memory_space<vmem>>, vector<16xf32>,
          %get3A_987 = arith.index_cast %add3A_977 : i32 to index
          %get3A_988 = arith.constant 48 : index
          %get3A_989 = tpu.vector_load %arg7[%get3A_987, %get3A_988] {strides = array<i32>} : memref<64x128xf32, #tpu.memory_space<vmem>>, vector<16xf32>,
          %get3A_990 = arith.index_cast %add3A_977 : i32 to index
          %get3A_991 = arith.constant 64 : index
          %get3A_992 = tpu.vector_load %arg7[%get3A_990, %get3A_991] {strides = array<i32>} : memref<64x128xf32, #tpu.memory_space<vmem>>, vector<16xf32>,
          %get3A_993 = arith.index_cast %add3A_977 : i32 to index
          %get3A_994 = arith.constant 80 : index
          %get3A_995 = tpu.vector_load %arg7[%get3A_993, %get3A_994] {strides = array<i32>} : memref<64x128xf32, #tpu.memory_space<vmem>>, vector<16xf32>,
          %get3A_996 = arith.index_cast %add3A_977 : i32 to index
          %get3A_997 = arith.constant 96 : index
          %get3A_998 = tpu.vector_load %arg7[%get3A_996, %get3A_997] {strides = array<i32>} : memref<64x128xf32, #tpu.memory_space<vmem>>, vector<16xf32>,
          %get3A_999 = arith.index_cast %add3A_977 : i32 to index
          %get3A_1000 = arith.constant 112 : index
          %get3A_1001 = tpu.vector_load %arg7[%get3A_999, %get3A_1000] {strides = array<i32>} : memref<64x128xf32, #tpu.memory_space<vmem>>, vector<16xf32>,
          %get3A_1002 = arith.index_cast %add3A_977 : i32 to index
          %get3A_1003 = arith.constant 0 : index
          %get3A_1004 = tpu.vector_load %arg9[%get3A_1002, %get3A_1003] {strides = array<i32>} : memref<64x128xf32, #tpu.memory_space<vmem>>, vector<16xf32>,
          %get3A_1005 = arith.index_cast %add3A_977 : i32 to index
          %get3A_1006 = arith.constant 16 : index
          %get3A_1007 = tpu.vector_load %arg9[%get3A_1005, %get3A_1006] {strides = array<i32>} : memref<64x128xf32, #tpu.memory_space<vmem>>, vector<16xf32>,
          %get3A_1008 = arith.index_cast %add3A_977 : i32 to index
          %get3A_1009 = arith.constant 32 : index
          %get3A_1010 = tpu.vector_load %arg9[%get3A_1008, %get3A_1009] {strides = array<i32>} : memref<64x128xf32, #tpu.memory_space<vmem>>, vector<16xf32>,
          %get3A_1011 = arith.index_cast %add3A_977 : i32 to index
          %get3A_1012 = arith.constant 48 : index
          %get3A_1013 = tpu.vector_load %arg9[%get3A_1011, %get3A_1012] {strides = array<i32>} : memref<64x128xf32, #tpu.memory_space<vmem>>, vector<16xf32>,
          %get3A_1014 = arith.index_cast %add3A_977 : i32 to index
          %get3A_1015 = arith.constant 64 : index
          %get3A_1016 = tpu.vector_load %arg9[%get3A_1014, %get3A_1015] {strides = array<i32>} : memref<64x128xf32, #tpu.memory_space<vmem>>, vector<16xf32>,
          %get3A_1017 = arith.index_cast %add3A_977 : i32 to index
          %get3A_1018 = arith.constant 80 : index
          %get3A_1019 = tpu.vector_load %arg9[%get3A_1017, %get3A_1018] {strides = array<i32>} : memref<64x128xf32, #tpu.memory_space<vmem>>, vector<16xf32>,
          %get3A_1020 = arith.index_cast %add3A_977 : i32 to index
          %get3A_1021 = arith.constant 96 : index
          %get3A_1022 = tpu.vector_load %arg9[%get3A_1020, %get3A_1021] {strides = array<i32>} : memref<64x128xf32, #tpu.memory_space<vmem>>, vector<16xf32>,
          %get3A_1023 = arith.index_cast %add3A_977 : i32 to index
          %get3A_1024 = arith.constant 112 : index
          %get3A_1025 = tpu.vector_load %arg9[%get3A_1023, %get3A_1024] {strides = array<i32>} : memref<64x128xf32, #tpu.memory_space<vmem>>, vector<16xf32>,
          %mul3A_1026 = arith.mulf %get3A_907, %get3A_931 : vector<16xf32>
          %mul3A_1027 = arith.mulf %get3A_910, %get3A_934 : vector<16xf32>
          %mul3A_1028 = arith.mulf %get3A_913, %get3A_937 : vector<16xf32>
          %mul3A_1029 = arith.mulf %get3A_916, %get3A_940 : vector<16xf32>
          %mul3A_1030 = arith.mulf %get3A_919, %get3A_943 : vector<16xf32>
          %mul3A_1031 = arith.mulf %get3A_922, %get3A_946 : vector<16xf32>
          %mul3A_1032 = arith.mulf %get3A_925, %get3A_949 : vector<16xf32>
          %mul3A_1033 = arith.mulf %get3A_928, %get3A_952 : vector<16xf32>
          %add3A_1034 = arith.addf %mul3A_1026, %mul3A_1027 : vector<16xf32>
          %add3A_1035 = arith.addf %mul3A_1028, %mul3A_1029 : vector<16xf32>
          %add3A_1036 = arith.addf %mul3A_1030, %mul3A_1031 : vector<16xf32>
          %add3A_1037 = arith.addf %mul3A_1032, %mul3A_1033 : vector<16xf32>
          %add3A_1038 = arith.addf %add3A_1034, %add3A_1035 : vector<16xf32>
          %add3A_1039 = arith.addf %add3A_1036, %add3A_1037 : vector<16xf32>
          %add3A_1040 = arith.addf %add3A_1038, %add3A_1039 : vector<16xf32>
          %swap3A_1041 = arith.constant 10 : i32
          %swap3A_1042 = arith.index_cast %swap3A_1041 : i32 to index
          %swap3A_1043 = arith.constant 0 : index
          %swap3A_1044 = tpu.vector_load %arg13[%swap3A_1042, %swap3A_1043] {strides = array<i32>} : memref<16x17xf32, #tpu.memory_space<vmem>>, vector<16xf32>,
          tpu.vector_store %arg13[%swap3A_1042, %swap3A_1043], %add3A_1040 {strides = array<i32>} : memref<16x17xf32, #tpu.memory_space<vmem>>, vector<16xf32>,
          %mul3A_1045 = arith.constant 16 : i32
          %mul3A_1046 = arith.muli %scan3A_189, %mul3A_1045 : i32
          %add3A_1047 = arith.constant 11 : i32
          %add3A_1048 = arith.addi %mul3A_1046, %add3A_1047 : i32
          %add3A_1049 = arith.constant 1 : i32
          %add3A_1050 = arith.addi %add3A_1048, %add3A_1049 : i32
          %get3A_1051 = arith.index_cast %add3A_1050 : i32 to index
          %get3A_1052 = arith.constant 0 : index
          %get3A_1053 = tpu.vector_load %arg7[%get3A_1051, %get3A_1052] {strides = array<i32>} : memref<64x128xf32, #tpu.memory_space<vmem>>, vector<16xf32>,
          %get3A_1054 = arith.index_cast %add3A_1050 : i32 to index
          %get3A_1055 = arith.constant 16 : index
          %get3A_1056 = tpu.vector_load %arg7[%get3A_1054, %get3A_1055] {strides = array<i32>} : memref<64x128xf32, #tpu.memory_space<vmem>>, vector<16xf32>,
          %get3A_1057 = arith.index_cast %add3A_1050 : i32 to index
          %get3A_1058 = arith.constant 32 : index
          %get3A_1059 = tpu.vector_load %arg7[%get3A_1057, %get3A_1058] {strides = array<i32>} : memref<64x128xf32, #tpu.memory_space<vmem>>, vector<16xf32>,
          %get3A_1060 = arith.index_cast %add3A_1050 : i32 to index
          %get3A_1061 = arith.constant 48 : index
          %get3A_1062 = tpu.vector_load %arg7[%get3A_1060, %get3A_1061] {strides = array<i32>} : memref<64x128xf32, #tpu.memory_space<vmem>>, vector<16xf32>,
          %get3A_1063 = arith.index_cast %add3A_1050 : i32 to index
          %get3A_1064 = arith.constant 64 : index
          %get3A_1065 = tpu.vector_load %arg7[%get3A_1063, %get3A_1064] {strides = array<i32>} : memref<64x128xf32, #tpu.memory_space<vmem>>, vector<16xf32>,
          %get3A_1066 = arith.index_cast %add3A_1050 : i32 to index
          %get3A_1067 = arith.constant 80 : index
          %get3A_1068 = tpu.vector_load %arg7[%get3A_1066, %get3A_1067] {strides = array<i32>} : memref<64x128xf32, #tpu.memory_space<vmem>>, vector<16xf32>,
          %get3A_1069 = arith.index_cast %add3A_1050 : i32 to index
          %get3A_1070 = arith.constant 96 : index
          %get3A_1071 = tpu.vector_load %arg7[%get3A_1069, %get3A_1070] {strides = array<i32>} : memref<64x128xf32, #tpu.memory_space<vmem>>, vector<16xf32>,
          %get3A_1072 = arith.index_cast %add3A_1050 : i32 to index
          %get3A_1073 = arith.constant 112 : index
          %get3A_1074 = tpu.vector_load %arg7[%get3A_1072, %get3A_1073] {strides = array<i32>} : memref<64x128xf32, #tpu.memory_space<vmem>>, vector<16xf32>,
          %get3A_1075 = arith.index_cast %add3A_1050 : i32 to index
          %get3A_1076 = arith.constant 0 : index
          %get3A_1077 = tpu.vector_load %arg9[%get3A_1075, %get3A_1076] {strides = array<i32>} : memref<64x128xf32, #tpu.memory_space<vmem>>, vector<16xf32>,
          %get3A_1078 = arith.index_cast %add3A_1050 : i32 to index
          %get3A_1079 = arith.constant 16 : index
          %get3A_1080 = tpu.vector_load %arg9[%get3A_1078, %get3A_1079] {strides = array<i32>} : memref<64x128xf32, #tpu.memory_space<vmem>>, vector<16xf32>,
          %get3A_1081 = arith.index_cast %add3A_1050 : i32 to index
          %get3A_1082 = arith.constant 32 : index
          %get3A_1083 = tpu.vector_load %arg9[%get3A_1081, %get3A_1082] {strides = array<i32>} : memref<64x128xf32, #tpu.memory_space<vmem>>, vector<16xf32>,
          %get3A_1084 = arith.index_cast %add3A_1050 : i32 to index
          %get3A_1085 = arith.constant 48 : index
          %get3A_1086 = tpu.vector_load %arg9[%get3A_1084, %get3A_1085] {strides = array<i32>} : memref<64x128xf32, #tpu.memory_space<vmem>>, vector<16xf32>,
          %get3A_1087 = arith.index_cast %add3A_1050 : i32 to index
          %get3A_1088 = arith.constant 64 : index
          %get3A_1089 = tpu.vector_load %arg9[%get3A_1087, %get3A_1088] {strides = array<i32>} : memref<64x128xf32, #tpu.memory_space<vmem>>, vector<16xf32>,
          %get3A_1090 = arith.index_cast %add3A_1050 : i32 to index
          %get3A_1091 = arith.constant 80 : index
          %get3A_1092 = tpu.vector_load %arg9[%get3A_1090, %get3A_1091] {strides = array<i32>} : memref<64x128xf32, #tpu.memory_space<vmem>>, vector<16xf32>,
          %get3A_1093 = arith.index_cast %add3A_1050 : i32 to index
          %get3A_1094 = arith.constant 96 : index
          %get3A_1095 = tpu.vector_load %arg9[%get3A_1093, %get3A_1094] {strides = array<i32>} : memref<64x128xf32, #tpu.memory_space<vmem>>, vector<16xf32>,
          %get3A_1096 = arith.index_cast %add3A_1050 : i32 to index
          %get3A_1097 = arith.constant 112 : index
          %get3A_1098 = tpu.vector_load %arg9[%get3A_1096, %get3A_1097] {strides = array<i32>} : memref<64x128xf32, #tpu.memory_space<vmem>>, vector<16xf32>,
          %mul3A_1099 = arith.mulf %get3A_980, %get3A_1004 : vector<16xf32>
          %mul3A_1100 = arith.mulf %get3A_983, %get3A_1007 : vector<16xf32>
          %mul3A_1101 = arith.mulf %get3A_986, %get3A_1010 : vector<16xf32>
          %mul3A_1102 = arith.mulf %get3A_989, %get3A_1013 : vector<16xf32>
          %mul3A_1103 = arith.mulf %get3A_992, %get3A_1016 : vector<16xf32>
          %mul3A_1104 = arith.mulf %get3A_995, %get3A_1019 : vector<16xf32>
          %mul3A_1105 = arith.mulf %get3A_998, %get3A_1022 : vector<16xf32>
          %mul3A_1106 = arith.mulf %get3A_1001, %get3A_1025 : vector<16xf32>
          %add3A_1107 = arith.addf %mul3A_1099, %mul3A_1100 : vector<16xf32>
          %add3A_1108 = arith.addf %mul3A_1101, %mul3A_1102 : vector<16xf32>
          %add3A_1109 = arith.addf %mul3A_1103, %mul3A_1104 : vector<16xf32>
          %add3A_1110 = arith.addf %mul3A_1105, %mul3A_1106 : vector<16xf32>
          %add3A_1111 = arith.addf %add3A_1107, %add3A_1108 : vector<16xf32>
          %add3A_1112 = arith.addf %add3A_1109, %add3A_1110 : vector<16xf32>
          %add3A_1113 = arith.addf %add3A_1111, %add3A_1112 : vector<16xf32>
          %swap3A_1114 = arith.constant 11 : i32
          %swap3A_1115 = arith.index_cast %swap3A_1114 : i32 to index
          %swap3A_1116 = arith.constant 0 : index
          %swap3A_1117 = tpu.vector_load %arg13[%swap3A_1115, %swap3A_1116] {strides = array<i32>} : memref<16x17xf32, #tpu.memory_space<vmem>>, vector<16xf32>,
          tpu.vector_store %arg13[%swap3A_1115, %swap3A_1116], %add3A_1113 {strides = array<i32>} : memref<16x17xf32, #tpu.memory_space<vmem>>, vector<16xf32>,
          %mul3A_1118 = arith.constant 16 : i32
          %mul3A_1119 = arith.muli %scan3A_189, %mul3A_1118 : i32
          %add3A_1120 = arith.constant 12 : i32
          %add3A_1121 = arith.addi %mul3A_1119, %add3A_1120 : i32
          %add3A_1122 = arith.constant 1 : i32
          %add3A_1123 = arith.addi %add3A_1121, %add3A_1122 : i32
          %get3A_1124 = arith.index_cast %add3A_1123 : i32 to index
          %get3A_1125 = arith.constant 0 : index
          %get3A_1126 = tpu.vector_load %arg7[%get3A_1124, %get3A_1125] {strides = array<i32>} : memref<64x128xf32, #tpu.memory_space<vmem>>, vector<16xf32>,
          %get3A_1127 = arith.index_cast %add3A_1123 : i32 to index
          %get3A_1128 = arith.constant 16 : index
          %get3A_1129 = tpu.vector_load %arg7[%get3A_1127, %get3A_1128] {strides = array<i32>} : memref<64x128xf32, #tpu.memory_space<vmem>>, vector<16xf32>,
          %get3A_1130 = arith.index_cast %add3A_1123 : i32 to index
          %get3A_1131 = arith.constant 32 : index
          %get3A_1132 = tpu.vector_load %arg7[%get3A_1130, %get3A_1131] {strides = array<i32>} : memref<64x128xf32, #tpu.memory_space<vmem>>, vector<16xf32>,
          %get3A_1133 = arith.index_cast %add3A_1123 : i32 to index
          %get3A_1134 = arith.constant 48 : index
          %get3A_1135 = tpu.vector_load %arg7[%get3A_1133, %get3A_1134] {strides = array<i32>} : memref<64x128xf32, #tpu.memory_space<vmem>>, vector<16xf32>,
          %get3A_1136 = arith.index_cast %add3A_1123 : i32 to index
          %get3A_1137 = arith.constant 64 : index
          %get3A_1138 = tpu.vector_load %arg7[%get3A_1136, %get3A_1137] {strides = array<i32>} : memref<64x128xf32, #tpu.memory_space<vmem>>, vector<16xf32>,
          %get3A_1139 = arith.index_cast %add3A_1123 : i32 to index
          %get3A_1140 = arith.constant 80 : index
          %get3A_1141 = tpu.vector_load %arg7[%get3A_1139, %get3A_1140] {strides = array<i32>} : memref<64x128xf32, #tpu.memory_space<vmem>>, vector<16xf32>,
          %get3A_1142 = arith.index_cast %add3A_1123 : i32 to index
          %get3A_1143 = arith.constant 96 : index
          %get3A_1144 = tpu.vector_load %arg7[%get3A_1142, %get3A_1143] {strides = array<i32>} : memref<64x128xf32, #tpu.memory_space<vmem>>, vector<16xf32>,
          %get3A_1145 = arith.index_cast %add3A_1123 : i32 to index
          %get3A_1146 = arith.constant 112 : index
          %get3A_1147 = tpu.vector_load %arg7[%get3A_1145, %get3A_1146] {strides = array<i32>} : memref<64x128xf32, #tpu.memory_space<vmem>>, vector<16xf32>,
          %get3A_1148 = arith.index_cast %add3A_1123 : i32 to index
          %get3A_1149 = arith.constant 0 : index
          %get3A_1150 = tpu.vector_load %arg9[%get3A_1148, %get3A_1149] {strides = array<i32>} : memref<64x128xf32, #tpu.memory_space<vmem>>, vector<16xf32>,
          %get3A_1151 = arith.index_cast %add3A_1123 : i32 to index
          %get3A_1152 = arith.constant 16 : index
          %get3A_1153 = tpu.vector_load %arg9[%get3A_1151, %get3A_1152] {strides = array<i32>} : memref<64x128xf32, #tpu.memory_space<vmem>>, vector<16xf32>,
          %get3A_1154 = arith.index_cast %add3A_1123 : i32 to index
          %get3A_1155 = arith.constant 32 : index
          %get3A_1156 = tpu.vector_load %arg9[%get3A_1154, %get3A_1155] {strides = array<i32>} : memref<64x128xf32, #tpu.memory_space<vmem>>, vector<16xf32>,
          %get3A_1157 = arith.index_cast %add3A_1123 : i32 to index
          %get3A_1158 = arith.constant 48 : index
          %get3A_1159 = tpu.vector_load %arg9[%get3A_1157, %get3A_1158] {strides = array<i32>} : memref<64x128xf32, #tpu.memory_space<vmem>>, vector<16xf32>,
          %get3A_1160 = arith.index_cast %add3A_1123 : i32 to index
          %get3A_1161 = arith.constant 64 : index
          %get3A_1162 = tpu.vector_load %arg9[%get3A_1160, %get3A_1161] {strides = array<i32>} : memref<64x128xf32, #tpu.memory_space<vmem>>, vector<16xf32>,
          %get3A_1163 = arith.index_cast %add3A_1123 : i32 to index
          %get3A_1164 = arith.constant 80 : index
          %get3A_1165 = tpu.vector_load %arg9[%get3A_1163, %get3A_1164] {strides = array<i32>} : memref<64x128xf32, #tpu.memory_space<vmem>>, vector<16xf32>,
          %get3A_1166 = arith.index_cast %add3A_1123 : i32 to index
          %get3A_1167 = arith.constant 96 : index
          %get3A_1168 = tpu.vector_load %arg9[%get3A_1166, %get3A_1167] {strides = array<i32>} : memref<64x128xf32, #tpu.memory_space<vmem>>, vector<16xf32>,
          %get3A_1169 = arith.index_cast %add3A_1123 : i32 to index
          %get3A_1170 = arith.constant 112 : index
          %get3A_1171 = tpu.vector_load %arg9[%get3A_1169, %get3A_1170] {strides = array<i32>} : memref<64x128xf32, #tpu.memory_space<vmem>>, vector<16xf32>,
          %mul3A_1172 = arith.mulf %get3A_1053, %get3A_1077 : vector<16xf32>
          %mul3A_1173 = arith.mulf %get3A_1056, %get3A_1080 : vector<16xf32>
          %mul3A_1174 = arith.mulf %get3A_1059, %get3A_1083 : vector<16xf32>
          %mul3A_1175 = arith.mulf %get3A_1062, %get3A_1086 : vector<16xf32>
          %mul3A_1176 = arith.mulf %get3A_1065, %get3A_1089 : vector<16xf32>
          %mul3A_1177 = arith.mulf %get3A_1068, %get3A_1092 : vector<16xf32>
          %mul3A_1178 = arith.mulf %get3A_1071, %get3A_1095 : vector<16xf32>
          %mul3A_1179 = arith.mulf %get3A_1074, %get3A_1098 : vector<16xf32>
          %add3A_1180 = arith.addf %mul3A_1172, %mul3A_1173 : vector<16xf32>
          %add3A_1181 = arith.addf %mul3A_1174, %mul3A_1175 : vector<16xf32>
          %add3A_1182 = arith.addf %mul3A_1176, %mul3A_1177 : vector<16xf32>
          %add3A_1183 = arith.addf %mul3A_1178, %mul3A_1179 : vector<16xf32>
          %add3A_1184 = arith.addf %add3A_1180, %add3A_1181 : vector<16xf32>
          %add3A_1185 = arith.addf %add3A_1182, %add3A_1183 : vector<16xf32>
          %add3A_1186 = arith.addf %add3A_1184, %add3A_1185 : vector<16xf32>
          %swap3A_1187 = arith.constant 12 : i32
          %swap3A_1188 = arith.index_cast %swap3A_1187 : i32 to index
          %swap3A_1189 = arith.constant 0 : index
          %swap3A_1190 = tpu.vector_load %arg13[%swap3A_1188, %swap3A_1189] {strides = array<i32>} : memref<16x17xf32, #tpu.memory_space<vmem>>, vector<16xf32>,
          tpu.vector_store %arg13[%swap3A_1188, %swap3A_1189], %add3A_1186 {strides = array<i32>} : memref<16x17xf32, #tpu.memory_space<vmem>>, vector<16xf32>,
          %mul3A_1191 = arith.constant 16 : i32
          %mul3A_1192 = arith.muli %scan3A_189, %mul3A_1191 : i32
          %add3A_1193 = arith.constant 13 : i32
          %add3A_1194 = arith.addi %mul3A_1192, %add3A_1193 : i32
          %add3A_1195 = arith.constant 1 : i32
          %add3A_1196 = arith.addi %add3A_1194, %add3A_1195 : i32
          %get3A_1197 = arith.index_cast %add3A_1196 : i32 to index
          %get3A_1198 = arith.constant 0 : index
          %get3A_1199 = tpu.vector_load %arg7[%get3A_1197, %get3A_1198] {strides = array<i32>} : memref<64x128xf32, #tpu.memory_space<vmem>>, vector<16xf32>,
          %get3A_1200 = arith.index_cast %add3A_1196 : i32 to index
          %get3A_1201 = arith.constant 16 : index
          %get3A_1202 = tpu.vector_load %arg7[%get3A_1200, %get3A_1201] {strides = array<i32>} : memref<64x128xf32, #tpu.memory_space<vmem>>, vector<16xf32>,
          %get3A_1203 = arith.index_cast %add3A_1196 : i32 to index
          %get3A_1204 = arith.constant 32 : index
          %get3A_1205 = tpu.vector_load %arg7[%get3A_1203, %get3A_1204] {strides = array<i32>} : memref<64x128xf32, #tpu.memory_space<vmem>>, vector<16xf32>,
          %get3A_1206 = arith.index_cast %add3A_1196 : i32 to index
          %get3A_1207 = arith.constant 48 : index
          %get3A_1208 = tpu.vector_load %arg7[%get3A_1206, %get3A_1207] {strides = array<i32>} : memref<64x128xf32, #tpu.memory_space<vmem>>, vector<16xf32>,
          %get3A_1209 = arith.index_cast %add3A_1196 : i32 to index
          %get3A_1210 = arith.constant 64 : index
          %get3A_1211 = tpu.vector_load %arg7[%get3A_1209, %get3A_1210] {strides = array<i32>} : memref<64x128xf32, #tpu.memory_space<vmem>>, vector<16xf32>,
          %get3A_1212 = arith.index_cast %add3A_1196 : i32 to index
          %get3A_1213 = arith.constant 80 : index
          %get3A_1214 = tpu.vector_load %arg7[%get3A_1212, %get3A_1213] {strides = array<i32>} : memref<64x128xf32, #tpu.memory_space<vmem>>, vector<16xf32>,
          %get3A_1215 = arith.index_cast %add3A_1196 : i32 to index
          %get3A_1216 = arith.constant 96 : index
          %get3A_1217 = tpu.vector_load %arg7[%get3A_1215, %get3A_1216] {strides = array<i32>} : memref<64x128xf32, #tpu.memory_space<vmem>>, vector<16xf32>,
          %get3A_1218 = arith.index_cast %add3A_1196 : i32 to index
          %get3A_1219 = arith.constant 112 : index
          %get3A_1220 = tpu.vector_load %arg7[%get3A_1218, %get3A_1219] {strides = array<i32>} : memref<64x128xf32, #tpu.memory_space<vmem>>, vector<16xf32>,
          %get3A_1221 = arith.index_cast %add3A_1196 : i32 to index
          %get3A_1222 = arith.constant 0 : index
          %get3A_1223 = tpu.vector_load %arg9[%get3A_1221, %get3A_1222] {strides = array<i32>} : memref<64x128xf32, #tpu.memory_space<vmem>>, vector<16xf32>,
          %get3A_1224 = arith.index_cast %add3A_1196 : i32 to index
          %get3A_1225 = arith.constant 16 : index
          %get3A_1226 = tpu.vector_load %arg9[%get3A_1224, %get3A_1225] {strides = array<i32>} : memref<64x128xf32, #tpu.memory_space<vmem>>, vector<16xf32>,
          %get3A_1227 = arith.index_cast %add3A_1196 : i32 to index
          %get3A_1228 = arith.constant 32 : index
          %get3A_1229 = tpu.vector_load %arg9[%get3A_1227, %get3A_1228] {strides = array<i32>} : memref<64x128xf32, #tpu.memory_space<vmem>>, vector<16xf32>,
          %get3A_1230 = arith.index_cast %add3A_1196 : i32 to index
          %get3A_1231 = arith.constant 48 : index
          %get3A_1232 = tpu.vector_load %arg9[%get3A_1230, %get3A_1231] {strides = array<i32>} : memref<64x128xf32, #tpu.memory_space<vmem>>, vector<16xf32>,
          %get3A_1233 = arith.index_cast %add3A_1196 : i32 to index
          %get3A_1234 = arith.constant 64 : index
          %get3A_1235 = tpu.vector_load %arg9[%get3A_1233, %get3A_1234] {strides = array<i32>} : memref<64x128xf32, #tpu.memory_space<vmem>>, vector<16xf32>,
          %get3A_1236 = arith.index_cast %add3A_1196 : i32 to index
          %get3A_1237 = arith.constant 80 : index
          %get3A_1238 = tpu.vector_load %arg9[%get3A_1236, %get3A_1237] {strides = array<i32>} : memref<64x128xf32, #tpu.memory_space<vmem>>, vector<16xf32>,
          %get3A_1239 = arith.index_cast %add3A_1196 : i32 to index
          %get3A_1240 = arith.constant 96 : index
          %get3A_1241 = tpu.vector_load %arg9[%get3A_1239, %get3A_1240] {strides = array<i32>} : memref<64x128xf32, #tpu.memory_space<vmem>>, vector<16xf32>,
          %get3A_1242 = arith.index_cast %add3A_1196 : i32 to index
          %get3A_1243 = arith.constant 112 : index
          %get3A_1244 = tpu.vector_load %arg9[%get3A_1242, %get3A_1243] {strides = array<i32>} : memref<64x128xf32, #tpu.memory_space<vmem>>, vector<16xf32>,
          %mul3A_1245 = arith.mulf %get3A_1126, %get3A_1150 : vector<16xf32>
          %mul3A_1246 = arith.mulf %get3A_1129, %get3A_1153 : vector<16xf32>
          %mul3A_1247 = arith.mulf %get3A_1132, %get3A_1156 : vector<16xf32>
          %mul3A_1248 = arith.mulf %get3A_1135, %get3A_1159 : vector<16xf32>
          %mul3A_1249 = arith.mulf %get3A_1138, %get3A_1162 : vector<16xf32>
          %mul3A_1250 = arith.mulf %get3A_1141, %get3A_1165 : vector<16xf32>
          %mul3A_1251 = arith.mulf %get3A_1144, %get3A_1168 : vector<16xf32>
          %mul3A_1252 = arith.mulf %get3A_1147, %get3A_1171 : vector<16xf32>
          %add3A_1253 = arith.addf %mul3A_1245, %mul3A_1246 : vector<16xf32>
          %add3A_1254 = arith.addf %mul3A_1247, %mul3A_1248 : vector<16xf32>
          %add3A_1255 = arith.addf %mul3A_1249, %mul3A_1250 : vector<16xf32>
          %add3A_1256 = arith.addf %mul3A_1251, %mul3A_1252 : vector<16xf32>
          %add3A_1257 = arith.addf %add3A_1253, %add3A_1254 : vector<16xf32>
          %add3A_1258 = arith.addf %add3A_1255, %add3A_1256 : vector<16xf32>
          %add3A_1259 = arith.addf %add3A_1257, %add3A_1258 : vector<16xf32>
          %swap3A_1260 = arith.constant 13 : i32
          %swap3A_1261 = arith.index_cast %swap3A_1260 : i32 to index
          %swap3A_1262 = arith.constant 0 : index
          %swap3A_1263 = tpu.vector_load %arg13[%swap3A_1261, %swap3A_1262] {strides = array<i32>} : memref<16x17xf32, #tpu.memory_space<vmem>>, vector<16xf32>,
          tpu.vector_store %arg13[%swap3A_1261, %swap3A_1262], %add3A_1259 {strides = array<i32>} : memref<16x17xf32, #tpu.memory_space<vmem>>, vector<16xf32>,
          %mul3A_1264 = arith.constant 16 : i32
          %mul3A_1265 = arith.muli %scan3A_189, %mul3A_1264 : i32
          %add3A_1266 = arith.constant 14 : i32
          %add3A_1267 = arith.addi %mul3A_1265, %add3A_1266 : i32
          %add3A_1268 = arith.constant 1 : i32
          %add3A_1269 = arith.addi %add3A_1267, %add3A_1268 : i32
          %get3A_1270 = arith.index_cast %add3A_1269 : i32 to index
          %get3A_1271 = arith.constant 0 : index
          %get3A_1272 = tpu.vector_load %arg7[%get3A_1270, %get3A_1271] {strides = array<i32>} : memref<64x128xf32, #tpu.memory_space<vmem>>, vector<16xf32>,
          %get3A_1273 = arith.index_cast %add3A_1269 : i32 to index
          %get3A_1274 = arith.constant 16 : index
          %get3A_1275 = tpu.vector_load %arg7[%get3A_1273, %get3A_1274] {strides = array<i32>} : memref<64x128xf32, #tpu.memory_space<vmem>>, vector<16xf32>,
          %get3A_1276 = arith.index_cast %add3A_1269 : i32 to index
          %get3A_1277 = arith.constant 32 : index
          %get3A_1278 = tpu.vector_load %arg7[%get3A_1276, %get3A_1277] {strides = array<i32>} : memref<64x128xf32, #tpu.memory_space<vmem>>, vector<16xf32>,
          %get3A_1279 = arith.index_cast %add3A_1269 : i32 to index
          %get3A_1280 = arith.constant 48 : index
          %get3A_1281 = tpu.vector_load %arg7[%get3A_1279, %get3A_1280] {strides = array<i32>} : memref<64x128xf32, #tpu.memory_space<vmem>>, vector<16xf32>,
          %get3A_1282 = arith.index_cast %add3A_1269 : i32 to index
          %get3A_1283 = arith.constant 64 : index
          %get3A_1284 = tpu.vector_load %arg7[%get3A_1282, %get3A_1283] {strides = array<i32>} : memref<64x128xf32, #tpu.memory_space<vmem>>, vector<16xf32>,
          %get3A_1285 = arith.index_cast %add3A_1269 : i32 to index
          %get3A_1286 = arith.constant 80 : index
          %get3A_1287 = tpu.vector_load %arg7[%get3A_1285, %get3A_1286] {strides = array<i32>} : memref<64x128xf32, #tpu.memory_space<vmem>>, vector<16xf32>,
          %get3A_1288 = arith.index_cast %add3A_1269 : i32 to index
          %get3A_1289 = arith.constant 96 : index
          %get3A_1290 = tpu.vector_load %arg7[%get3A_1288, %get3A_1289] {strides = array<i32>} : memref<64x128xf32, #tpu.memory_space<vmem>>, vector<16xf32>,
          %get3A_1291 = arith.index_cast %add3A_1269 : i32 to index
          %get3A_1292 = arith.constant 112 : index
          %get3A_1293 = tpu.vector_load %arg7[%get3A_1291, %get3A_1292] {strides = array<i32>} : memref<64x128xf32, #tpu.memory_space<vmem>>, vector<16xf32>,
          %get3A_1294 = arith.index_cast %add3A_1269 : i32 to index
          %get3A_1295 = arith.constant 0 : index
          %get3A_1296 = tpu.vector_load %arg9[%get3A_1294, %get3A_1295] {strides = array<i32>} : memref<64x128xf32, #tpu.memory_space<vmem>>, vector<16xf32>,
          %get3A_1297 = arith.index_cast %add3A_1269 : i32 to index
          %get3A_1298 = arith.constant 16 : index
          %get3A_1299 = tpu.vector_load %arg9[%get3A_1297, %get3A_1298] {strides = array<i32>} : memref<64x128xf32, #tpu.memory_space<vmem>>, vector<16xf32>,
          %get3A_1300 = arith.index_cast %add3A_1269 : i32 to index
          %get3A_1301 = arith.constant 32 : index
          %get3A_1302 = tpu.vector_load %arg9[%get3A_1300, %get3A_1301] {strides = array<i32>} : memref<64x128xf32, #tpu.memory_space<vmem>>, vector<16xf32>,
          %get3A_1303 = arith.index_cast %add3A_1269 : i32 to index
          %get3A_1304 = arith.constant 48 : index
          %get3A_1305 = tpu.vector_load %arg9[%get3A_1303, %get3A_1304] {strides = array<i32>} : memref<64x128xf32, #tpu.memory_space<vmem>>, vector<16xf32>,
          %get3A_1306 = arith.index_cast %add3A_1269 : i32 to index
          %get3A_1307 = arith.constant 64 : index
          %get3A_1308 = tpu.vector_load %arg9[%get3A_1306, %get3A_1307] {strides = array<i32>} : memref<64x128xf32, #tpu.memory_space<vmem>>, vector<16xf32>,
          %get3A_1309 = arith.index_cast %add3A_1269 : i32 to index
          %get3A_1310 = arith.constant 80 : index
          %get3A_1311 = tpu.vector_load %arg9[%get3A_1309, %get3A_1310] {strides = array<i32>} : memref<64x128xf32, #tpu.memory_space<vmem>>, vector<16xf32>,
          %get3A_1312 = arith.index_cast %add3A_1269 : i32 to index
          %get3A_1313 = arith.constant 96 : index
          %get3A_1314 = tpu.vector_load %arg9[%get3A_1312, %get3A_1313] {strides = array<i32>} : memref<64x128xf32, #tpu.memory_space<vmem>>, vector<16xf32>,
          %get3A_1315 = arith.index_cast %add3A_1269 : i32 to index
          %get3A_1316 = arith.constant 112 : index
          %get3A_1317 = tpu.vector_load %arg9[%get3A_1315, %get3A_1316] {strides = array<i32>} : memref<64x128xf32, #tpu.memory_space<vmem>>, vector<16xf32>,
          %mul3A_1318 = arith.mulf %get3A_1199, %get3A_1223 : vector<16xf32>
          %mul3A_1319 = arith.mulf %get3A_1202, %get3A_1226 : vector<16xf32>
          %mul3A_1320 = arith.mulf %get3A_1205, %get3A_1229 : vector<16xf32>
          %mul3A_1321 = arith.mulf %get3A_1208, %get3A_1232 : vector<16xf32>
          %mul3A_1322 = arith.mulf %get3A_1211, %get3A_1235 : vector<16xf32>
          %mul3A_1323 = arith.mulf %get3A_1214, %get3A_1238 : vector<16xf32>
          %mul3A_1324 = arith.mulf %get3A_1217, %get3A_1241 : vector<16xf32>
          %mul3A_1325 = arith.mulf %get3A_1220, %get3A_1244 : vector<16xf32>
          %add3A_1326 = arith.addf %mul3A_1318, %mul3A_1319 : vector<16xf32>
          %add3A_1327 = arith.addf %mul3A_1320, %mul3A_1321 : vector<16xf32>
          %add3A_1328 = arith.addf %mul3A_1322, %mul3A_1323 : vector<16xf32>
          %add3A_1329 = arith.addf %mul3A_1324, %mul3A_1325 : vector<16xf32>
          %add3A_1330 = arith.addf %add3A_1326, %add3A_1327 : vector<16xf32>
          %add3A_1331 = arith.addf %add3A_1328, %add3A_1329 : vector<16xf32>
          %add3A_1332 = arith.addf %add3A_1330, %add3A_1331 : vector<16xf32>
          %swap3A_1333 = arith.constant 14 : i32
          %swap3A_1334 = arith.index_cast %swap3A_1333 : i32 to index
          %swap3A_1335 = arith.constant 0 : index
          %swap3A_1336 = tpu.vector_load %arg13[%swap3A_1334, %swap3A_1335] {strides = array<i32>} : memref<16x17xf32, #tpu.memory_space<vmem>>, vector<16xf32>,
          tpu.vector_store %arg13[%swap3A_1334, %swap3A_1335], %add3A_1332 {strides = array<i32>} : memref<16x17xf32, #tpu.memory_space<vmem>>, vector<16xf32>,
          %mul3A_1337 = arith.mulf %get3A_1272, %get3A_1296 : vector<16xf32>
          %mul3A_1338 = arith.mulf %get3A_1275, %get3A_1299 : vector<16xf32>
          %mul3A_1339 = arith.mulf %get3A_1278, %get3A_1302 : vector<16xf32>
          %mul3A_1340 = arith.mulf %get3A_1281, %get3A_1305 : vector<16xf32>
          %mul3A_1341 = arith.mulf %get3A_1284, %get3A_1308 : vector<16xf32>
          %mul3A_1342 = arith.mulf %get3A_1287, %get3A_1311 : vector<16xf32>
          %mul3A_1343 = arith.mulf %get3A_1290, %get3A_1314 : vector<16xf32>
          %mul3A_1344 = arith.mulf %get3A_1293, %get3A_1317 : vector<16xf32>
          %add3A_1345 = arith.addf %mul3A_1337, %mul3A_1338 : vector<16xf32>
          %add3A_1346 = arith.addf %mul3A_1339, %mul3A_1340 : vector<16xf32>
          %add3A_1347 = arith.addf %mul3A_1341, %mul3A_1342 : vector<16xf32>
          %add3A_1348 = arith.addf %mul3A_1343, %mul3A_1344 : vector<16xf32>
          %add3A_1349 = arith.addf %add3A_1345, %add3A_1346 : vector<16xf32>
          %add3A_1350 = arith.addf %add3A_1347, %add3A_1348 : vector<16xf32>
          %add3A_1351 = arith.addf %add3A_1349, %add3A_1350 : vector<16xf32>
          %swap3A_1352 = arith.constant 15 : i32
          %swap3A_1353 = arith.index_cast %swap3A_1352 : i32 to index
          %swap3A_1354 = arith.constant 0 : index
          %swap3A_1355 = tpu.vector_load %arg13[%swap3A_1353, %swap3A_1354] {strides = array<i32>} : memref<16x17xf32, #tpu.memory_space<vmem>>, vector<16xf32>,
          tpu.vector_store %arg13[%swap3A_1353, %swap3A_1354], %add3A_1351 {strides = array<i32>} : memref<16x17xf32, #tpu.memory_space<vmem>>, vector<16xf32>,
          %broadcast_in_dim3A = arith.constant 0 : i32
          %broadcast_in_dim3A_1356 = vector.broadcast %broadcast_in_dim3A : i32 to vector<16xi32>
          %gather3A = tpu.vector_load_idx %arg13[%iota3A, %broadcast_in_dim3A_1356] : memref<16x17xf32, #tpu.memory_space<vmem>>[vector<16xi32>, vector<16xi32>], vector<16xf32>,
          %broadcast_in_dim3A_1357 = arith.constant 1 : i32
          %broadcast_in_dim3A_1358 = vector.broadcast %broadcast_in_dim3A_1357 : i32 to vector<16xi32>
          %gather3A_1359 = tpu.vector_load_idx %arg13[%iota3A, %broadcast_in_dim3A_1358] : memref<16x17xf32, #tpu.memory_space<vmem>>[vector<16xi32>, vector<16xi32>], vector<16xf32>,
          %broadcast_in_dim3A_1360 = arith.constant 2 : i32
          %broadcast_in_dim3A_1361 = vector.broadcast %broadcast_in_dim3A_1360 : i32 to vector<16xi32>
          %gather3A_1362 = tpu.vector_load_idx %arg13[%iota3A, %broadcast_in_dim3A_1361] : memref<16x17xf32, #tpu.memory_space<vmem>>[vector<16xi32>, vector<16xi32>], vector<16xf32>,
          %broadcast_in_dim3A_1363 = arith.constant 3 : i32
          %broadcast_in_dim3A_1364 = vector.broadcast %broadcast_in_dim3A_1363 : i32 to vector<16xi32>
          %gather3A_1365 = tpu.vector_load_idx %arg13[%iota3A, %broadcast_in_dim3A_1364] : memref<16x17xf32, #tpu.memory_space<vmem>>[vector<16xi32>, vector<16xi32>], vector<16xf32>,
          %broadcast_in_dim3A_1366 = arith.constant 4 : i32
          %broadcast_in_dim3A_1367 = vector.broadcast %broadcast_in_dim3A_1366 : i32 to vector<16xi32>
          %gather3A_1368 = tpu.vector_load_idx %arg13[%iota3A, %broadcast_in_dim3A_1367] : memref<16x17xf32, #tpu.memory_space<vmem>>[vector<16xi32>, vector<16xi32>], vector<16xf32>,
          %broadcast_in_dim3A_1369 = arith.constant 5 : i32
          %broadcast_in_dim3A_1370 = vector.broadcast %broadcast_in_dim3A_1369 : i32 to vector<16xi32>
          %gather3A_1371 = tpu.vector_load_idx %arg13[%iota3A, %broadcast_in_dim3A_1370] : memref<16x17xf32, #tpu.memory_space<vmem>>[vector<16xi32>, vector<16xi32>], vector<16xf32>,
          %broadcast_in_dim3A_1372 = arith.constant 6 : i32
          %broadcast_in_dim3A_1373 = vector.broadcast %broadcast_in_dim3A_1372 : i32 to vector<16xi32>
          %gather3A_1374 = tpu.vector_load_idx %arg13[%iota3A, %broadcast_in_dim3A_1373] : memref<16x17xf32, #tpu.memory_space<vmem>>[vector<16xi32>, vector<16xi32>], vector<16xf32>,
          %broadcast_in_dim3A_1375 = arith.constant 7 : i32
          %broadcast_in_dim3A_1376 = vector.broadcast %broadcast_in_dim3A_1375 : i32 to vector<16xi32>
          %gather3A_1377 = tpu.vector_load_idx %arg13[%iota3A, %broadcast_in_dim3A_1376] : memref<16x17xf32, #tpu.memory_space<vmem>>[vector<16xi32>, vector<16xi32>], vector<16xf32>,
          %broadcast_in_dim3A_1378 = arith.constant 8 : i32
          %broadcast_in_dim3A_1379 = vector.broadcast %broadcast_in_dim3A_1378 : i32 to vector<16xi32>
          %gather3A_1380 = tpu.vector_load_idx %arg13[%iota3A, %broadcast_in_dim3A_1379] : memref<16x17xf32, #tpu.memory_space<vmem>>[vector<16xi32>, vector<16xi32>], vector<16xf32>,
          %broadcast_in_dim3A_1381 = arith.constant 9 : i32
          %broadcast_in_dim3A_1382 = vector.broadcast %broadcast_in_dim3A_1381 : i32 to vector<16xi32>
          %gather3A_1383 = tpu.vector_load_idx %arg13[%iota3A, %broadcast_in_dim3A_1382] : memref<16x17xf32, #tpu.memory_space<vmem>>[vector<16xi32>, vector<16xi32>], vector<16xf32>,
          %broadcast_in_dim3A_1384 = arith.constant 10 : i32
          %broadcast_in_dim3A_1385 = vector.broadcast %broadcast_in_dim3A_1384 : i32 to vector<16xi32>
          %gather3A_1386 = tpu.vector_load_idx %arg13[%iota3A, %broadcast_in_dim3A_1385] : memref<16x17xf32, #tpu.memory_space<vmem>>[vector<16xi32>, vector<16xi32>], vector<16xf32>,
          %broadcast_in_dim3A_1387 = arith.constant 11 : i32
          %broadcast_in_dim3A_1388 = vector.broadcast %broadcast_in_dim3A_1387 : i32 to vector<16xi32>
          %gather3A_1389 = tpu.vector_load_idx %arg13[%iota3A, %broadcast_in_dim3A_1388] : memref<16x17xf32, #tpu.memory_space<vmem>>[vector<16xi32>, vector<16xi32>], vector<16xf32>,
          %broadcast_in_dim3A_1390 = arith.constant 12 : i32
          %broadcast_in_dim3A_1391 = vector.broadcast %broadcast_in_dim3A_1390 : i32 to vector<16xi32>
          %gather3A_1392 = tpu.vector_load_idx %arg13[%iota3A, %broadcast_in_dim3A_1391] : memref<16x17xf32, #tpu.memory_space<vmem>>[vector<16xi32>, vector<16xi32>], vector<16xf32>,
          %broadcast_in_dim3A_1393 = arith.constant 13 : i32
          %broadcast_in_dim3A_1394 = vector.broadcast %broadcast_in_dim3A_1393 : i32 to vector<16xi32>
          %gather3A_1395 = tpu.vector_load_idx %arg13[%iota3A, %broadcast_in_dim3A_1394] : memref<16x17xf32, #tpu.memory_space<vmem>>[vector<16xi32>, vector<16xi32>], vector<16xf32>,
          %broadcast_in_dim3A_1396 = arith.constant 14 : i32
          %broadcast_in_dim3A_1397 = vector.broadcast %broadcast_in_dim3A_1396 : i32 to vector<16xi32>
          %gather3A_1398 = tpu.vector_load_idx %arg13[%iota3A, %broadcast_in_dim3A_1397] : memref<16x17xf32, #tpu.memory_space<vmem>>[vector<16xi32>, vector<16xi32>], vector<16xf32>,
          %broadcast_in_dim3A_1399 = arith.constant 15 : i32
          %broadcast_in_dim3A_1400 = vector.broadcast %broadcast_in_dim3A_1399 : i32 to vector<16xi32>
          %gather3A_1401 = tpu.vector_load_idx %arg13[%iota3A, %broadcast_in_dim3A_1400] : memref<16x17xf32, #tpu.memory_space<vmem>>[vector<16xi32>, vector<16xi32>], vector<16xf32>,
          %add3A_1402 = arith.addf %gather3A, %gather3A_1359 : vector<16xf32>
          %add3A_1403 = arith.addf %gather3A_1362, %gather3A_1365 : vector<16xf32>
          %add3A_1404 = arith.addf %gather3A_1368, %gather3A_1371 : vector<16xf32>
          %add3A_1405 = arith.addf %gather3A_1374, %gather3A_1377 : vector<16xf32>
          %add3A_1406 = arith.addf %gather3A_1380, %gather3A_1383 : vector<16xf32>
          %add3A_1407 = arith.addf %gather3A_1386, %gather3A_1389 : vector<16xf32>
          %add3A_1408 = arith.addf %gather3A_1392, %gather3A_1395 : vector<16xf32>
          %add3A_1409 = arith.addf %gather3A_1398, %gather3A_1401 : vector<16xf32>
          %add3A_1410 = arith.addf %add3A_1402, %add3A_1403 : vector<16xf32>
          %add3A_1411 = arith.addf %add3A_1404, %add3A_1405 : vector<16xf32>
          %add3A_1412 = arith.addf %add3A_1406, %add3A_1407 : vector<16xf32>
          %add3A_1413 = arith.addf %add3A_1408, %add3A_1409 : vector<16xf32>
          %add3A_1414 = arith.addf %add3A_1410, %add3A_1411 : vector<16xf32>
          %add3A_1415 = arith.addf %add3A_1412, %add3A_1413 : vector<16xf32>
          %add3A_1416 = arith.addf %add3A_1414, %add3A_1415 : vector<16xf32>
          tpu.vector_store_idx %arg11[%add3A_193], %add3A_1416 : memref<64xf32, #tpu.memory_space<vmem>>[vector<16xi32>], vector<16xf32>,
        }
        %scan3A_185 = arith.constant 4 : i32
        %mul3A_186 = arith.constant 64 : i32
        %mul3A_187 = arith.muli %add3A_122, %mul3A_186 : i32
        %dma_start3A = tpu.memref_slice %arg4[%mul3A_187] : memref<320000xf32, #tpu.memory_space<hbm>> -> memref<64xf32, #tpu.memory_space<hbm>>
        %dma_start3A_188 = tpu.memref_slice %arg4[%mul3A_187] : memref<320000xf32, #tpu.memory_space<hbm>> -> memref<64xf32, #tpu.memory_space<hbm>>
        tpu.enqueue_dma source(%arg11 : memref<64xf32, #tpu.memory_space<vmem>>) target(%dma_start3A_188 : memref<64xf32, #tpu.memory_space<hbm>>) target_semaphore(%arg21 : memref<!tpu.dma_semaphore, #tpu.memory_space<semaphore_mem>>)
      } else {
      }
      %add3A_128 = arith.constant 1 : i32
      %add3A_129 = arith.addi %mul3A_81, %add3A_128 : i32
      %add3A_130 = arith.constant 1 : i32
      %add3A_131 = arith.addi %add3A_129, %add3A_130 : i32
      %mul3A_132 = arith.constant 32 : i32
      %mul3A_133 = arith.muli %add3A_131, %mul3A_132 : i32
      %add3A_134 = arith.addi %mul3A_133, %add3A : i32
      %lt3A_135 = arith.constant 5000 : i32
      %lt3A_136 = arith.cmpi slt, %add3A_134, %lt3A_135 : i32
      %convert_element_type3A_137 = arith.extui %lt3A_136 : i1 to i32
      %cond3A_138 = arith.constant 0 : i32
      %cond3A_139 = arith.cmpi ne, %convert_element_type3A_137, %cond3A_138 : i32
      scf.if %cond3A_139 {
        %mul3A_176 = arith.constant 32 : i32
        %mul3A_177 = arith.muli %add3A_131, %mul3A_176 : i32
        %add3A_178 = arith.addi %mul3A_177, %add3A : i32
        %dma_wait3A = arith.constant 0 : i32
        %dma_wait3A_179 = arith.constant 0 : i32
        %dma_wait3A_180 = tpu.memref_slice %arg2[%add3A_178, %dma_wait3A, %dma_wait3A_179] : memref<5000x2x64xi32, #tpu.memory_space<hbm>> -> memref<1x2x64xi32, #tpu.memory_space<hbm>>
        %dma_wait3A_181 = tpu.memref_squeeze %dma_wait3A_180 : memref<1x2x64xi32, #tpu.memory_space<hbm>> -> memref<2x64xi32, #tpu.memory_space<hbm>>
        %dma_wait3A_182 = arith.constant 0 : i32
        %dma_wait3A_183 = arith.constant 0 : i32
        %dma_wait3A_184 = tpu.memref_slice %arg2[%add3A_178, %dma_wait3A_182, %dma_wait3A_183] : memref<5000x2x64xi32, #tpu.memory_space<hbm>> -> memref<1x2x64xi32, #tpu.memory_space<hbm>>
        %dma_wait3A_185 = tpu.memref_squeeze %dma_wait3A_184 : memref<1x2x64xi32, #tpu.memory_space<hbm>> -> memref<2x64xi32, #tpu.memory_space<hbm>>
        tpu.wait_dma2 semaphore(%arg19 : memref<!tpu.dma_semaphore, #tpu.memory_space<semaphore_mem>>) src(%dma_wait3A_185 : memref<2x64xi32, #tpu.memory_space<hbm>>) dst(%arg5 : memref<2x64xi32, #tpu.memory_space<vmem>>)
      } else {
      }
      %add3A_140 = arith.constant 1 : i32
      %add3A_141 = arith.addi %add3A_129, %add3A_140 : i32
      %mul3A_142 = arith.constant 32 : i32
      %mul3A_143 = arith.muli %add3A_141, %mul3A_142 : i32
      %add3A_144 = arith.addi %mul3A_143, %add3A : i32
      %lt3A_145 = arith.constant 5000 : i32
      %lt3A_146 = arith.cmpi slt, %add3A_144, %lt3A_145 : i32
      %convert_element_type3A_147 = arith.extui %lt3A_146 : i1 to i32
      %cond3A_148 = arith.constant 0 : i32
      %cond3A_149 = arith.cmpi ne, %convert_element_type3A_147, %cond3A_148 : i32
      scf.if %cond3A_149 {
        %dma_start3A = arith.constant 0 : i32
        %dma_start3A_176 = arith.constant 0 : i32
        %dma_start3A_177 = tpu.memref_slice %arg5[%dma_start3A, %dma_start3A_176] : memref<2x64xi32, #tpu.memory_space<vmem>> -> memref<1x64xi32, #tpu.memory_space<vmem>>
        %dma_start3A_178 = tpu.memref_squeeze %dma_start3A_177 : memref<1x64xi32, #tpu.memory_space<vmem>> -> memref<64xi32, #tpu.memory_space<vmem>>
        %dma_start3A_179 = arith.constant 0 : i32
        %dma_start3A_180 = arith.constant 0 : i32
        %dma_start3A_181 = tpu.memref_slice %arg14[%dma_start3A_179, %dma_start3A_180] : memref<10000x128xf32, #tpu.memory_space<vmem_shared>> -> memref<10000x128xf32, #tpu.memory_space<vmem_shared>>
        tpu.enqueue_indirect_dma source(%dma_start3A_181 : memref<10000x128xf32, #tpu.memory_space<vmem_shared>>) target(%arg7 : memref<64x128xf32, #tpu.memory_space<vmem>>) offsets(%dma_start3A_178 : memref<64xi32, #tpu.memory_space<vmem>>) semaphore(%arg15 : memref<!tpu.dma_semaphore, #tpu.memory_space<semaphore_mem>>)
        %dma_start3A_182 = arith.constant 1 : i32
        %dma_start3A_183 = arith.constant 0 : i32
        %dma_start3A_184 = tpu.memref_slice %arg5[%dma_start3A_182, %dma_start3A_183] : memref<2x64xi32, #tpu.memory_space<vmem>> -> memref<1x64xi32, #tpu.memory_space<vmem>>
        %dma_start3A_185 = tpu.memref_squeeze %dma_start3A_184 : memref<1x64xi32, #tpu.memory_space<vmem>> -> memref<64xi32, #tpu.memory_space<vmem>>
        %dma_start3A_186 = arith.constant 0 : i32
        %dma_start3A_187 = arith.constant 0 : i32
        %dma_start3A_188 = tpu.memref_slice %arg3[%dma_start3A_186, %dma_start3A_187] : memref<10000x128xf32, #tpu.memory_space<hbm>> -> memref<10000x128xf32, #tpu.memory_space<hbm>>
        tpu.enqueue_indirect_dma source(%dma_start3A_188 : memref<10000x128xf32, #tpu.memory_space<hbm>>) target(%arg9 : memref<64x128xf32, #tpu.memory_space<vmem>>) offsets(%dma_start3A_185 : memref<64xi32, #tpu.memory_space<vmem>>) semaphore(%arg17 : memref<!tpu.dma_semaphore, #tpu.memory_space<semaphore_mem>>)
      } else {
      }
      %mul3A_150 = arith.constant 32 : i32
      %mul3A_151 = arith.muli %add3A_129, %mul3A_150 : i32
      %add3A_152 = arith.addi %mul3A_151, %add3A : i32
      %lt3A_153 = arith.constant 5000 : i32
      %lt3A_154 = arith.cmpi slt, %add3A_152, %lt3A_153 : i32
      %convert_element_type3A_155 = arith.extui %lt3A_154 : i1 to i32
      %cond3A_156 = arith.constant 0 : i32
      %cond3A_157 = arith.cmpi ne, %convert_element_type3A_155, %cond3A_156 : i32
      scf.if %cond3A_157 {
        %dma_wait3A = arith.constant 0 : i32
        %dma_wait3A_176 = arith.constant 0 : i32
        %dma_wait3A_177 = tpu.memref_slice %arg6[%dma_wait3A, %dma_wait3A_176] : memref<2x64xi32, #tpu.memory_space<vmem>> -> memref<1x64xi32, #tpu.memory_space<vmem>>
        %dma_wait3A_178 = tpu.memref_squeeze %dma_wait3A_177 : memref<1x64xi32, #tpu.memory_space<vmem>> -> memref<64xi32, #tpu.memory_space<vmem>>
        %dma_wait3A_179 = arith.constant 0 : i32
        %dma_wait3A_180 = arith.constant 0 : i32
        %dma_wait3A_181 = tpu.memref_slice %arg14[%dma_wait3A_179, %dma_wait3A_180] : memref<10000x128xf32, #tpu.memory_space<vmem_shared>> -> memref<10000x128xf32, #tpu.memory_space<vmem_shared>>
        tpu.wait_indirect_dma semaphore(%arg16 : memref<!tpu.dma_semaphore, #tpu.memory_space<semaphore_mem>>) src(%dma_wait3A_181 : memref<10000x128xf32, #tpu.memory_space<vmem_shared>>) dst(%arg8 : memref<64x128xf32, #tpu.memory_space<vmem>>)
        %dma_wait3A_182 = arith.constant 1 : i32
        %dma_wait3A_183 = arith.constant 0 : i32
        %dma_wait3A_184 = tpu.memref_slice %arg6[%dma_wait3A_182, %dma_wait3A_183] : memref<2x64xi32, #tpu.memory_space<vmem>> -> memref<1x64xi32, #tpu.memory_space<vmem>>
        %dma_wait3A_185 = tpu.memref_squeeze %dma_wait3A_184 : memref<1x64xi32, #tpu.memory_space<vmem>> -> memref<64xi32, #tpu.memory_space<vmem>>
        %dma_wait3A_186 = arith.constant 0 : i32
        %dma_wait3A_187 = arith.constant 0 : i32
        %dma_wait3A_188 = tpu.memref_slice %arg3[%dma_wait3A_186, %dma_wait3A_187] : memref<10000x128xf32, #tpu.memory_space<hbm>> -> memref<10000x128xf32, #tpu.memory_space<hbm>>
        tpu.wait_indirect_dma semaphore(%arg18 : memref<!tpu.dma_semaphore, #tpu.memory_space<semaphore_mem>>) src(%dma_wait3A_188 : memref<10000x128xf32, #tpu.memory_space<hbm>>) dst(%arg10 : memref<64x128xf32, #tpu.memory_space<vmem>>)
      } else {
      }
      %add3A_158 = arith.constant 2 : i32
      %add3A_159 = arith.addi %add3A_129, %add3A_158 : i32
      %mul3A_160 = arith.constant 32 : i32
      %mul3A_161 = arith.muli %add3A_159, %mul3A_160 : i32
      %add3A_162 = arith.addi %mul3A_161, %add3A : i32
      %lt3A_163 = arith.constant 5000 : i32
      %lt3A_164 = arith.cmpi slt, %add3A_162, %lt3A_163 : i32
      %convert_element_type3A_165 = arith.extui %lt3A_164 : i1 to i32
      %cond3A_166 = arith.constant 0 : i32
      %cond3A_167 = arith.cmpi ne, %convert_element_type3A_165, %cond3A_166 : i32
      scf.if %cond3A_167 {
        %mul3A_176 = arith.constant 32 : i32
        %mul3A_177 = arith.muli %add3A_159, %mul3A_176 : i32
        %add3A_178 = arith.addi %mul3A_177, %add3A : i32
        %dma_start3A = arith.constant 0 : i32
        %dma_start3A_179 = arith.constant 0 : i32
        %dma_start3A_180 = tpu.memref_slice %arg2[%add3A_178, %dma_start3A, %dma_start3A_179] : memref<5000x2x64xi32, #tpu.memory_space<hbm>> -> memref<1x2x64xi32, #tpu.memory_space<hbm>>
        %dma_start3A_181 = tpu.memref_squeeze %dma_start3A_180 : memref<1x2x64xi32, #tpu.memory_space<hbm>> -> memref<2x64xi32, #tpu.memory_space<hbm>>
        %dma_start3A_182 = arith.constant 0 : i32
        %dma_start3A_183 = arith.constant 0 : i32
        %dma_start3A_184 = tpu.memref_slice %arg2[%add3A_178, %dma_start3A_182, %dma_start3A_183] : memref<5000x2x64xi32, #tpu.memory_space<hbm>> -> memref<1x2x64xi32, #tpu.memory_space<hbm>>
        %dma_start3A_185 = tpu.memref_squeeze %dma_start3A_184 : memref<1x2x64xi32, #tpu.memory_space<hbm>> -> memref<2x64xi32, #tpu.memory_space<hbm>>
        tpu.enqueue_dma source(%dma_start3A_185 : memref<2x64xi32, #tpu.memory_space<hbm>>) target(%arg6 : memref<2x64xi32, #tpu.memory_space<vmem>>) target_semaphore(%arg20 : memref<!tpu.dma_semaphore, #tpu.memory_space<semaphore_mem>>)
      } else {
      }
      %mul3A_168 = arith.constant 32 : i32
      %mul3A_169 = arith.muli %add3A_129, %mul3A_168 : i32
      %add3A_170 = arith.addi %mul3A_169, %add3A : i32
      %lt3A_171 = arith.constant 5000 : i32
      %lt3A_172 = arith.cmpi slt, %add3A_170, %lt3A_171 : i32
      %convert_element_type3A_173 = arith.extui %lt3A_172 : i1 to i32
      %cond3A_174 = arith.constant 0 : i32
      %cond3A_175 = arith.cmpi ne, %convert_element_type3A_173, %cond3A_174 : i32
      scf.if %cond3A_175 {
        %ge3A = arith.constant 2 : i32
        %ge3A_176 = arith.cmpi sge, %add3A_129, %ge3A : i32
        %convert_element_type3A_177 = arith.extui %ge3A_176 : i1 to i32
        %cond3A_178 = arith.constant 0 : i32
        %cond3A_179 = arith.cmpi ne, %convert_element_type3A_177, %cond3A_178 : i32
        scf.if %cond3A_179 {
          %dma_wait3A = arith.constant 0 : i32
          %dma_wait3A_189 = tpu.memref_slice %arg4[%dma_wait3A] : memref<320000xf32, #tpu.memory_space<hbm>> -> memref<64xf32, #tpu.memory_space<hbm>>
          %dma_wait3A_190 = arith.constant 0 : i32
          %dma_wait3A_191 = tpu.memref_slice %arg4[%dma_wait3A_190] : memref<320000xf32, #tpu.memory_space<hbm>> -> memref<64xf32, #tpu.memory_space<hbm>>
          tpu.wait_dma2 semaphore(%arg22 : memref<!tpu.dma_semaphore, #tpu.memory_space<semaphore_mem>>) src(%arg12 : memref<64xf32, #tpu.memory_space<vmem>>) dst(%dma_wait3A_191 : memref<64xf32, #tpu.memory_space<hbm>>)
        } else {
        }
        %scan3A_180 = arith.constant 0 : i32
        %scan3A_181 = arith.constant 0 : i32
        %scan3A_182 = arith.constant 4 : i32
        %scan3A_183 = arith.addi %scan3A_181, %scan3A_182 : i32
        %scan3A_184 = arith.constant 1 : i32
        scf.for %scan3A_189 = %scan3A_181 to %scan3A_183 step %scan3A_184  : i32 {
          %mul3A_190 = arith.constant 16 : i32
          %mul3A_191 = arith.muli %scan3A_189, %mul3A_190 : i32
          %add3A_192 = vector.broadcast %mul3A_191 : i32 to vector<16xi32>
          %add3A_193 = arith.addi %add3A_192, %iota3A : vector<16xi32>
          %mul3A_194 = arith.constant 16 : i32
          %mul3A_195 = arith.muli %scan3A_189, %mul3A_194 : i32
          %get3A = arith.index_cast %mul3A_195 : i32 to index
          %get3A_196 = arith.constant 0 : index
          %get3A_197 = tpu.vector_load %arg8[%get3A, %get3A_196] {strides = array<i32>} : memref<64x128xf32, #tpu.memory_space<vmem>>, vector<16xf32>,
          %get3A_198 = arith.index_cast %mul3A_195 : i32 to index
          %get3A_199 = arith.constant 16 : index
          %get3A_200 = tpu.vector_load %arg8[%get3A_198, %get3A_199] {strides = array<i32>} : memref<64x128xf32, #tpu.memory_space<vmem>>, vector<16xf32>,
          %get3A_201 = arith.index_cast %mul3A_195 : i32 to index
          %get3A_202 = arith.constant 32 : index
          %get3A_203 = tpu.vector_load %arg8[%get3A_201, %get3A_202] {strides = array<i32>} : memref<64x128xf32, #tpu.memory_space<vmem>>, vector<16xf32>,
          %get3A_204 = arith.index_cast %mul3A_195 : i32 to index
          %get3A_205 = arith.constant 48 : index
          %get3A_206 = tpu.vector_load %arg8[%get3A_204, %get3A_205] {strides = array<i32>} : memref<64x128xf32, #tpu.memory_space<vmem>>, vector<16xf32>,
          %get3A_207 = arith.index_cast %mul3A_195 : i32 to index
          %get3A_208 = arith.constant 64 : index
          %get3A_209 = tpu.vector_load %arg8[%get3A_207, %get3A_208] {strides = array<i32>} : memref<64x128xf32, #tpu.memory_space<vmem>>, vector<16xf32>,
          %get3A_210 = arith.index_cast %mul3A_195 : i32 to index
          %get3A_211 = arith.constant 80 : index
          %get3A_212 = tpu.vector_load %arg8[%get3A_210, %get3A_211] {strides = array<i32>} : memref<64x128xf32, #tpu.memory_space<vmem>>, vector<16xf32>,
          %get3A_213 = arith.index_cast %mul3A_195 : i32 to index
          %get3A_214 = arith.constant 96 : index
          %get3A_215 = tpu.vector_load %arg8[%get3A_213, %get3A_214] {strides = array<i32>} : memref<64x128xf32, #tpu.memory_space<vmem>>, vector<16xf32>,
          %get3A_216 = arith.index_cast %mul3A_195 : i32 to index
          %get3A_217 = arith.constant 112 : index
          %get3A_218 = tpu.vector_load %arg8[%get3A_216, %get3A_217] {strides = array<i32>} : memref<64x128xf32, #tpu.memory_space<vmem>>, vector<16xf32>,
          %get3A_219 = arith.index_cast %mul3A_195 : i32 to index
          %get3A_220 = arith.constant 0 : index
          %get3A_221 = tpu.vector_load %arg10[%get3A_219, %get3A_220] {strides = array<i32>} : memref<64x128xf32, #tpu.memory_space<vmem>>, vector<16xf32>,
          %get3A_222 = arith.index_cast %mul3A_195 : i32 to index
          %get3A_223 = arith.constant 16 : index
          %get3A_224 = tpu.vector_load %arg10[%get3A_222, %get3A_223] {strides = array<i32>} : memref<64x128xf32, #tpu.memory_space<vmem>>, vector<16xf32>,
          %get3A_225 = arith.index_cast %mul3A_195 : i32 to index
          %get3A_226 = arith.constant 32 : index
          %get3A_227 = tpu.vector_load %arg10[%get3A_225, %get3A_226] {strides = array<i32>} : memref<64x128xf32, #tpu.memory_space<vmem>>, vector<16xf32>,
          %get3A_228 = arith.index_cast %mul3A_195 : i32 to index
          %get3A_229 = arith.constant 48 : index
          %get3A_230 = tpu.vector_load %arg10[%get3A_228, %get3A_229] {strides = array<i32>} : memref<64x128xf32, #tpu.memory_space<vmem>>, vector<16xf32>,
          %get3A_231 = arith.index_cast %mul3A_195 : i32 to index
          %get3A_232 = arith.constant 64 : index
          %get3A_233 = tpu.vector_load %arg10[%get3A_231, %get3A_232] {strides = array<i32>} : memref<64x128xf32, #tpu.memory_space<vmem>>, vector<16xf32>,
          %get3A_234 = arith.index_cast %mul3A_195 : i32 to index
          %get3A_235 = arith.constant 80 : index
          %get3A_236 = tpu.vector_load %arg10[%get3A_234, %get3A_235] {strides = array<i32>} : memref<64x128xf32, #tpu.memory_space<vmem>>, vector<16xf32>,
          %get3A_237 = arith.index_cast %mul3A_195 : i32 to index
          %get3A_238 = arith.constant 96 : index
          %get3A_239 = tpu.vector_load %arg10[%get3A_237, %get3A_238] {strides = array<i32>} : memref<64x128xf32, #tpu.memory_space<vmem>>, vector<16xf32>,
          %get3A_240 = arith.index_cast %mul3A_195 : i32 to index
          %get3A_241 = arith.constant 112 : index
          %get3A_242 = tpu.vector_load %arg10[%get3A_240, %get3A_241] {strides = array<i32>} : memref<64x128xf32, #tpu.memory_space<vmem>>, vector<16xf32>,
          %mul3A_243 = arith.constant 16 : i32
          %mul3A_244 = arith.muli %scan3A_189, %mul3A_243 : i32
          %add3A_245 = arith.constant 0 : i32
          %add3A_246 = arith.addi %mul3A_244, %add3A_245 : i32
          %add3A_247 = arith.constant 1 : i32
          %add3A_248 = arith.addi %add3A_246, %add3A_247 : i32
          %get3A_249 = arith.index_cast %add3A_248 : i32 to index
          %get3A_250 = arith.constant 0 : index
          %get3A_251 = tpu.vector_load %arg8[%get3A_249, %get3A_250] {strides = array<i32>} : memref<64x128xf32, #tpu.memory_space<vmem>>, vector<16xf32>,
          %get3A_252 = arith.index_cast %add3A_248 : i32 to index
          %get3A_253 = arith.constant 16 : index
          %get3A_254 = tpu.vector_load %arg8[%get3A_252, %get3A_253] {strides = array<i32>} : memref<64x128xf32, #tpu.memory_space<vmem>>, vector<16xf32>,
          %get3A_255 = arith.index_cast %add3A_248 : i32 to index
          %get3A_256 = arith.constant 32 : index
          %get3A_257 = tpu.vector_load %arg8[%get3A_255, %get3A_256] {strides = array<i32>} : memref<64x128xf32, #tpu.memory_space<vmem>>, vector<16xf32>,
          %get3A_258 = arith.index_cast %add3A_248 : i32 to index
          %get3A_259 = arith.constant 48 : index
          %get3A_260 = tpu.vector_load %arg8[%get3A_258, %get3A_259] {strides = array<i32>} : memref<64x128xf32, #tpu.memory_space<vmem>>, vector<16xf32>,
          %get3A_261 = arith.index_cast %add3A_248 : i32 to index
          %get3A_262 = arith.constant 64 : index
          %get3A_263 = tpu.vector_load %arg8[%get3A_261, %get3A_262] {strides = array<i32>} : memref<64x128xf32, #tpu.memory_space<vmem>>, vector<16xf32>,
          %get3A_264 = arith.index_cast %add3A_248 : i32 to index
          %get3A_265 = arith.constant 80 : index
          %get3A_266 = tpu.vector_load %arg8[%get3A_264, %get3A_265] {strides = array<i32>} : memref<64x128xf32, #tpu.memory_space<vmem>>, vector<16xf32>,
          %get3A_267 = arith.index_cast %add3A_248 : i32 to index
          %get3A_268 = arith.constant 96 : index
          %get3A_269 = tpu.vector_load %arg8[%get3A_267, %get3A_268] {strides = array<i32>} : memref<64x128xf32, #tpu.memory_space<vmem>>, vector<16xf32>,
          %get3A_270 = arith.index_cast %add3A_248 : i32 to index
          %get3A_271 = arith.constant 112 : index
          %get3A_272 = tpu.vector_load %arg8[%get3A_270, %get3A_271] {strides = array<i32>} : memref<64x128xf32, #tpu.memory_space<vmem>>, vector<16xf32>,
          %get3A_273 = arith.index_cast %add3A_248 : i32 to index
          %get3A_274 = arith.constant 0 : index
          %get3A_275 = tpu.vector_load %arg10[%get3A_273, %get3A_274] {strides = array<i32>} : memref<64x128xf32, #tpu.memory_space<vmem>>, vector<16xf32>,
          %get3A_276 = arith.index_cast %add3A_248 : i32 to index
          %get3A_277 = arith.constant 16 : index
          %get3A_278 = tpu.vector_load %arg10[%get3A_276, %get3A_277] {strides = array<i32>} : memref<64x128xf32, #tpu.memory_space<vmem>>, vector<16xf32>,
          %get3A_279 = arith.index_cast %add3A_248 : i32 to index
          %get3A_280 = arith.constant 32 : index
          %get3A_281 = tpu.vector_load %arg10[%get3A_279, %get3A_280] {strides = array<i32>} : memref<64x128xf32, #tpu.memory_space<vmem>>, vector<16xf32>,
          %get3A_282 = arith.index_cast %add3A_248 : i32 to index
          %get3A_283 = arith.constant 48 : index
          %get3A_284 = tpu.vector_load %arg10[%get3A_282, %get3A_283] {strides = array<i32>} : memref<64x128xf32, #tpu.memory_space<vmem>>, vector<16xf32>,
          %get3A_285 = arith.index_cast %add3A_248 : i32 to index
          %get3A_286 = arith.constant 64 : index
          %get3A_287 = tpu.vector_load %arg10[%get3A_285, %get3A_286] {strides = array<i32>} : memref<64x128xf32, #tpu.memory_space<vmem>>, vector<16xf32>,
          %get3A_288 = arith.index_cast %add3A_248 : i32 to index
          %get3A_289 = arith.constant 80 : index
          %get3A_290 = tpu.vector_load %arg10[%get3A_288, %get3A_289] {strides = array<i32>} : memref<64x128xf32, #tpu.memory_space<vmem>>, vector<16xf32>,
          %get3A_291 = arith.index_cast %add3A_248 : i32 to index
          %get3A_292 = arith.constant 96 : index
          %get3A_293 = tpu.vector_load %arg10[%get3A_291, %get3A_292] {strides = array<i32>} : memref<64x128xf32, #tpu.memory_space<vmem>>, vector<16xf32>,
          %get3A_294 = arith.index_cast %add3A_248 : i32 to index
          %get3A_295 = arith.constant 112 : index
          %get3A_296 = tpu.vector_load %arg10[%get3A_294, %get3A_295] {strides = array<i32>} : memref<64x128xf32, #tpu.memory_space<vmem>>, vector<16xf32>,
          %mul3A_297 = arith.mulf %get3A_197, %get3A_221 : vector<16xf32>
          %mul3A_298 = arith.mulf %get3A_200, %get3A_224 : vector<16xf32>
          %mul3A_299 = arith.mulf %get3A_203, %get3A_227 : vector<16xf32>
          %mul3A_300 = arith.mulf %get3A_206, %get3A_230 : vector<16xf32>
          %mul3A_301 = arith.mulf %get3A_209, %get3A_233 : vector<16xf32>
          %mul3A_302 = arith.mulf %get3A_212, %get3A_236 : vector<16xf32>
          %mul3A_303 = arith.mulf %get3A_215, %get3A_239 : vector<16xf32>
          %mul3A_304 = arith.mulf %get3A_218, %get3A_242 : vector<16xf32>
          %add3A_305 = arith.addf %mul3A_297, %mul3A_298 : vector<16xf32>
          %add3A_306 = arith.addf %mul3A_299, %mul3A_300 : vector<16xf32>
          %add3A_307 = arith.addf %mul3A_301, %mul3A_302 : vector<16xf32>
          %add3A_308 = arith.addf %mul3A_303, %mul3A_304 : vector<16xf32>
          %add3A_309 = arith.addf %add3A_305, %add3A_306 : vector<16xf32>
          %add3A_310 = arith.addf %add3A_307, %add3A_308 : vector<16xf32>
          %add3A_311 = arith.addf %add3A_309, %add3A_310 : vector<16xf32>
          %swap3A = arith.constant 0 : i32
          %swap3A_312 = arith.index_cast %swap3A : i32 to index
          %swap3A_313 = arith.constant 0 : index
          %swap3A_314 = tpu.vector_load %arg13[%swap3A_312, %swap3A_313] {strides = array<i32>} : memref<16x17xf32, #tpu.memory_space<vmem>>, vector<16xf32>,
          tpu.vector_store %arg13[%swap3A_312, %swap3A_313], %add3A_311 {strides = array<i32>} : memref<16x17xf32, #tpu.memory_space<vmem>>, vector<16xf32>,
          %mul3A_315 = arith.constant 16 : i32
          %mul3A_316 = arith.muli %scan3A_189, %mul3A_315 : i32
          %add3A_317 = arith.constant 1 : i32
          %add3A_318 = arith.addi %mul3A_316, %add3A_317 : i32
          %add3A_319 = arith.constant 1 : i32
          %add3A_320 = arith.addi %add3A_318, %add3A_319 : i32
          %get3A_321 = arith.index_cast %add3A_320 : i32 to index
          %get3A_322 = arith.constant 0 : index
          %get3A_323 = tpu.vector_load %arg8[%get3A_321, %get3A_322] {strides = array<i32>} : memref<64x128xf32, #tpu.memory_space<vmem>>, vector<16xf32>,
          %get3A_324 = arith.index_cast %add3A_320 : i32 to index
          %get3A_325 = arith.constant 16 : index
          %get3A_326 = tpu.vector_load %arg8[%get3A_324, %get3A_325] {strides = array<i32>} : memref<64x128xf32, #tpu.memory_space<vmem>>, vector<16xf32>,
          %get3A_327 = arith.index_cast %add3A_320 : i32 to index
          %get3A_328 = arith.constant 32 : index
          %get3A_329 = tpu.vector_load %arg8[%get3A_327, %get3A_328] {strides = array<i32>} : memref<64x128xf32, #tpu.memory_space<vmem>>, vector<16xf32>,
          %get3A_330 = arith.index_cast %add3A_320 : i32 to index
          %get3A_331 = arith.constant 48 : index
          %get3A_332 = tpu.vector_load %arg8[%get3A_330, %get3A_331] {strides = array<i32>} : memref<64x128xf32, #tpu.memory_space<vmem>>, vector<16xf32>,
          %get3A_333 = arith.index_cast %add3A_320 : i32 to index
          %get3A_334 = arith.constant 64 : index
          %get3A_335 = tpu.vector_load %arg8[%get3A_333, %get3A_334] {strides = array<i32>} : memref<64x128xf32, #tpu.memory_space<vmem>>, vector<16xf32>,
          %get3A_336 = arith.index_cast %add3A_320 : i32 to index
          %get3A_337 = arith.constant 80 : index
          %get3A_338 = tpu.vector_load %arg8[%get3A_336, %get3A_337] {strides = array<i32>} : memref<64x128xf32, #tpu.memory_space<vmem>>, vector<16xf32>,
          %get3A_339 = arith.index_cast %add3A_320 : i32 to index
          %get3A_340 = arith.constant 96 : index
          %get3A_341 = tpu.vector_load %arg8[%get3A_339, %get3A_340] {strides = array<i32>} : memref<64x128xf32, #tpu.memory_space<vmem>>, vector<16xf32>,
          %get3A_342 = arith.index_cast %add3A_320 : i32 to index
          %get3A_343 = arith.constant 112 : index
          %get3A_344 = tpu.vector_load %arg8[%get3A_342, %get3A_343] {strides = array<i32>} : memref<64x128xf32, #tpu.memory_space<vmem>>, vector<16xf32>,
          %get3A_345 = arith.index_cast %add3A_320 : i32 to index
          %get3A_346 = arith.constant 0 : index
          %get3A_347 = tpu.vector_load %arg10[%get3A_345, %get3A_346] {strides = array<i32>} : memref<64x128xf32, #tpu.memory_space<vmem>>, vector<16xf32>,
          %get3A_348 = arith.index_cast %add3A_320 : i32 to index
          %get3A_349 = arith.constant 16 : index
          %get3A_350 = tpu.vector_load %arg10[%get3A_348, %get3A_349] {strides = array<i32>} : memref<64x128xf32, #tpu.memory_space<vmem>>, vector<16xf32>,
          %get3A_351 = arith.index_cast %add3A_320 : i32 to index
          %get3A_352 = arith.constant 32 : index
          %get3A_353 = tpu.vector_load %arg10[%get3A_351, %get3A_352] {strides = array<i32>} : memref<64x128xf32, #tpu.memory_space<vmem>>, vector<16xf32>,
          %get3A_354 = arith.index_cast %add3A_320 : i32 to index
          %get3A_355 = arith.constant 48 : index
          %get3A_356 = tpu.vector_load %arg10[%get3A_354, %get3A_355] {strides = array<i32>} : memref<64x128xf32, #tpu.memory_space<vmem>>, vector<16xf32>,
          %get3A_357 = arith.index_cast %add3A_320 : i32 to index
          %get3A_358 = arith.constant 64 : index
          %get3A_359 = tpu.vector_load %arg10[%get3A_357, %get3A_358] {strides = array<i32>} : memref<64x128xf32, #tpu.memory_space<vmem>>, vector<16xf32>,
          %get3A_360 = arith.index_cast %add3A_320 : i32 to index
          %get3A_361 = arith.constant 80 : index
          %get3A_362 = tpu.vector_load %arg10[%get3A_360, %get3A_361] {strides = array<i32>} : memref<64x128xf32, #tpu.memory_space<vmem>>, vector<16xf32>,
          %get3A_363 = arith.index_cast %add3A_320 : i32 to index
          %get3A_364 = arith.constant 96 : index
          %get3A_365 = tpu.vector_load %arg10[%get3A_363, %get3A_364] {strides = array<i32>} : memref<64x128xf32, #tpu.memory_space<vmem>>, vector<16xf32>,
          %get3A_366 = arith.index_cast %add3A_320 : i32 to index
          %get3A_367 = arith.constant 112 : index
          %get3A_368 = tpu.vector_load %arg10[%get3A_366, %get3A_367] {strides = array<i32>} : memref<64x128xf32, #tpu.memory_space<vmem>>, vector<16xf32>,
          %mul3A_369 = arith.mulf %get3A_251, %get3A_275 : vector<16xf32>
          %mul3A_370 = arith.mulf %get3A_254, %get3A_278 : vector<16xf32>
          %mul3A_371 = arith.mulf %get3A_257, %get3A_281 : vector<16xf32>
          %mul3A_372 = arith.mulf %get3A_260, %get3A_284 : vector<16xf32>
          %mul3A_373 = arith.mulf %get3A_263, %get3A_287 : vector<16xf32>
          %mul3A_374 = arith.mulf %get3A_266, %get3A_290 : vector<16xf32>
          %mul3A_375 = arith.mulf %get3A_269, %get3A_293 : vector<16xf32>
          %mul3A_376 = arith.mulf %get3A_272, %get3A_296 : vector<16xf32>
          %add3A_377 = arith.addf %mul3A_369, %mul3A_370 : vector<16xf32>
          %add3A_378 = arith.addf %mul3A_371, %mul3A_372 : vector<16xf32>
          %add3A_379 = arith.addf %mul3A_373, %mul3A_374 : vector<16xf32>
          %add3A_380 = arith.addf %mul3A_375, %mul3A_376 : vector<16xf32>
          %add3A_381 = arith.addf %add3A_377, %add3A_378 : vector<16xf32>
          %add3A_382 = arith.addf %add3A_379, %add3A_380 : vector<16xf32>
          %add3A_383 = arith.addf %add3A_381, %add3A_382 : vector<16xf32>
          %swap3A_384 = arith.constant 1 : i32
          %swap3A_385 = arith.index_cast %swap3A_384 : i32 to index
          %swap3A_386 = arith.constant 0 : index
          %swap3A_387 = tpu.vector_load %arg13[%swap3A_385, %swap3A_386] {strides = array<i32>} : memref<16x17xf32, #tpu.memory_space<vmem>>, vector<16xf32>,
          tpu.vector_store %arg13[%swap3A_385, %swap3A_386], %add3A_383 {strides = array<i32>} : memref<16x17xf32, #tpu.memory_space<vmem>>, vector<16xf32>,
          %mul3A_388 = arith.constant 16 : i32
          %mul3A_389 = arith.muli %scan3A_189, %mul3A_388 : i32
          %add3A_390 = arith.constant 2 : i32
          %add3A_391 = arith.addi %mul3A_389, %add3A_390 : i32
          %add3A_392 = arith.constant 1 : i32
          %add3A_393 = arith.addi %add3A_391, %add3A_392 : i32
          %get3A_394 = arith.index_cast %add3A_393 : i32 to index
          %get3A_395 = arith.constant 0 : index
          %get3A_396 = tpu.vector_load %arg8[%get3A_394, %get3A_395] {strides = array<i32>} : memref<64x128xf32, #tpu.memory_space<vmem>>, vector<16xf32>,
          %get3A_397 = arith.index_cast %add3A_393 : i32 to index
          %get3A_398 = arith.constant 16 : index
          %get3A_399 = tpu.vector_load %arg8[%get3A_397, %get3A_398] {strides = array<i32>} : memref<64x128xf32, #tpu.memory_space<vmem>>, vector<16xf32>,
          %get3A_400 = arith.index_cast %add3A_393 : i32 to index
          %get3A_401 = arith.constant 32 : index
          %get3A_402 = tpu.vector_load %arg8[%get3A_400, %get3A_401] {strides = array<i32>} : memref<64x128xf32, #tpu.memory_space<vmem>>, vector<16xf32>,
          %get3A_403 = arith.index_cast %add3A_393 : i32 to index
          %get3A_404 = arith.constant 48 : index
          %get3A_405 = tpu.vector_load %arg8[%get3A_403, %get3A_404] {strides = array<i32>} : memref<64x128xf32, #tpu.memory_space<vmem>>, vector<16xf32>,
          %get3A_406 = arith.index_cast %add3A_393 : i32 to index
          %get3A_407 = arith.constant 64 : index
          %get3A_408 = tpu.vector_load %arg8[%get3A_406, %get3A_407] {strides = array<i32>} : memref<64x128xf32, #tpu.memory_space<vmem>>, vector<16xf32>,
          %get3A_409 = arith.index_cast %add3A_393 : i32 to index
          %get3A_410 = arith.constant 80 : index
          %get3A_411 = tpu.vector_load %arg8[%get3A_409, %get3A_410] {strides = array<i32>} : memref<64x128xf32, #tpu.memory_space<vmem>>, vector<16xf32>,
          %get3A_412 = arith.index_cast %add3A_393 : i32 to index
          %get3A_413 = arith.constant 96 : index
          %get3A_414 = tpu.vector_load %arg8[%get3A_412, %get3A_413] {strides = array<i32>} : memref<64x128xf32, #tpu.memory_space<vmem>>, vector<16xf32>,
          %get3A_415 = arith.index_cast %add3A_393 : i32 to index
          %get3A_416 = arith.constant 112 : index
          %get3A_417 = tpu.vector_load %arg8[%get3A_415, %get3A_416] {strides = array<i32>} : memref<64x128xf32, #tpu.memory_space<vmem>>, vector<16xf32>,
          %get3A_418 = arith.index_cast %add3A_393 : i32 to index
          %get3A_419 = arith.constant 0 : index
          %get3A_420 = tpu.vector_load %arg10[%get3A_418, %get3A_419] {strides = array<i32>} : memref<64x128xf32, #tpu.memory_space<vmem>>, vector<16xf32>,
          %get3A_421 = arith.index_cast %add3A_393 : i32 to index
          %get3A_422 = arith.constant 16 : index
          %get3A_423 = tpu.vector_load %arg10[%get3A_421, %get3A_422] {strides = array<i32>} : memref<64x128xf32, #tpu.memory_space<vmem>>, vector<16xf32>,
          %get3A_424 = arith.index_cast %add3A_393 : i32 to index
          %get3A_425 = arith.constant 32 : index
          %get3A_426 = tpu.vector_load %arg10[%get3A_424, %get3A_425] {strides = array<i32>} : memref<64x128xf32, #tpu.memory_space<vmem>>, vector<16xf32>,
          %get3A_427 = arith.index_cast %add3A_393 : i32 to index
          %get3A_428 = arith.constant 48 : index
          %get3A_429 = tpu.vector_load %arg10[%get3A_427, %get3A_428] {strides = array<i32>} : memref<64x128xf32, #tpu.memory_space<vmem>>, vector<16xf32>,
          %get3A_430 = arith.index_cast %add3A_393 : i32 to index
          %get3A_431 = arith.constant 64 : index
          %get3A_432 = tpu.vector_load %arg10[%get3A_430, %get3A_431] {strides = array<i32>} : memref<64x128xf32, #tpu.memory_space<vmem>>, vector<16xf32>,
          %get3A_433 = arith.index_cast %add3A_393 : i32 to index
          %get3A_434 = arith.constant 80 : index
          %get3A_435 = tpu.vector_load %arg10[%get3A_433, %get3A_434] {strides = array<i32>} : memref<64x128xf32, #tpu.memory_space<vmem>>, vector<16xf32>,
          %get3A_436 = arith.index_cast %add3A_393 : i32 to index
          %get3A_437 = arith.constant 96 : index
          %get3A_438 = tpu.vector_load %arg10[%get3A_436, %get3A_437] {strides = array<i32>} : memref<64x128xf32, #tpu.memory_space<vmem>>, vector<16xf32>,
          %get3A_439 = arith.index_cast %add3A_393 : i32 to index
          %get3A_440 = arith.constant 112 : index
          %get3A_441 = tpu.vector_load %arg10[%get3A_439, %get3A_440] {strides = array<i32>} : memref<64x128xf32, #tpu.memory_space<vmem>>, vector<16xf32>,
          %mul3A_442 = arith.mulf %get3A_323, %get3A_347 : vector<16xf32>
          %mul3A_443 = arith.mulf %get3A_326, %get3A_350 : vector<16xf32>
          %mul3A_444 = arith.mulf %get3A_329, %get3A_353 : vector<16xf32>
          %mul3A_445 = arith.mulf %get3A_332, %get3A_356 : vector<16xf32>
          %mul3A_446 = arith.mulf %get3A_335, %get3A_359 : vector<16xf32>
          %mul3A_447 = arith.mulf %get3A_338, %get3A_362 : vector<16xf32>
          %mul3A_448 = arith.mulf %get3A_341, %get3A_365 : vector<16xf32>
          %mul3A_449 = arith.mulf %get3A_344, %get3A_368 : vector<16xf32>
          %add3A_450 = arith.addf %mul3A_442, %mul3A_443 : vector<16xf32>
          %add3A_451 = arith.addf %mul3A_444, %mul3A_445 : vector<16xf32>
          %add3A_452 = arith.addf %mul3A_446, %mul3A_447 : vector<16xf32>
          %add3A_453 = arith.addf %mul3A_448, %mul3A_449 : vector<16xf32>
          %add3A_454 = arith.addf %add3A_450, %add3A_451 : vector<16xf32>
          %add3A_455 = arith.addf %add3A_452, %add3A_453 : vector<16xf32>
          %add3A_456 = arith.addf %add3A_454, %add3A_455 : vector<16xf32>
          %swap3A_457 = arith.constant 2 : i32
          %swap3A_458 = arith.index_cast %swap3A_457 : i32 to index
          %swap3A_459 = arith.constant 0 : index
          %swap3A_460 = tpu.vector_load %arg13[%swap3A_458, %swap3A_459] {strides = array<i32>} : memref<16x17xf32, #tpu.memory_space<vmem>>, vector<16xf32>,
          tpu.vector_store %arg13[%swap3A_458, %swap3A_459], %add3A_456 {strides = array<i32>} : memref<16x17xf32, #tpu.memory_space<vmem>>, vector<16xf32>,
          %mul3A_461 = arith.constant 16 : i32
          %mul3A_462 = arith.muli %scan3A_189, %mul3A_461 : i32
          %add3A_463 = arith.constant 3 : i32
          %add3A_464 = arith.addi %mul3A_462, %add3A_463 : i32
          %add3A_465 = arith.constant 1 : i32
          %add3A_466 = arith.addi %add3A_464, %add3A_465 : i32
          %get3A_467 = arith.index_cast %add3A_466 : i32 to index
          %get3A_468 = arith.constant 0 : index
          %get3A_469 = tpu.vector_load %arg8[%get3A_467, %get3A_468] {strides = array<i32>} : memref<64x128xf32, #tpu.memory_space<vmem>>, vector<16xf32>,
          %get3A_470 = arith.index_cast %add3A_466 : i32 to index
          %get3A_471 = arith.constant 16 : index
          %get3A_472 = tpu.vector_load %arg8[%get3A_470, %get3A_471] {strides = array<i32>} : memref<64x128xf32, #tpu.memory_space<vmem>>, vector<16xf32>,
          %get3A_473 = arith.index_cast %add3A_466 : i32 to index
          %get3A_474 = arith.constant 32 : index
          %get3A_475 = tpu.vector_load %arg8[%get3A_473, %get3A_474] {strides = array<i32>} : memref<64x128xf32, #tpu.memory_space<vmem>>, vector<16xf32>,
          %get3A_476 = arith.index_cast %add3A_466 : i32 to index
          %get3A_477 = arith.constant 48 : index
          %get3A_478 = tpu.vector_load %arg8[%get3A_476, %get3A_477] {strides = array<i32>} : memref<64x128xf32, #tpu.memory_space<vmem>>, vector<16xf32>,
          %get3A_479 = arith.index_cast %add3A_466 : i32 to index
          %get3A_480 = arith.constant 64 : index
          %get3A_481 = tpu.vector_load %arg8[%get3A_479, %get3A_480] {strides = array<i32>} : memref<64x128xf32, #tpu.memory_space<vmem>>, vector<16xf32>,
          %get3A_482 = arith.index_cast %add3A_466 : i32 to index
          %get3A_483 = arith.constant 80 : index
          %get3A_484 = tpu.vector_load %arg8[%get3A_482, %get3A_483] {strides = array<i32>} : memref<64x128xf32, #tpu.memory_space<vmem>>, vector<16xf32>,
          %get3A_485 = arith.index_cast %add3A_466 : i32 to index
          %get3A_486 = arith.constant 96 : index
          %get3A_487 = tpu.vector_load %arg8[%get3A_485, %get3A_486] {strides = array<i32>} : memref<64x128xf32, #tpu.memory_space<vmem>>, vector<16xf32>,
          %get3A_488 = arith.index_cast %add3A_466 : i32 to index
          %get3A_489 = arith.constant 112 : index
          %get3A_490 = tpu.vector_load %arg8[%get3A_488, %get3A_489] {strides = array<i32>} : memref<64x128xf32, #tpu.memory_space<vmem>>, vector<16xf32>,
          %get3A_491 = arith.index_cast %add3A_466 : i32 to index
          %get3A_492 = arith.constant 0 : index
          %get3A_493 = tpu.vector_load %arg10[%get3A_491, %get3A_492] {strides = array<i32>} : memref<64x128xf32, #tpu.memory_space<vmem>>, vector<16xf32>,
          %get3A_494 = arith.index_cast %add3A_466 : i32 to index
          %get3A_495 = arith.constant 16 : index
          %get3A_496 = tpu.vector_load %arg10[%get3A_494, %get3A_495] {strides = array<i32>} : memref<64x128xf32, #tpu.memory_space<vmem>>, vector<16xf32>,
          %get3A_497 = arith.index_cast %add3A_466 : i32 to index
          %get3A_498 = arith.constant 32 : index
          %get3A_499 = tpu.vector_load %arg10[%get3A_497, %get3A_498] {strides = array<i32>} : memref<64x128xf32, #tpu.memory_space<vmem>>, vector<16xf32>,
          %get3A_500 = arith.index_cast %add3A_466 : i32 to index
          %get3A_501 = arith.constant 48 : index
          %get3A_502 = tpu.vector_load %arg10[%get3A_500, %get3A_501] {strides = array<i32>} : memref<64x128xf32, #tpu.memory_space<vmem>>, vector<16xf32>,
          %get3A_503 = arith.index_cast %add3A_466 : i32 to index
          %get3A_504 = arith.constant 64 : index
          %get3A_505 = tpu.vector_load %arg10[%get3A_503, %get3A_504] {strides = array<i32>} : memref<64x128xf32, #tpu.memory_space<vmem>>, vector<16xf32>,
          %get3A_506 = arith.index_cast %add3A_466 : i32 to index
          %get3A_507 = arith.constant 80 : index
          %get3A_508 = tpu.vector_load %arg10[%get3A_506, %get3A_507] {strides = array<i32>} : memref<64x128xf32, #tpu.memory_space<vmem>>, vector<16xf32>,
          %get3A_509 = arith.index_cast %add3A_466 : i32 to index
          %get3A_510 = arith.constant 96 : index
          %get3A_511 = tpu.vector_load %arg10[%get3A_509, %get3A_510] {strides = array<i32>} : memref<64x128xf32, #tpu.memory_space<vmem>>, vector<16xf32>,
          %get3A_512 = arith.index_cast %add3A_466 : i32 to index
          %get3A_513 = arith.constant 112 : index
          %get3A_514 = tpu.vector_load %arg10[%get3A_512, %get3A_513] {strides = array<i32>} : memref<64x128xf32, #tpu.memory_space<vmem>>, vector<16xf32>,
          %mul3A_515 = arith.mulf %get3A_396, %get3A_420 : vector<16xf32>
          %mul3A_516 = arith.mulf %get3A_399, %get3A_423 : vector<16xf32>
          %mul3A_517 = arith.mulf %get3A_402, %get3A_426 : vector<16xf32>
          %mul3A_518 = arith.mulf %get3A_405, %get3A_429 : vector<16xf32>
          %mul3A_519 = arith.mulf %get3A_408, %get3A_432 : vector<16xf32>
          %mul3A_520 = arith.mulf %get3A_411, %get3A_435 : vector<16xf32>
          %mul3A_521 = arith.mulf %get3A_414, %get3A_438 : vector<16xf32>
          %mul3A_522 = arith.mulf %get3A_417, %get3A_441 : vector<16xf32>
          %add3A_523 = arith.addf %mul3A_515, %mul3A_516 : vector<16xf32>
          %add3A_524 = arith.addf %mul3A_517, %mul3A_518 : vector<16xf32>
          %add3A_525 = arith.addf %mul3A_519, %mul3A_520 : vector<16xf32>
          %add3A_526 = arith.addf %mul3A_521, %mul3A_522 : vector<16xf32>
          %add3A_527 = arith.addf %add3A_523, %add3A_524 : vector<16xf32>
          %add3A_528 = arith.addf %add3A_525, %add3A_526 : vector<16xf32>
          %add3A_529 = arith.addf %add3A_527, %add3A_528 : vector<16xf32>
          %swap3A_530 = arith.constant 3 : i32
          %swap3A_531 = arith.index_cast %swap3A_530 : i32 to index
          %swap3A_532 = arith.constant 0 : index
          %swap3A_533 = tpu.vector_load %arg13[%swap3A_531, %swap3A_532] {strides = array<i32>} : memref<16x17xf32, #tpu.memory_space<vmem>>, vector<16xf32>,
          tpu.vector_store %arg13[%swap3A_531, %swap3A_532], %add3A_529 {strides = array<i32>} : memref<16x17xf32, #tpu.memory_space<vmem>>, vector<16xf32>,
          %mul3A_534 = arith.constant 16 : i32
          %mul3A_535 = arith.muli %scan3A_189, %mul3A_534 : i32
          %add3A_536 = arith.constant 4 : i32
          %add3A_537 = arith.addi %mul3A_535, %add3A_536 : i32
          %add3A_538 = arith.constant 1 : i32
          %add3A_539 = arith.addi %add3A_537, %add3A_538 : i32
          %get3A_540 = arith.index_cast %add3A_539 : i32 to index
          %get3A_541 = arith.constant 0 : index
          %get3A_542 = tpu.vector_load %arg8[%get3A_540, %get3A_541] {strides = array<i32>} : memref<64x128xf32, #tpu.memory_space<vmem>>, vector<16xf32>,
          %get3A_543 = arith.index_cast %add3A_539 : i32 to index
          %get3A_544 = arith.constant 16 : index
          %get3A_545 = tpu.vector_load %arg8[%get3A_543, %get3A_544] {strides = array<i32>} : memref<64x128xf32, #tpu.memory_space<vmem>>, vector<16xf32>,
          %get3A_546 = arith.index_cast %add3A_539 : i32 to index
          %get3A_547 = arith.constant 32 : index
          %get3A_548 = tpu.vector_load %arg8[%get3A_546, %get3A_547] {strides = array<i32>} : memref<64x128xf32, #tpu.memory_space<vmem>>, vector<16xf32>,
          %get3A_549 = arith.index_cast %add3A_539 : i32 to index
          %get3A_550 = arith.constant 48 : index
          %get3A_551 = tpu.vector_load %arg8[%get3A_549, %get3A_550] {strides = array<i32>} : memref<64x128xf32, #tpu.memory_space<vmem>>, vector<16xf32>,
          %get3A_552 = arith.index_cast %add3A_539 : i32 to index
          %get3A_553 = arith.constant 64 : index
          %get3A_554 = tpu.vector_load %arg8[%get3A_552, %get3A_553] {strides = array<i32>} : memref<64x128xf32, #tpu.memory_space<vmem>>, vector<16xf32>,
          %get3A_555 = arith.index_cast %add3A_539 : i32 to index
          %get3A_556 = arith.constant 80 : index
          %get3A_557 = tpu.vector_load %arg8[%get3A_555, %get3A_556] {strides = array<i32>} : memref<64x128xf32, #tpu.memory_space<vmem>>, vector<16xf32>,
          %get3A_558 = arith.index_cast %add3A_539 : i32 to index
          %get3A_559 = arith.constant 96 : index
          %get3A_560 = tpu.vector_load %arg8[%get3A_558, %get3A_559] {strides = array<i32>} : memref<64x128xf32, #tpu.memory_space<vmem>>, vector<16xf32>,
          %get3A_561 = arith.index_cast %add3A_539 : i32 to index
          %get3A_562 = arith.constant 112 : index
          %get3A_563 = tpu.vector_load %arg8[%get3A_561, %get3A_562] {strides = array<i32>} : memref<64x128xf32, #tpu.memory_space<vmem>>, vector<16xf32>,
          %get3A_564 = arith.index_cast %add3A_539 : i32 to index
          %get3A_565 = arith.constant 0 : index
          %get3A_566 = tpu.vector_load %arg10[%get3A_564, %get3A_565] {strides = array<i32>} : memref<64x128xf32, #tpu.memory_space<vmem>>, vector<16xf32>,
          %get3A_567 = arith.index_cast %add3A_539 : i32 to index
          %get3A_568 = arith.constant 16 : index
          %get3A_569 = tpu.vector_load %arg10[%get3A_567, %get3A_568] {strides = array<i32>} : memref<64x128xf32, #tpu.memory_space<vmem>>, vector<16xf32>,
          %get3A_570 = arith.index_cast %add3A_539 : i32 to index
          %get3A_571 = arith.constant 32 : index
          %get3A_572 = tpu.vector_load %arg10[%get3A_570, %get3A_571] {strides = array<i32>} : memref<64x128xf32, #tpu.memory_space<vmem>>, vector<16xf32>,
          %get3A_573 = arith.index_cast %add3A_539 : i32 to index
          %get3A_574 = arith.constant 48 : index
          %get3A_575 = tpu.vector_load %arg10[%get3A_573, %get3A_574] {strides = array<i32>} : memref<64x128xf32, #tpu.memory_space<vmem>>, vector<16xf32>,
          %get3A_576 = arith.index_cast %add3A_539 : i32 to index
          %get3A_577 = arith.constant 64 : index
          %get3A_578 = tpu.vector_load %arg10[%get3A_576, %get3A_577] {strides = array<i32>} : memref<64x128xf32, #tpu.memory_space<vmem>>, vector<16xf32>,
          %get3A_579 = arith.index_cast %add3A_539 : i32 to index
          %get3A_580 = arith.constant 80 : index
          %get3A_581 = tpu.vector_load %arg10[%get3A_579, %get3A_580] {strides = array<i32>} : memref<64x128xf32, #tpu.memory_space<vmem>>, vector<16xf32>,
          %get3A_582 = arith.index_cast %add3A_539 : i32 to index
          %get3A_583 = arith.constant 96 : index
          %get3A_584 = tpu.vector_load %arg10[%get3A_582, %get3A_583] {strides = array<i32>} : memref<64x128xf32, #tpu.memory_space<vmem>>, vector<16xf32>,
          %get3A_585 = arith.index_cast %add3A_539 : i32 to index
          %get3A_586 = arith.constant 112 : index
          %get3A_587 = tpu.vector_load %arg10[%get3A_585, %get3A_586] {strides = array<i32>} : memref<64x128xf32, #tpu.memory_space<vmem>>, vector<16xf32>,
          %mul3A_588 = arith.mulf %get3A_469, %get3A_493 : vector<16xf32>
          %mul3A_589 = arith.mulf %get3A_472, %get3A_496 : vector<16xf32>
          %mul3A_590 = arith.mulf %get3A_475, %get3A_499 : vector<16xf32>
          %mul3A_591 = arith.mulf %get3A_478, %get3A_502 : vector<16xf32>
          %mul3A_592 = arith.mulf %get3A_481, %get3A_505 : vector<16xf32>
          %mul3A_593 = arith.mulf %get3A_484, %get3A_508 : vector<16xf32>
          %mul3A_594 = arith.mulf %get3A_487, %get3A_511 : vector<16xf32>
          %mul3A_595 = arith.mulf %get3A_490, %get3A_514 : vector<16xf32>
          %add3A_596 = arith.addf %mul3A_588, %mul3A_589 : vector<16xf32>
          %add3A_597 = arith.addf %mul3A_590, %mul3A_591 : vector<16xf32>
          %add3A_598 = arith.addf %mul3A_592, %mul3A_593 : vector<16xf32>
          %add3A_599 = arith.addf %mul3A_594, %mul3A_595 : vector<16xf32>
          %add3A_600 = arith.addf %add3A_596, %add3A_597 : vector<16xf32>
          %add3A_601 = arith.addf %add3A_598, %add3A_599 : vector<16xf32>
          %add3A_602 = arith.addf %add3A_600, %add3A_601 : vector<16xf32>
          %swap3A_603 = arith.constant 4 : i32
          %swap3A_604 = arith.index_cast %swap3A_603 : i32 to index
          %swap3A_605 = arith.constant 0 : index
          %swap3A_606 = tpu.vector_load %arg13[%swap3A_604, %swap3A_605] {strides = array<i32>} : memref<16x17xf32, #tpu.memory_space<vmem>>, vector<16xf32>,
          tpu.vector_store %arg13[%swap3A_604, %swap3A_605], %add3A_602 {strides = array<i32>} : memref<16x17xf32, #tpu.memory_space<vmem>>, vector<16xf32>,
          %mul3A_607 = arith.constant 16 : i32
          %mul3A_608 = arith.muli %scan3A_189, %mul3A_607 : i32
          %add3A_609 = arith.constant 5 : i32
          %add3A_610 = arith.addi %mul3A_608, %add3A_609 : i32
          %add3A_611 = arith.constant 1 : i32
          %add3A_612 = arith.addi %add3A_610, %add3A_611 : i32
          %get3A_613 = arith.index_cast %add3A_612 : i32 to index
          %get3A_614 = arith.constant 0 : index
          %get3A_615 = tpu.vector_load %arg8[%get3A_613, %get3A_614] {strides = array<i32>} : memref<64x128xf32, #tpu.memory_space<vmem>>, vector<16xf32>,
          %get3A_616 = arith.index_cast %add3A_612 : i32 to index
          %get3A_617 = arith.constant 16 : index
          %get3A_618 = tpu.vector_load %arg8[%get3A_616, %get3A_617] {strides = array<i32>} : memref<64x128xf32, #tpu.memory_space<vmem>>, vector<16xf32>,
          %get3A_619 = arith.index_cast %add3A_612 : i32 to index
          %get3A_620 = arith.constant 32 : index
          %get3A_621 = tpu.vector_load %arg8[%get3A_619, %get3A_620] {strides = array<i32>} : memref<64x128xf32, #tpu.memory_space<vmem>>, vector<16xf32>,
          %get3A_622 = arith.index_cast %add3A_612 : i32 to index
          %get3A_623 = arith.constant 48 : index
          %get3A_624 = tpu.vector_load %arg8[%get3A_622, %get3A_623] {strides = array<i32>} : memref<64x128xf32, #tpu.memory_space<vmem>>, vector<16xf32>,
          %get3A_625 = arith.index_cast %add3A_612 : i32 to index
          %get3A_626 = arith.constant 64 : index
          %get3A_627 = tpu.vector_load %arg8[%get3A_625, %get3A_626] {strides = array<i32>} : memref<64x128xf32, #tpu.memory_space<vmem>>, vector<16xf32>,
          %get3A_628 = arith.index_cast %add3A_612 : i32 to index
          %get3A_629 = arith.constant 80 : index
          %get3A_630 = tpu.vector_load %arg8[%get3A_628, %get3A_629] {strides = array<i32>} : memref<64x128xf32, #tpu.memory_space<vmem>>, vector<16xf32>,
          %get3A_631 = arith.index_cast %add3A_612 : i32 to index
          %get3A_632 = arith.constant 96 : index
          %get3A_633 = tpu.vector_load %arg8[%get3A_631, %get3A_632] {strides = array<i32>} : memref<64x128xf32, #tpu.memory_space<vmem>>, vector<16xf32>,
          %get3A_634 = arith.index_cast %add3A_612 : i32 to index
          %get3A_635 = arith.constant 112 : index
          %get3A_636 = tpu.vector_load %arg8[%get3A_634, %get3A_635] {strides = array<i32>} : memref<64x128xf32, #tpu.memory_space<vmem>>, vector<16xf32>,
          %get3A_637 = arith.index_cast %add3A_612 : i32 to index
          %get3A_638 = arith.constant 0 : index
          %get3A_639 = tpu.vector_load %arg10[%get3A_637, %get3A_638] {strides = array<i32>} : memref<64x128xf32, #tpu.memory_space<vmem>>, vector<16xf32>,
          %get3A_640 = arith.index_cast %add3A_612 : i32 to index
          %get3A_641 = arith.constant 16 : index
          %get3A_642 = tpu.vector_load %arg10[%get3A_640, %get3A_641] {strides = array<i32>} : memref<64x128xf32, #tpu.memory_space<vmem>>, vector<16xf32>,
          %get3A_643 = arith.index_cast %add3A_612 : i32 to index
          %get3A_644 = arith.constant 32 : index
          %get3A_645 = tpu.vector_load %arg10[%get3A_643, %get3A_644] {strides = array<i32>} : memref<64x128xf32, #tpu.memory_space<vmem>>, vector<16xf32>,
          %get3A_646 = arith.index_cast %add3A_612 : i32 to index
          %get3A_647 = arith.constant 48 : index
          %get3A_648 = tpu.vector_load %arg10[%get3A_646, %get3A_647] {strides = array<i32>} : memref<64x128xf32, #tpu.memory_space<vmem>>, vector<16xf32>,
          %get3A_649 = arith.index_cast %add3A_612 : i32 to index
          %get3A_650 = arith.constant 64 : index
          %get3A_651 = tpu.vector_load %arg10[%get3A_649, %get3A_650] {strides = array<i32>} : memref<64x128xf32, #tpu.memory_space<vmem>>, vector<16xf32>,
          %get3A_652 = arith.index_cast %add3A_612 : i32 to index
          %get3A_653 = arith.constant 80 : index
          %get3A_654 = tpu.vector_load %arg10[%get3A_652, %get3A_653] {strides = array<i32>} : memref<64x128xf32, #tpu.memory_space<vmem>>, vector<16xf32>,
          %get3A_655 = arith.index_cast %add3A_612 : i32 to index
          %get3A_656 = arith.constant 96 : index
          %get3A_657 = tpu.vector_load %arg10[%get3A_655, %get3A_656] {strides = array<i32>} : memref<64x128xf32, #tpu.memory_space<vmem>>, vector<16xf32>,
          %get3A_658 = arith.index_cast %add3A_612 : i32 to index
          %get3A_659 = arith.constant 112 : index
          %get3A_660 = tpu.vector_load %arg10[%get3A_658, %get3A_659] {strides = array<i32>} : memref<64x128xf32, #tpu.memory_space<vmem>>, vector<16xf32>,
          %mul3A_661 = arith.mulf %get3A_542, %get3A_566 : vector<16xf32>
          %mul3A_662 = arith.mulf %get3A_545, %get3A_569 : vector<16xf32>
          %mul3A_663 = arith.mulf %get3A_548, %get3A_572 : vector<16xf32>
          %mul3A_664 = arith.mulf %get3A_551, %get3A_575 : vector<16xf32>
          %mul3A_665 = arith.mulf %get3A_554, %get3A_578 : vector<16xf32>
          %mul3A_666 = arith.mulf %get3A_557, %get3A_581 : vector<16xf32>
          %mul3A_667 = arith.mulf %get3A_560, %get3A_584 : vector<16xf32>
          %mul3A_668 = arith.mulf %get3A_563, %get3A_587 : vector<16xf32>
          %add3A_669 = arith.addf %mul3A_661, %mul3A_662 : vector<16xf32>
          %add3A_670 = arith.addf %mul3A_663, %mul3A_664 : vector<16xf32>
          %add3A_671 = arith.addf %mul3A_665, %mul3A_666 : vector<16xf32>
          %add3A_672 = arith.addf %mul3A_667, %mul3A_668 : vector<16xf32>
          %add3A_673 = arith.addf %add3A_669, %add3A_670 : vector<16xf32>
          %add3A_674 = arith.addf %add3A_671, %add3A_672 : vector<16xf32>
          %add3A_675 = arith.addf %add3A_673, %add3A_674 : vector<16xf32>
          %swap3A_676 = arith.constant 5 : i32
          %swap3A_677 = arith.index_cast %swap3A_676 : i32 to index
          %swap3A_678 = arith.constant 0 : index
          %swap3A_679 = tpu.vector_load %arg13[%swap3A_677, %swap3A_678] {strides = array<i32>} : memref<16x17xf32, #tpu.memory_space<vmem>>, vector<16xf32>,
          tpu.vector_store %arg13[%swap3A_677, %swap3A_678], %add3A_675 {strides = array<i32>} : memref<16x17xf32, #tpu.memory_space<vmem>>, vector<16xf32>,
          %mul3A_680 = arith.constant 16 : i32
          %mul3A_681 = arith.muli %scan3A_189, %mul3A_680 : i32
          %add3A_682 = arith.constant 6 : i32
          %add3A_683 = arith.addi %mul3A_681, %add3A_682 : i32
          %add3A_684 = arith.constant 1 : i32
          %add3A_685 = arith.addi %add3A_683, %add3A_684 : i32
          %get3A_686 = arith.index_cast %add3A_685 : i32 to index
          %get3A_687 = arith.constant 0 : index
          %get3A_688 = tpu.vector_load %arg8[%get3A_686, %get3A_687] {strides = array<i32>} : memref<64x128xf32, #tpu.memory_space<vmem>>, vector<16xf32>,
          %get3A_689 = arith.index_cast %add3A_685 : i32 to index
          %get3A_690 = arith.constant 16 : index
          %get3A_691 = tpu.vector_load %arg8[%get3A_689, %get3A_690] {strides = array<i32>} : memref<64x128xf32, #tpu.memory_space<vmem>>, vector<16xf32>,
          %get3A_692 = arith.index_cast %add3A_685 : i32 to index
          %get3A_693 = arith.constant 32 : index
          %get3A_694 = tpu.vector_load %arg8[%get3A_692, %get3A_693] {strides = array<i32>} : memref<64x128xf32, #tpu.memory_space<vmem>>, vector<16xf32>,
          %get3A_695 = arith.index_cast %add3A_685 : i32 to index
          %get3A_696 = arith.constant 48 : index
          %get3A_697 = tpu.vector_load %arg8[%get3A_695, %get3A_696] {strides = array<i32>} : memref<64x128xf32, #tpu.memory_space<vmem>>, vector<16xf32>,
          %get3A_698 = arith.index_cast %add3A_685 : i32 to index
          %get3A_699 = arith.constant 64 : index
          %get3A_700 = tpu.vector_load %arg8[%get3A_698, %get3A_699] {strides = array<i32>} : memref<64x128xf32, #tpu.memory_space<vmem>>, vector<16xf32>,
          %get3A_701 = arith.index_cast %add3A_685 : i32 to index
          %get3A_702 = arith.constant 80 : index
          %get3A_703 = tpu.vector_load %arg8[%get3A_701, %get3A_702] {strides = array<i32>} : memref<64x128xf32, #tpu.memory_space<vmem>>, vector<16xf32>,
          %get3A_704 = arith.index_cast %add3A_685 : i32 to index
          %get3A_705 = arith.constant 96 : index
          %get3A_706 = tpu.vector_load %arg8[%get3A_704, %get3A_705] {strides = array<i32>} : memref<64x128xf32, #tpu.memory_space<vmem>>, vector<16xf32>,
          %get3A_707 = arith.index_cast %add3A_685 : i32 to index
          %get3A_708 = arith.constant 112 : index
          %get3A_709 = tpu.vector_load %arg8[%get3A_707, %get3A_708] {strides = array<i32>} : memref<64x128xf32, #tpu.memory_space<vmem>>, vector<16xf32>,
          %get3A_710 = arith.index_cast %add3A_685 : i32 to index
          %get3A_711 = arith.constant 0 : index
          %get3A_712 = tpu.vector_load %arg10[%get3A_710, %get3A_711] {strides = array<i32>} : memref<64x128xf32, #tpu.memory_space<vmem>>, vector<16xf32>,
          %get3A_713 = arith.index_cast %add3A_685 : i32 to index
          %get3A_714 = arith.constant 16 : index
          %get3A_715 = tpu.vector_load %arg10[%get3A_713, %get3A_714] {strides = array<i32>} : memref<64x128xf32, #tpu.memory_space<vmem>>, vector<16xf32>,
          %get3A_716 = arith.index_cast %add3A_685 : i32 to index
          %get3A_717 = arith.constant 32 : index
          %get3A_718 = tpu.vector_load %arg10[%get3A_716, %get3A_717] {strides = array<i32>} : memref<64x128xf32, #tpu.memory_space<vmem>>, vector<16xf32>,
          %get3A_719 = arith.index_cast %add3A_685 : i32 to index
          %get3A_720 = arith.constant 48 : index
          %get3A_721 = tpu.vector_load %arg10[%get3A_719, %get3A_720] {strides = array<i32>} : memref<64x128xf32, #tpu.memory_space<vmem>>, vector<16xf32>,
          %get3A_722 = arith.index_cast %add3A_685 : i32 to index
          %get3A_723 = arith.constant 64 : index
          %get3A_724 = tpu.vector_load %arg10[%get3A_722, %get3A_723] {strides = array<i32>} : memref<64x128xf32, #tpu.memory_space<vmem>>, vector<16xf32>,
          %get3A_725 = arith.index_cast %add3A_685 : i32 to index
          %get3A_726 = arith.constant 80 : index
          %get3A_727 = tpu.vector_load %arg10[%get3A_725, %get3A_726] {strides = array<i32>} : memref<64x128xf32, #tpu.memory_space<vmem>>, vector<16xf32>,
          %get3A_728 = arith.index_cast %add3A_685 : i32 to index
          %get3A_729 = arith.constant 96 : index
          %get3A_730 = tpu.vector_load %arg10[%get3A_728, %get3A_729] {strides = array<i32>} : memref<64x128xf32, #tpu.memory_space<vmem>>, vector<16xf32>,
          %get3A_731 = arith.index_cast %add3A_685 : i32 to index
          %get3A_732 = arith.constant 112 : index
          %get3A_733 = tpu.vector_load %arg10[%get3A_731, %get3A_732] {strides = array<i32>} : memref<64x128xf32, #tpu.memory_space<vmem>>, vector<16xf32>,
          %mul3A_734 = arith.mulf %get3A_615, %get3A_639 : vector<16xf32>
          %mul3A_735 = arith.mulf %get3A_618, %get3A_642 : vector<16xf32>
          %mul3A_736 = arith.mulf %get3A_621, %get3A_645 : vector<16xf32>
          %mul3A_737 = arith.mulf %get3A_624, %get3A_648 : vector<16xf32>
          %mul3A_738 = arith.mulf %get3A_627, %get3A_651 : vector<16xf32>
          %mul3A_739 = arith.mulf %get3A_630, %get3A_654 : vector<16xf32>
          %mul3A_740 = arith.mulf %get3A_633, %get3A_657 : vector<16xf32>
          %mul3A_741 = arith.mulf %get3A_636, %get3A_660 : vector<16xf32>
          %add3A_742 = arith.addf %mul3A_734, %mul3A_735 : vector<16xf32>
          %add3A_743 = arith.addf %mul3A_736, %mul3A_737 : vector<16xf32>
          %add3A_744 = arith.addf %mul3A_738, %mul3A_739 : vector<16xf32>
          %add3A_745 = arith.addf %mul3A_740, %mul3A_741 : vector<16xf32>
          %add3A_746 = arith.addf %add3A_742, %add3A_743 : vector<16xf32>
          %add3A_747 = arith.addf %add3A_744, %add3A_745 : vector<16xf32>
          %add3A_748 = arith.addf %add3A_746, %add3A_747 : vector<16xf32>
          %swap3A_749 = arith.constant 6 : i32
          %swap3A_750 = arith.index_cast %swap3A_749 : i32 to index
          %swap3A_751 = arith.constant 0 : index
          %swap3A_752 = tpu.vector_load %arg13[%swap3A_750, %swap3A_751] {strides = array<i32>} : memref<16x17xf32, #tpu.memory_space<vmem>>, vector<16xf32>,
          tpu.vector_store %arg13[%swap3A_750, %swap3A_751], %add3A_748 {strides = array<i32>} : memref<16x17xf32, #tpu.memory_space<vmem>>, vector<16xf32>,
          %mul3A_753 = arith.constant 16 : i32
          %mul3A_754 = arith.muli %scan3A_189, %mul3A_753 : i32
          %add3A_755 = arith.constant 7 : i32
          %add3A_756 = arith.addi %mul3A_754, %add3A_755 : i32
          %add3A_757 = arith.constant 1 : i32
          %add3A_758 = arith.addi %add3A_756, %add3A_757 : i32
          %get3A_759 = arith.index_cast %add3A_758 : i32 to index
          %get3A_760 = arith.constant 0 : index
          %get3A_761 = tpu.vector_load %arg8[%get3A_759, %get3A_760] {strides = array<i32>} : memref<64x128xf32, #tpu.memory_space<vmem>>, vector<16xf32>,
          %get3A_762 = arith.index_cast %add3A_758 : i32 to index
          %get3A_763 = arith.constant 16 : index
          %get3A_764 = tpu.vector_load %arg8[%get3A_762, %get3A_763] {strides = array<i32>} : memref<64x128xf32, #tpu.memory_space<vmem>>, vector<16xf32>,
          %get3A_765 = arith.index_cast %add3A_758 : i32 to index
          %get3A_766 = arith.constant 32 : index
          %get3A_767 = tpu.vector_load %arg8[%get3A_765, %get3A_766] {strides = array<i32>} : memref<64x128xf32, #tpu.memory_space<vmem>>, vector<16xf32>,
          %get3A_768 = arith.index_cast %add3A_758 : i32 to index
          %get3A_769 = arith.constant 48 : index
          %get3A_770 = tpu.vector_load %arg8[%get3A_768, %get3A_769] {strides = array<i32>} : memref<64x128xf32, #tpu.memory_space<vmem>>, vector<16xf32>,
          %get3A_771 = arith.index_cast %add3A_758 : i32 to index
          %get3A_772 = arith.constant 64 : index
          %get3A_773 = tpu.vector_load %arg8[%get3A_771, %get3A_772] {strides = array<i32>} : memref<64x128xf32, #tpu.memory_space<vmem>>, vector<16xf32>,
          %get3A_774 = arith.index_cast %add3A_758 : i32 to index
          %get3A_775 = arith.constant 80 : index
          %get3A_776 = tpu.vector_load %arg8[%get3A_774, %get3A_775] {strides = array<i32>} : memref<64x128xf32, #tpu.memory_space<vmem>>, vector<16xf32>,
          %get3A_777 = arith.index_cast %add3A_758 : i32 to index
          %get3A_778 = arith.constant 96 : index
          %get3A_779 = tpu.vector_load %arg8[%get3A_777, %get3A_778] {strides = array<i32>} : memref<64x128xf32, #tpu.memory_space<vmem>>, vector<16xf32>,
          %get3A_780 = arith.index_cast %add3A_758 : i32 to index
          %get3A_781 = arith.constant 112 : index
          %get3A_782 = tpu.vector_load %arg8[%get3A_780, %get3A_781] {strides = array<i32>} : memref<64x128xf32, #tpu.memory_space<vmem>>, vector<16xf32>,
          %get3A_783 = arith.index_cast %add3A_758 : i32 to index
          %get3A_784 = arith.constant 0 : index
          %get3A_785 = tpu.vector_load %arg10[%get3A_783, %get3A_784] {strides = array<i32>} : memref<64x128xf32, #tpu.memory_space<vmem>>, vector<16xf32>,
          %get3A_786 = arith.index_cast %add3A_758 : i32 to index
          %get3A_787 = arith.constant 16 : index
          %get3A_788 = tpu.vector_load %arg10[%get3A_786, %get3A_787] {strides = array<i32>} : memref<64x128xf32, #tpu.memory_space<vmem>>, vector<16xf32>,
          %get3A_789 = arith.index_cast %add3A_758 : i32 to index
          %get3A_790 = arith.constant 32 : index
          %get3A_791 = tpu.vector_load %arg10[%get3A_789, %get3A_790] {strides = array<i32>} : memref<64x128xf32, #tpu.memory_space<vmem>>, vector<16xf32>,
          %get3A_792 = arith.index_cast %add3A_758 : i32 to index
          %get3A_793 = arith.constant 48 : index
          %get3A_794 = tpu.vector_load %arg10[%get3A_792, %get3A_793] {strides = array<i32>} : memref<64x128xf32, #tpu.memory_space<vmem>>, vector<16xf32>,
          %get3A_795 = arith.index_cast %add3A_758 : i32 to index
          %get3A_796 = arith.constant 64 : index
          %get3A_797 = tpu.vector_load %arg10[%get3A_795, %get3A_796] {strides = array<i32>} : memref<64x128xf32, #tpu.memory_space<vmem>>, vector<16xf32>,
          %get3A_798 = arith.index_cast %add3A_758 : i32 to index
          %get3A_799 = arith.constant 80 : index
          %get3A_800 = tpu.vector_load %arg10[%get3A_798, %get3A_799] {strides = array<i32>} : memref<64x128xf32, #tpu.memory_space<vmem>>, vector<16xf32>,
          %get3A_801 = arith.index_cast %add3A_758 : i32 to index
          %get3A_802 = arith.constant 96 : index
          %get3A_803 = tpu.vector_load %arg10[%get3A_801, %get3A_802] {strides = array<i32>} : memref<64x128xf32, #tpu.memory_space<vmem>>, vector<16xf32>,
          %get3A_804 = arith.index_cast %add3A_758 : i32 to index
          %get3A_805 = arith.constant 112 : index
          %get3A_806 = tpu.vector_load %arg10[%get3A_804, %get3A_805] {strides = array<i32>} : memref<64x128xf32, #tpu.memory_space<vmem>>, vector<16xf32>,
          %mul3A_807 = arith.mulf %get3A_688, %get3A_712 : vector<16xf32>
          %mul3A_808 = arith.mulf %get3A_691, %get3A_715 : vector<16xf32>
          %mul3A_809 = arith.mulf %get3A_694, %get3A_718 : vector<16xf32>
          %mul3A_810 = arith.mulf %get3A_697, %get3A_721 : vector<16xf32>
          %mul3A_811 = arith.mulf %get3A_700, %get3A_724 : vector<16xf32>
          %mul3A_812 = arith.mulf %get3A_703, %get3A_727 : vector<16xf32>
          %mul3A_813 = arith.mulf %get3A_706, %get3A_730 : vector<16xf32>
          %mul3A_814 = arith.mulf %get3A_709, %get3A_733 : vector<16xf32>
          %add3A_815 = arith.addf %mul3A_807, %mul3A_808 : vector<16xf32>
          %add3A_816 = arith.addf %mul3A_809, %mul3A_810 : vector<16xf32>
          %add3A_817 = arith.addf %mul3A_811, %mul3A_812 : vector<16xf32>
          %add3A_818 = arith.addf %mul3A_813, %mul3A_814 : vector<16xf32>
          %add3A_819 = arith.addf %add3A_815, %add3A_816 : vector<16xf32>
          %add3A_820 = arith.addf %add3A_817, %add3A_818 : vector<16xf32>
          %add3A_821 = arith.addf %add3A_819, %add3A_820 : vector<16xf32>
          %swap3A_822 = arith.constant 7 : i32
          %swap3A_823 = arith.index_cast %swap3A_822 : i32 to index
          %swap3A_824 = arith.constant 0 : index
          %swap3A_825 = tpu.vector_load %arg13[%swap3A_823, %swap3A_824] {strides = array<i32>} : memref<16x17xf32, #tpu.memory_space<vmem>>, vector<16xf32>,
          tpu.vector_store %arg13[%swap3A_823, %swap3A_824], %add3A_821 {strides = array<i32>} : memref<16x17xf32, #tpu.memory_space<vmem>>, vector<16xf32>,
          %mul3A_826 = arith.constant 16 : i32
          %mul3A_827 = arith.muli %scan3A_189, %mul3A_826 : i32
          %add3A_828 = arith.constant 8 : i32
          %add3A_829 = arith.addi %mul3A_827, %add3A_828 : i32
          %add3A_830 = arith.constant 1 : i32
          %add3A_831 = arith.addi %add3A_829, %add3A_830 : i32
          %get3A_832 = arith.index_cast %add3A_831 : i32 to index
          %get3A_833 = arith.constant 0 : index
          %get3A_834 = tpu.vector_load %arg8[%get3A_832, %get3A_833] {strides = array<i32>} : memref<64x128xf32, #tpu.memory_space<vmem>>, vector<16xf32>,
          %get3A_835 = arith.index_cast %add3A_831 : i32 to index
          %get3A_836 = arith.constant 16 : index
          %get3A_837 = tpu.vector_load %arg8[%get3A_835, %get3A_836] {strides = array<i32>} : memref<64x128xf32, #tpu.memory_space<vmem>>, vector<16xf32>,
          %get3A_838 = arith.index_cast %add3A_831 : i32 to index
          %get3A_839 = arith.constant 32 : index
          %get3A_840 = tpu.vector_load %arg8[%get3A_838, %get3A_839] {strides = array<i32>} : memref<64x128xf32, #tpu.memory_space<vmem>>, vector<16xf32>,
          %get3A_841 = arith.index_cast %add3A_831 : i32 to index
          %get3A_842 = arith.constant 48 : index
          %get3A_843 = tpu.vector_load %arg8[%get3A_841, %get3A_842] {strides = array<i32>} : memref<64x128xf32, #tpu.memory_space<vmem>>, vector<16xf32>,
          %get3A_844 = arith.index_cast %add3A_831 : i32 to index
          %get3A_845 = arith.constant 64 : index
          %get3A_846 = tpu.vector_load %arg8[%get3A_844, %get3A_845] {strides = array<i32>} : memref<64x128xf32, #tpu.memory_space<vmem>>, vector<16xf32>,
          %get3A_847 = arith.index_cast %add3A_831 : i32 to index
          %get3A_848 = arith.constant 80 : index
          %get3A_849 = tpu.vector_load %arg8[%get3A_847, %get3A_848] {strides = array<i32>} : memref<64x128xf32, #tpu.memory_space<vmem>>, vector<16xf32>,
          %get3A_850 = arith.index_cast %add3A_831 : i32 to index
          %get3A_851 = arith.constant 96 : index
          %get3A_852 = tpu.vector_load %arg8[%get3A_850, %get3A_851] {strides = array<i32>} : memref<64x128xf32, #tpu.memory_space<vmem>>, vector<16xf32>,
          %get3A_853 = arith.index_cast %add3A_831 : i32 to index
          %get3A_854 = arith.constant 112 : index
          %get3A_855 = tpu.vector_load %arg8[%get3A_853, %get3A_854] {strides = array<i32>} : memref<64x128xf32, #tpu.memory_space<vmem>>, vector<16xf32>,
          %get3A_856 = arith.index_cast %add3A_831 : i32 to index
          %get3A_857 = arith.constant 0 : index
          %get3A_858 = tpu.vector_load %arg10[%get3A_856, %get3A_857] {strides = array<i32>} : memref<64x128xf32, #tpu.memory_space<vmem>>, vector<16xf32>,
          %get3A_859 = arith.index_cast %add3A_831 : i32 to index
          %get3A_860 = arith.constant 16 : index
          %get3A_861 = tpu.vector_load %arg10[%get3A_859, %get3A_860] {strides = array<i32>} : memref<64x128xf32, #tpu.memory_space<vmem>>, vector<16xf32>,
          %get3A_862 = arith.index_cast %add3A_831 : i32 to index
          %get3A_863 = arith.constant 32 : index
          %get3A_864 = tpu.vector_load %arg10[%get3A_862, %get3A_863] {strides = array<i32>} : memref<64x128xf32, #tpu.memory_space<vmem>>, vector<16xf32>,
          %get3A_865 = arith.index_cast %add3A_831 : i32 to index
          %get3A_866 = arith.constant 48 : index
          %get3A_867 = tpu.vector_load %arg10[%get3A_865, %get3A_866] {strides = array<i32>} : memref<64x128xf32, #tpu.memory_space<vmem>>, vector<16xf32>,
          %get3A_868 = arith.index_cast %add3A_831 : i32 to index
          %get3A_869 = arith.constant 64 : index
          %get3A_870 = tpu.vector_load %arg10[%get3A_868, %get3A_869] {strides = array<i32>} : memref<64x128xf32, #tpu.memory_space<vmem>>, vector<16xf32>,
          %get3A_871 = arith.index_cast %add3A_831 : i32 to index
          %get3A_872 = arith.constant 80 : index
          %get3A_873 = tpu.vector_load %arg10[%get3A_871, %get3A_872] {strides = array<i32>} : memref<64x128xf32, #tpu.memory_space<vmem>>, vector<16xf32>,
          %get3A_874 = arith.index_cast %add3A_831 : i32 to index
          %get3A_875 = arith.constant 96 : index
          %get3A_876 = tpu.vector_load %arg10[%get3A_874, %get3A_875] {strides = array<i32>} : memref<64x128xf32, #tpu.memory_space<vmem>>, vector<16xf32>,
          %get3A_877 = arith.index_cast %add3A_831 : i32 to index
          %get3A_878 = arith.constant 112 : index
          %get3A_879 = tpu.vector_load %arg10[%get3A_877, %get3A_878] {strides = array<i32>} : memref<64x128xf32, #tpu.memory_space<vmem>>, vector<16xf32>,
          %mul3A_880 = arith.mulf %get3A_761, %get3A_785 : vector<16xf32>
          %mul3A_881 = arith.mulf %get3A_764, %get3A_788 : vector<16xf32>
          %mul3A_882 = arith.mulf %get3A_767, %get3A_791 : vector<16xf32>
          %mul3A_883 = arith.mulf %get3A_770, %get3A_794 : vector<16xf32>
          %mul3A_884 = arith.mulf %get3A_773, %get3A_797 : vector<16xf32>
          %mul3A_885 = arith.mulf %get3A_776, %get3A_800 : vector<16xf32>
          %mul3A_886 = arith.mulf %get3A_779, %get3A_803 : vector<16xf32>
          %mul3A_887 = arith.mulf %get3A_782, %get3A_806 : vector<16xf32>
          %add3A_888 = arith.addf %mul3A_880, %mul3A_881 : vector<16xf32>
          %add3A_889 = arith.addf %mul3A_882, %mul3A_883 : vector<16xf32>
          %add3A_890 = arith.addf %mul3A_884, %mul3A_885 : vector<16xf32>
          %add3A_891 = arith.addf %mul3A_886, %mul3A_887 : vector<16xf32>
          %add3A_892 = arith.addf %add3A_888, %add3A_889 : vector<16xf32>
          %add3A_893 = arith.addf %add3A_890, %add3A_891 : vector<16xf32>
          %add3A_894 = arith.addf %add3A_892, %add3A_893 : vector<16xf32>
          %swap3A_895 = arith.constant 8 : i32
          %swap3A_896 = arith.index_cast %swap3A_895 : i32 to index
          %swap3A_897 = arith.constant 0 : index
          %swap3A_898 = tpu.vector_load %arg13[%swap3A_896, %swap3A_897] {strides = array<i32>} : memref<16x17xf32, #tpu.memory_space<vmem>>, vector<16xf32>,
          tpu.vector_store %arg13[%swap3A_896, %swap3A_897], %add3A_894 {strides = array<i32>} : memref<16x17xf32, #tpu.memory_space<vmem>>, vector<16xf32>,
          %mul3A_899 = arith.constant 16 : i32
          %mul3A_900 = arith.muli %scan3A_189, %mul3A_899 : i32
          %add3A_901 = arith.constant 9 : i32
          %add3A_902 = arith.addi %mul3A_900, %add3A_901 : i32
          %add3A_903 = arith.constant 1 : i32
          %add3A_904 = arith.addi %add3A_902, %add3A_903 : i32
          %get3A_905 = arith.index_cast %add3A_904 : i32 to index
          %get3A_906 = arith.constant 0 : index
          %get3A_907 = tpu.vector_load %arg8[%get3A_905, %get3A_906] {strides = array<i32>} : memref<64x128xf32, #tpu.memory_space<vmem>>, vector<16xf32>,
          %get3A_908 = arith.index_cast %add3A_904 : i32 to index
          %get3A_909 = arith.constant 16 : index
          %get3A_910 = tpu.vector_load %arg8[%get3A_908, %get3A_909] {strides = array<i32>} : memref<64x128xf32, #tpu.memory_space<vmem>>, vector<16xf32>,
          %get3A_911 = arith.index_cast %add3A_904 : i32 to index
          %get3A_912 = arith.constant 32 : index
          %get3A_913 = tpu.vector_load %arg8[%get3A_911, %get3A_912] {strides = array<i32>} : memref<64x128xf32, #tpu.memory_space<vmem>>, vector<16xf32>,
          %get3A_914 = arith.index_cast %add3A_904 : i32 to index
          %get3A_915 = arith.constant 48 : index
          %get3A_916 = tpu.vector_load %arg8[%get3A_914, %get3A_915] {strides = array<i32>} : memref<64x128xf32, #tpu.memory_space<vmem>>, vector<16xf32>,
          %get3A_917 = arith.index_cast %add3A_904 : i32 to index
          %get3A_918 = arith.constant 64 : index
          %get3A_919 = tpu.vector_load %arg8[%get3A_917, %get3A_918] {strides = array<i32>} : memref<64x128xf32, #tpu.memory_space<vmem>>, vector<16xf32>,
          %get3A_920 = arith.index_cast %add3A_904 : i32 to index
          %get3A_921 = arith.constant 80 : index
          %get3A_922 = tpu.vector_load %arg8[%get3A_920, %get3A_921] {strides = array<i32>} : memref<64x128xf32, #tpu.memory_space<vmem>>, vector<16xf32>,
          %get3A_923 = arith.index_cast %add3A_904 : i32 to index
          %get3A_924 = arith.constant 96 : index
          %get3A_925 = tpu.vector_load %arg8[%get3A_923, %get3A_924] {strides = array<i32>} : memref<64x128xf32, #tpu.memory_space<vmem>>, vector<16xf32>,
          %get3A_926 = arith.index_cast %add3A_904 : i32 to index
          %get3A_927 = arith.constant 112 : index
          %get3A_928 = tpu.vector_load %arg8[%get3A_926, %get3A_927] {strides = array<i32>} : memref<64x128xf32, #tpu.memory_space<vmem>>, vector<16xf32>,
          %get3A_929 = arith.index_cast %add3A_904 : i32 to index
          %get3A_930 = arith.constant 0 : index
          %get3A_931 = tpu.vector_load %arg10[%get3A_929, %get3A_930] {strides = array<i32>} : memref<64x128xf32, #tpu.memory_space<vmem>>, vector<16xf32>,
          %get3A_932 = arith.index_cast %add3A_904 : i32 to index
          %get3A_933 = arith.constant 16 : index
          %get3A_934 = tpu.vector_load %arg10[%get3A_932, %get3A_933] {strides = array<i32>} : memref<64x128xf32, #tpu.memory_space<vmem>>, vector<16xf32>,
          %get3A_935 = arith.index_cast %add3A_904 : i32 to index
          %get3A_936 = arith.constant 32 : index
          %get3A_937 = tpu.vector_load %arg10[%get3A_935, %get3A_936] {strides = array<i32>} : memref<64x128xf32, #tpu.memory_space<vmem>>, vector<16xf32>,
          %get3A_938 = arith.index_cast %add3A_904 : i32 to index
          %get3A_939 = arith.constant 48 : index
          %get3A_940 = tpu.vector_load %arg10[%get3A_938, %get3A_939] {strides = array<i32>} : memref<64x128xf32, #tpu.memory_space<vmem>>, vector<16xf32>,
          %get3A_941 = arith.index_cast %add3A_904 : i32 to index
          %get3A_942 = arith.constant 64 : index
          %get3A_943 = tpu.vector_load %arg10[%get3A_941, %get3A_942] {strides = array<i32>} : memref<64x128xf32, #tpu.memory_space<vmem>>, vector<16xf32>,
          %get3A_944 = arith.index_cast %add3A_904 : i32 to index
          %get3A_945 = arith.constant 80 : index
          %get3A_946 = tpu.vector_load %arg10[%get3A_944, %get3A_945] {strides = array<i32>} : memref<64x128xf32, #tpu.memory_space<vmem>>, vector<16xf32>,
          %get3A_947 = arith.index_cast %add3A_904 : i32 to index
          %get3A_948 = arith.constant 96 : index
          %get3A_949 = tpu.vector_load %arg10[%get3A_947, %get3A_948] {strides = array<i32>} : memref<64x128xf32, #tpu.memory_space<vmem>>, vector<16xf32>,
          %get3A_950 = arith.index_cast %add3A_904 : i32 to index
          %get3A_951 = arith.constant 112 : index
          %get3A_952 = tpu.vector_load %arg10[%get3A_950, %get3A_951] {strides = array<i32>} : memref<64x128xf32, #tpu.memory_space<vmem>>, vector<16xf32>,
          %mul3A_953 = arith.mulf %get3A_834, %get3A_858 : vector<16xf32>
          %mul3A_954 = arith.mulf %get3A_837, %get3A_861 : vector<16xf32>
          %mul3A_955 = arith.mulf %get3A_840, %get3A_864 : vector<16xf32>
          %mul3A_956 = arith.mulf %get3A_843, %get3A_867 : vector<16xf32>
          %mul3A_957 = arith.mulf %get3A_846, %get3A_870 : vector<16xf32>
          %mul3A_958 = arith.mulf %get3A_849, %get3A_873 : vector<16xf32>
          %mul3A_959 = arith.mulf %get3A_852, %get3A_876 : vector<16xf32>
          %mul3A_960 = arith.mulf %get3A_855, %get3A_879 : vector<16xf32>
          %add3A_961 = arith.addf %mul3A_953, %mul3A_954 : vector<16xf32>
          %add3A_962 = arith.addf %mul3A_955, %mul3A_956 : vector<16xf32>
          %add3A_963 = arith.addf %mul3A_957, %mul3A_958 : vector<16xf32>
          %add3A_964 = arith.addf %mul3A_959, %mul3A_960 : vector<16xf32>
          %add3A_965 = arith.addf %add3A_961, %add3A_962 : vector<16xf32>
          %add3A_966 = arith.addf %add3A_963, %add3A_964 : vector<16xf32>
          %add3A_967 = arith.addf %add3A_965, %add3A_966 : vector<16xf32>
          %swap3A_968 = arith.constant 9 : i32
          %swap3A_969 = arith.index_cast %swap3A_968 : i32 to index
          %swap3A_970 = arith.constant 0 : index
          %swap3A_971 = tpu.vector_load %arg13[%swap3A_969, %swap3A_970] {strides = array<i32>} : memref<16x17xf32, #tpu.memory_space<vmem>>, vector<16xf32>,
          tpu.vector_store %arg13[%swap3A_969, %swap3A_970], %add3A_967 {strides = array<i32>} : memref<16x17xf32, #tpu.memory_space<vmem>>, vector<16xf32>,
          %mul3A_972 = arith.constant 16 : i32
          %mul3A_973 = arith.muli %scan3A_189, %mul3A_972 : i32
          %add3A_974 = arith.constant 10 : i32
          %add3A_975 = arith.addi %mul3A_973, %add3A_974 : i32
          %add3A_976 = arith.constant 1 : i32
          %add3A_977 = arith.addi %add3A_975, %add3A_976 : i32
          %get3A_978 = arith.index_cast %add3A_977 : i32 to index
          %get3A_979 = arith.constant 0 : index
          %get3A_980 = tpu.vector_load %arg8[%get3A_978, %get3A_979] {strides = array<i32>} : memref<64x128xf32, #tpu.memory_space<vmem>>, vector<16xf32>,
          %get3A_981 = arith.index_cast %add3A_977 : i32 to index
          %get3A_982 = arith.constant 16 : index
          %get3A_983 = tpu.vector_load %arg8[%get3A_981, %get3A_982] {strides = array<i32>} : memref<64x128xf32, #tpu.memory_space<vmem>>, vector<16xf32>,
          %get3A_984 = arith.index_cast %add3A_977 : i32 to index
          %get3A_985 = arith.constant 32 : index
          %get3A_986 = tpu.vector_load %arg8[%get3A_984, %get3A_985] {strides = array<i32>} : memref<64x128xf32, #tpu.memory_space<vmem>>, vector<16xf32>,
          %get3A_987 = arith.index_cast %add3A_977 : i32 to index
          %get3A_988 = arith.constant 48 : index
          %get3A_989 = tpu.vector_load %arg8[%get3A_987, %get3A_988] {strides = array<i32>} : memref<64x128xf32, #tpu.memory_space<vmem>>, vector<16xf32>,
          %get3A_990 = arith.index_cast %add3A_977 : i32 to index
          %get3A_991 = arith.constant 64 : index
          %get3A_992 = tpu.vector_load %arg8[%get3A_990, %get3A_991] {strides = array<i32>} : memref<64x128xf32, #tpu.memory_space<vmem>>, vector<16xf32>,
          %get3A_993 = arith.index_cast %add3A_977 : i32 to index
          %get3A_994 = arith.constant 80 : index
          %get3A_995 = tpu.vector_load %arg8[%get3A_993, %get3A_994] {strides = array<i32>} : memref<64x128xf32, #tpu.memory_space<vmem>>, vector<16xf32>,
          %get3A_996 = arith.index_cast %add3A_977 : i32 to index
          %get3A_997 = arith.constant 96 : index
          %get3A_998 = tpu.vector_load %arg8[%get3A_996, %get3A_997] {strides = array<i32>} : memref<64x128xf32, #tpu.memory_space<vmem>>, vector<16xf32>,
          %get3A_999 = arith.index_cast %add3A_977 : i32 to index
          %get3A_1000 = arith.constant 112 : index
          %get3A_1001 = tpu.vector_load %arg8[%get3A_999, %get3A_1000] {strides = array<i32>} : memref<64x128xf32, #tpu.memory_space<vmem>>, vector<16xf32>,
          %get3A_1002 = arith.index_cast %add3A_977 : i32 to index
          %get3A_1003 = arith.constant 0 : index
          %get3A_1004 = tpu.vector_load %arg10[%get3A_1002, %get3A_1003] {strides = array<i32>} : memref<64x128xf32, #tpu.memory_space<vmem>>, vector<16xf32>,
          %get3A_1005 = arith.index_cast %add3A_977 : i32 to index
          %get3A_1006 = arith.constant 16 : index
          %get3A_1007 = tpu.vector_load %arg10[%get3A_1005, %get3A_1006] {strides = array<i32>} : memref<64x128xf32, #tpu.memory_space<vmem>>, vector<16xf32>,
          %get3A_1008 = arith.index_cast %add3A_977 : i32 to index
          %get3A_1009 = arith.constant 32 : index
          %get3A_1010 = tpu.vector_load %arg10[%get3A_1008, %get3A_1009] {strides = array<i32>} : memref<64x128xf32, #tpu.memory_space<vmem>>, vector<16xf32>,
          %get3A_1011 = arith.index_cast %add3A_977 : i32 to index
          %get3A_1012 = arith.constant 48 : index
          %get3A_1013 = tpu.vector_load %arg10[%get3A_1011, %get3A_1012] {strides = array<i32>} : memref<64x128xf32, #tpu.memory_space<vmem>>, vector<16xf32>,
          %get3A_1014 = arith.index_cast %add3A_977 : i32 to index
          %get3A_1015 = arith.constant 64 : index
          %get3A_1016 = tpu.vector_load %arg10[%get3A_1014, %get3A_1015] {strides = array<i32>} : memref<64x128xf32, #tpu.memory_space<vmem>>, vector<16xf32>,
          %get3A_1017 = arith.index_cast %add3A_977 : i32 to index
          %get3A_1018 = arith.constant 80 : index
          %get3A_1019 = tpu.vector_load %arg10[%get3A_1017, %get3A_1018] {strides = array<i32>} : memref<64x128xf32, #tpu.memory_space<vmem>>, vector<16xf32>,
          %get3A_1020 = arith.index_cast %add3A_977 : i32 to index
          %get3A_1021 = arith.constant 96 : index
          %get3A_1022 = tpu.vector_load %arg10[%get3A_1020, %get3A_1021] {strides = array<i32>} : memref<64x128xf32, #tpu.memory_space<vmem>>, vector<16xf32>,
          %get3A_1023 = arith.index_cast %add3A_977 : i32 to index
          %get3A_1024 = arith.constant 112 : index
          %get3A_1025 = tpu.vector_load %arg10[%get3A_1023, %get3A_1024] {strides = array<i32>} : memref<64x128xf32, #tpu.memory_space<vmem>>, vector<16xf32>,
          %mul3A_1026 = arith.mulf %get3A_907, %get3A_931 : vector<16xf32>
          %mul3A_1027 = arith.mulf %get3A_910, %get3A_934 : vector<16xf32>
          %mul3A_1028 = arith.mulf %get3A_913, %get3A_937 : vector<16xf32>
          %mul3A_1029 = arith.mulf %get3A_916, %get3A_940 : vector<16xf32>
          %mul3A_1030 = arith.mulf %get3A_919, %get3A_943 : vector<16xf32>
          %mul3A_1031 = arith.mulf %get3A_922, %get3A_946 : vector<16xf32>
          %mul3A_1032 = arith.mulf %get3A_925, %get3A_949 : vector<16xf32>
          %mul3A_1033 = arith.mulf %get3A_928, %get3A_952 : vector<16xf32>
          %add3A_1034 = arith.addf %mul3A_1026, %mul3A_1027 : vector<16xf32>
          %add3A_1035 = arith.addf %mul3A_1028, %mul3A_1029 : vector<16xf32>
          %add3A_1036 = arith.addf %mul3A_1030, %mul3A_1031 : vector<16xf32>
          %add3A_1037 = arith.addf %mul3A_1032, %mul3A_1033 : vector<16xf32>
          %add3A_1038 = arith.addf %add3A_1034, %add3A_1035 : vector<16xf32>
          %add3A_1039 = arith.addf %add3A_1036, %add3A_1037 : vector<16xf32>
          %add3A_1040 = arith.addf %add3A_1038, %add3A_1039 : vector<16xf32>
          %swap3A_1041 = arith.constant 10 : i32
          %swap3A_1042 = arith.index_cast %swap3A_1041 : i32 to index
          %swap3A_1043 = arith.constant 0 : index
          %swap3A_1044 = tpu.vector_load %arg13[%swap3A_1042, %swap3A_1043] {strides = array<i32>} : memref<16x17xf32, #tpu.memory_space<vmem>>, vector<16xf32>,
          tpu.vector_store %arg13[%swap3A_1042, %swap3A_1043], %add3A_1040 {strides = array<i32>} : memref<16x17xf32, #tpu.memory_space<vmem>>, vector<16xf32>,
          %mul3A_1045 = arith.constant 16 : i32
          %mul3A_1046 = arith.muli %scan3A_189, %mul3A_1045 : i32
          %add3A_1047 = arith.constant 11 : i32
          %add3A_1048 = arith.addi %mul3A_1046, %add3A_1047 : i32
          %add3A_1049 = arith.constant 1 : i32
          %add3A_1050 = arith.addi %add3A_1048, %add3A_1049 : i32
          %get3A_1051 = arith.index_cast %add3A_1050 : i32 to index
          %get3A_1052 = arith.constant 0 : index
          %get3A_1053 = tpu.vector_load %arg8[%get3A_1051, %get3A_1052] {strides = array<i32>} : memref<64x128xf32, #tpu.memory_space<vmem>>, vector<16xf32>,
          %get3A_1054 = arith.index_cast %add3A_1050 : i32 to index
          %get3A_1055 = arith.constant 16 : index
          %get3A_1056 = tpu.vector_load %arg8[%get3A_1054, %get3A_1055] {strides = array<i32>} : memref<64x128xf32, #tpu.memory_space<vmem>>, vector<16xf32>,
          %get3A_1057 = arith.index_cast %add3A_1050 : i32 to index
          %get3A_1058 = arith.constant 32 : index
          %get3A_1059 = tpu.vector_load %arg8[%get3A_1057, %get3A_1058] {strides = array<i32>} : memref<64x128xf32, #tpu.memory_space<vmem>>, vector<16xf32>,
          %get3A_1060 = arith.index_cast %add3A_1050 : i32 to index
          %get3A_1061 = arith.constant 48 : index
          %get3A_1062 = tpu.vector_load %arg8[%get3A_1060, %get3A_1061] {strides = array<i32>} : memref<64x128xf32, #tpu.memory_space<vmem>>, vector<16xf32>,
          %get3A_1063 = arith.index_cast %add3A_1050 : i32 to index
          %get3A_1064 = arith.constant 64 : index
          %get3A_1065 = tpu.vector_load %arg8[%get3A_1063, %get3A_1064] {strides = array<i32>} : memref<64x128xf32, #tpu.memory_space<vmem>>, vector<16xf32>,
          %get3A_1066 = arith.index_cast %add3A_1050 : i32 to index
          %get3A_1067 = arith.constant 80 : index
          %get3A_1068 = tpu.vector_load %arg8[%get3A_1066, %get3A_1067] {strides = array<i32>} : memref<64x128xf32, #tpu.memory_space<vmem>>, vector<16xf32>,
          %get3A_1069 = arith.index_cast %add3A_1050 : i32 to index
          %get3A_1070 = arith.constant 96 : index
          %get3A_1071 = tpu.vector_load %arg8[%get3A_1069, %get3A_1070] {strides = array<i32>} : memref<64x128xf32, #tpu.memory_space<vmem>>, vector<16xf32>,
          %get3A_1072 = arith.index_cast %add3A_1050 : i32 to index
          %get3A_1073 = arith.constant 112 : index
          %get3A_1074 = tpu.vector_load %arg8[%get3A_1072, %get3A_1073] {strides = array<i32>} : memref<64x128xf32, #tpu.memory_space<vmem>>, vector<16xf32>,
          %get3A_1075 = arith.index_cast %add3A_1050 : i32 to index
          %get3A_1076 = arith.constant 0 : index
          %get3A_1077 = tpu.vector_load %arg10[%get3A_1075, %get3A_1076] {strides = array<i32>} : memref<64x128xf32, #tpu.memory_space<vmem>>, vector<16xf32>,
          %get3A_1078 = arith.index_cast %add3A_1050 : i32 to index
          %get3A_1079 = arith.constant 16 : index
          %get3A_1080 = tpu.vector_load %arg10[%get3A_1078, %get3A_1079] {strides = array<i32>} : memref<64x128xf32, #tpu.memory_space<vmem>>, vector<16xf32>,
          %get3A_1081 = arith.index_cast %add3A_1050 : i32 to index
          %get3A_1082 = arith.constant 32 : index
          %get3A_1083 = tpu.vector_load %arg10[%get3A_1081, %get3A_1082] {strides = array<i32>} : memref<64x128xf32, #tpu.memory_space<vmem>>, vector<16xf32>,
          %get3A_1084 = arith.index_cast %add3A_1050 : i32 to index
          %get3A_1085 = arith.constant 48 : index
          %get3A_1086 = tpu.vector_load %arg10[%get3A_1084, %get3A_1085] {strides = array<i32>} : memref<64x128xf32, #tpu.memory_space<vmem>>, vector<16xf32>,
          %get3A_1087 = arith.index_cast %add3A_1050 : i32 to index
          %get3A_1088 = arith.constant 64 : index
          %get3A_1089 = tpu.vector_load %arg10[%get3A_1087, %get3A_1088] {strides = array<i32>} : memref<64x128xf32, #tpu.memory_space<vmem>>, vector<16xf32>,
          %get3A_1090 = arith.index_cast %add3A_1050 : i32 to index
          %get3A_1091 = arith.constant 80 : index
          %get3A_1092 = tpu.vector_load %arg10[%get3A_1090, %get3A_1091] {strides = array<i32>} : memref<64x128xf32, #tpu.memory_space<vmem>>, vector<16xf32>,
          %get3A_1093 = arith.index_cast %add3A_1050 : i32 to index
          %get3A_1094 = arith.constant 96 : index
          %get3A_1095 = tpu.vector_load %arg10[%get3A_1093, %get3A_1094] {strides = array<i32>} : memref<64x128xf32, #tpu.memory_space<vmem>>, vector<16xf32>,
          %get3A_1096 = arith.index_cast %add3A_1050 : i32 to index
          %get3A_1097 = arith.constant 112 : index
          %get3A_1098 = tpu.vector_load %arg10[%get3A_1096, %get3A_1097] {strides = array<i32>} : memref<64x128xf32, #tpu.memory_space<vmem>>, vector<16xf32>,
          %mul3A_1099 = arith.mulf %get3A_980, %get3A_1004 : vector<16xf32>
          %mul3A_1100 = arith.mulf %get3A_983, %get3A_1007 : vector<16xf32>
          %mul3A_1101 = arith.mulf %get3A_986, %get3A_1010 : vector<16xf32>
          %mul3A_1102 = arith.mulf %get3A_989, %get3A_1013 : vector<16xf32>
          %mul3A_1103 = arith.mulf %get3A_992, %get3A_1016 : vector<16xf32>
          %mul3A_1104 = arith.mulf %get3A_995, %get3A_1019 : vector<16xf32>
          %mul3A_1105 = arith.mulf %get3A_998, %get3A_1022 : vector<16xf32>
          %mul3A_1106 = arith.mulf %get3A_1001, %get3A_1025 : vector<16xf32>
          %add3A_1107 = arith.addf %mul3A_1099, %mul3A_1100 : vector<16xf32>
          %add3A_1108 = arith.addf %mul3A_1101, %mul3A_1102 : vector<16xf32>
          %add3A_1109 = arith.addf %mul3A_1103, %mul3A_1104 : vector<16xf32>
          %add3A_1110 = arith.addf %mul3A_1105, %mul3A_1106 : vector<16xf32>
          %add3A_1111 = arith.addf %add3A_1107, %add3A_1108 : vector<16xf32>
          %add3A_1112 = arith.addf %add3A_1109, %add3A_1110 : vector<16xf32>
          %add3A_1113 = arith.addf %add3A_1111, %add3A_1112 : vector<16xf32>
          %swap3A_1114 = arith.constant 11 : i32
          %swap3A_1115 = arith.index_cast %swap3A_1114 : i32 to index
          %swap3A_1116 = arith.constant 0 : index
          %swap3A_1117 = tpu.vector_load %arg13[%swap3A_1115, %swap3A_1116] {strides = array<i32>} : memref<16x17xf32, #tpu.memory_space<vmem>>, vector<16xf32>,
          tpu.vector_store %arg13[%swap3A_1115, %swap3A_1116], %add3A_1113 {strides = array<i32>} : memref<16x17xf32, #tpu.memory_space<vmem>>, vector<16xf32>,
          %mul3A_1118 = arith.constant 16 : i32
          %mul3A_1119 = arith.muli %scan3A_189, %mul3A_1118 : i32
          %add3A_1120 = arith.constant 12 : i32
          %add3A_1121 = arith.addi %mul3A_1119, %add3A_1120 : i32
          %add3A_1122 = arith.constant 1 : i32
          %add3A_1123 = arith.addi %add3A_1121, %add3A_1122 : i32
          %get3A_1124 = arith.index_cast %add3A_1123 : i32 to index
          %get3A_1125 = arith.constant 0 : index
          %get3A_1126 = tpu.vector_load %arg8[%get3A_1124, %get3A_1125] {strides = array<i32>} : memref<64x128xf32, #tpu.memory_space<vmem>>, vector<16xf32>,
          %get3A_1127 = arith.index_cast %add3A_1123 : i32 to index
          %get3A_1128 = arith.constant 16 : index
          %get3A_1129 = tpu.vector_load %arg8[%get3A_1127, %get3A_1128] {strides = array<i32>} : memref<64x128xf32, #tpu.memory_space<vmem>>, vector<16xf32>,
          %get3A_1130 = arith.index_cast %add3A_1123 : i32 to index
          %get3A_1131 = arith.constant 32 : index
          %get3A_1132 = tpu.vector_load %arg8[%get3A_1130, %get3A_1131] {strides = array<i32>} : memref<64x128xf32, #tpu.memory_space<vmem>>, vector<16xf32>,
          %get3A_1133 = arith.index_cast %add3A_1123 : i32 to index
          %get3A_1134 = arith.constant 48 : index
          %get3A_1135 = tpu.vector_load %arg8[%get3A_1133, %get3A_1134] {strides = array<i32>} : memref<64x128xf32, #tpu.memory_space<vmem>>, vector<16xf32>,
          %get3A_1136 = arith.index_cast %add3A_1123 : i32 to index
          %get3A_1137 = arith.constant 64 : index
          %get3A_1138 = tpu.vector_load %arg8[%get3A_1136, %get3A_1137] {strides = array<i32>} : memref<64x128xf32, #tpu.memory_space<vmem>>, vector<16xf32>,
          %get3A_1139 = arith.index_cast %add3A_1123 : i32 to index
          %get3A_1140 = arith.constant 80 : index
          %get3A_1141 = tpu.vector_load %arg8[%get3A_1139, %get3A_1140] {strides = array<i32>} : memref<64x128xf32, #tpu.memory_space<vmem>>, vector<16xf32>,
          %get3A_1142 = arith.index_cast %add3A_1123 : i32 to index
          %get3A_1143 = arith.constant 96 : index
          %get3A_1144 = tpu.vector_load %arg8[%get3A_1142, %get3A_1143] {strides = array<i32>} : memref<64x128xf32, #tpu.memory_space<vmem>>, vector<16xf32>,
          %get3A_1145 = arith.index_cast %add3A_1123 : i32 to index
          %get3A_1146 = arith.constant 112 : index
          %get3A_1147 = tpu.vector_load %arg8[%get3A_1145, %get3A_1146] {strides = array<i32>} : memref<64x128xf32, #tpu.memory_space<vmem>>, vector<16xf32>,
          %get3A_1148 = arith.index_cast %add3A_1123 : i32 to index
          %get3A_1149 = arith.constant 0 : index
          %get3A_1150 = tpu.vector_load %arg10[%get3A_1148, %get3A_1149] {strides = array<i32>} : memref<64x128xf32, #tpu.memory_space<vmem>>, vector<16xf32>,
          %get3A_1151 = arith.index_cast %add3A_1123 : i32 to index
          %get3A_1152 = arith.constant 16 : index
          %get3A_1153 = tpu.vector_load %arg10[%get3A_1151, %get3A_1152] {strides = array<i32>} : memref<64x128xf32, #tpu.memory_space<vmem>>, vector<16xf32>,
          %get3A_1154 = arith.index_cast %add3A_1123 : i32 to index
          %get3A_1155 = arith.constant 32 : index
          %get3A_1156 = tpu.vector_load %arg10[%get3A_1154, %get3A_1155] {strides = array<i32>} : memref<64x128xf32, #tpu.memory_space<vmem>>, vector<16xf32>,
          %get3A_1157 = arith.index_cast %add3A_1123 : i32 to index
          %get3A_1158 = arith.constant 48 : index
          %get3A_1159 = tpu.vector_load %arg10[%get3A_1157, %get3A_1158] {strides = array<i32>} : memref<64x128xf32, #tpu.memory_space<vmem>>, vector<16xf32>,
          %get3A_1160 = arith.index_cast %add3A_1123 : i32 to index
          %get3A_1161 = arith.constant 64 : index
          %get3A_1162 = tpu.vector_load %arg10[%get3A_1160, %get3A_1161] {strides = array<i32>} : memref<64x128xf32, #tpu.memory_space<vmem>>, vector<16xf32>,
          %get3A_1163 = arith.index_cast %add3A_1123 : i32 to index
          %get3A_1164 = arith.constant 80 : index
          %get3A_1165 = tpu.vector_load %arg10[%get3A_1163, %get3A_1164] {strides = array<i32>} : memref<64x128xf32, #tpu.memory_space<vmem>>, vector<16xf32>,
          %get3A_1166 = arith.index_cast %add3A_1123 : i32 to index
          %get3A_1167 = arith.constant 96 : index
          %get3A_1168 = tpu.vector_load %arg10[%get3A_1166, %get3A_1167] {strides = array<i32>} : memref<64x128xf32, #tpu.memory_space<vmem>>, vector<16xf32>,
          %get3A_1169 = arith.index_cast %add3A_1123 : i32 to index
          %get3A_1170 = arith.constant 112 : index
          %get3A_1171 = tpu.vector_load %arg10[%get3A_1169, %get3A_1170] {strides = array<i32>} : memref<64x128xf32, #tpu.memory_space<vmem>>, vector<16xf32>,
          %mul3A_1172 = arith.mulf %get3A_1053, %get3A_1077 : vector<16xf32>
          %mul3A_1173 = arith.mulf %get3A_1056, %get3A_1080 : vector<16xf32>
          %mul3A_1174 = arith.mulf %get3A_1059, %get3A_1083 : vector<16xf32>
          %mul3A_1175 = arith.mulf %get3A_1062, %get3A_1086 : vector<16xf32>
          %mul3A_1176 = arith.mulf %get3A_1065, %get3A_1089 : vector<16xf32>
          %mul3A_1177 = arith.mulf %get3A_1068, %get3A_1092 : vector<16xf32>
          %mul3A_1178 = arith.mulf %get3A_1071, %get3A_1095 : vector<16xf32>
          %mul3A_1179 = arith.mulf %get3A_1074, %get3A_1098 : vector<16xf32>
          %add3A_1180 = arith.addf %mul3A_1172, %mul3A_1173 : vector<16xf32>
          %add3A_1181 = arith.addf %mul3A_1174, %mul3A_1175 : vector<16xf32>
          %add3A_1182 = arith.addf %mul3A_1176, %mul3A_1177 : vector<16xf32>
          %add3A_1183 = arith.addf %mul3A_1178, %mul3A_1179 : vector<16xf32>
          %add3A_1184 = arith.addf %add3A_1180, %add3A_1181 : vector<16xf32>
          %add3A_1185 = arith.addf %add3A_1182, %add3A_1183 : vector<16xf32>
          %add3A_1186 = arith.addf %add3A_1184, %add3A_1185 : vector<16xf32>
          %swap3A_1187 = arith.constant 12 : i32
          %swap3A_1188 = arith.index_cast %swap3A_1187 : i32 to index
          %swap3A_1189 = arith.constant 0 : index
          %swap3A_1190 = tpu.vector_load %arg13[%swap3A_1188, %swap3A_1189] {strides = array<i32>} : memref<16x17xf32, #tpu.memory_space<vmem>>, vector<16xf32>,
          tpu.vector_store %arg13[%swap3A_1188, %swap3A_1189], %add3A_1186 {strides = array<i32>} : memref<16x17xf32, #tpu.memory_space<vmem>>, vector<16xf32>,
          %mul3A_1191 = arith.constant 16 : i32
          %mul3A_1192 = arith.muli %scan3A_189, %mul3A_1191 : i32
          %add3A_1193 = arith.constant 13 : i32
          %add3A_1194 = arith.addi %mul3A_1192, %add3A_1193 : i32
          %add3A_1195 = arith.constant 1 : i32
          %add3A_1196 = arith.addi %add3A_1194, %add3A_1195 : i32
          %get3A_1197 = arith.index_cast %add3A_1196 : i32 to index
          %get3A_1198 = arith.constant 0 : index
          %get3A_1199 = tpu.vector_load %arg8[%get3A_1197, %get3A_1198] {strides = array<i32>} : memref<64x128xf32, #tpu.memory_space<vmem>>, vector<16xf32>,
          %get3A_1200 = arith.index_cast %add3A_1196 : i32 to index
          %get3A_1201 = arith.constant 16 : index
          %get3A_1202 = tpu.vector_load %arg8[%get3A_1200, %get3A_1201] {strides = array<i32>} : memref<64x128xf32, #tpu.memory_space<vmem>>, vector<16xf32>,
          %get3A_1203 = arith.index_cast %add3A_1196 : i32 to index
          %get3A_1204 = arith.constant 32 : index
          %get3A_1205 = tpu.vector_load %arg8[%get3A_1203, %get3A_1204] {strides = array<i32>} : memref<64x128xf32, #tpu.memory_space<vmem>>, vector<16xf32>,
          %get3A_1206 = arith.index_cast %add3A_1196 : i32 to index
          %get3A_1207 = arith.constant 48 : index
          %get3A_1208 = tpu.vector_load %arg8[%get3A_1206, %get3A_1207] {strides = array<i32>} : memref<64x128xf32, #tpu.memory_space<vmem>>, vector<16xf32>,
          %get3A_1209 = arith.index_cast %add3A_1196 : i32 to index
          %get3A_1210 = arith.constant 64 : index
          %get3A_1211 = tpu.vector_load %arg8[%get3A_1209, %get3A_1210] {strides = array<i32>} : memref<64x128xf32, #tpu.memory_space<vmem>>, vector<16xf32>,
          %get3A_1212 = arith.index_cast %add3A_1196 : i32 to index
          %get3A_1213 = arith.constant 80 : index
          %get3A_1214 = tpu.vector_load %arg8[%get3A_1212, %get3A_1213] {strides = array<i32>} : memref<64x128xf32, #tpu.memory_space<vmem>>, vector<16xf32>,
          %get3A_1215 = arith.index_cast %add3A_1196 : i32 to index
          %get3A_1216 = arith.constant 96 : index
          %get3A_1217 = tpu.vector_load %arg8[%get3A_1215, %get3A_1216] {strides = array<i32>} : memref<64x128xf32, #tpu.memory_space<vmem>>, vector<16xf32>,
          %get3A_1218 = arith.index_cast %add3A_1196 : i32 to index
          %get3A_1219 = arith.constant 112 : index
          %get3A_1220 = tpu.vector_load %arg8[%get3A_1218, %get3A_1219] {strides = array<i32>} : memref<64x128xf32, #tpu.memory_space<vmem>>, vector<16xf32>,
          %get3A_1221 = arith.index_cast %add3A_1196 : i32 to index
          %get3A_1222 = arith.constant 0 : index
          %get3A_1223 = tpu.vector_load %arg10[%get3A_1221, %get3A_1222] {strides = array<i32>} : memref<64x128xf32, #tpu.memory_space<vmem>>, vector<16xf32>,
          %get3A_1224 = arith.index_cast %add3A_1196 : i32 to index
          %get3A_1225 = arith.constant 16 : index
          %get3A_1226 = tpu.vector_load %arg10[%get3A_1224, %get3A_1225] {strides = array<i32>} : memref<64x128xf32, #tpu.memory_space<vmem>>, vector<16xf32>,
          %get3A_1227 = arith.index_cast %add3A_1196 : i32 to index
          %get3A_1228 = arith.constant 32 : index
          %get3A_1229 = tpu.vector_load %arg10[%get3A_1227, %get3A_1228] {strides = array<i32>} : memref<64x128xf32, #tpu.memory_space<vmem>>, vector<16xf32>,
          %get3A_1230 = arith.index_cast %add3A_1196 : i32 to index
          %get3A_1231 = arith.constant 48 : index
          %get3A_1232 = tpu.vector_load %arg10[%get3A_1230, %get3A_1231] {strides = array<i32>} : memref<64x128xf32, #tpu.memory_space<vmem>>, vector<16xf32>,
          %get3A_1233 = arith.index_cast %add3A_1196 : i32 to index
          %get3A_1234 = arith.constant 64 : index
          %get3A_1235 = tpu.vector_load %arg10[%get3A_1233, %get3A_1234] {strides = array<i32>} : memref<64x128xf32, #tpu.memory_space<vmem>>, vector<16xf32>,
          %get3A_1236 = arith.index_cast %add3A_1196 : i32 to index
          %get3A_1237 = arith.constant 80 : index
          %get3A_1238 = tpu.vector_load %arg10[%get3A_1236, %get3A_1237] {strides = array<i32>} : memref<64x128xf32, #tpu.memory_space<vmem>>, vector<16xf32>,
          %get3A_1239 = arith.index_cast %add3A_1196 : i32 to index
          %get3A_1240 = arith.constant 96 : index
          %get3A_1241 = tpu.vector_load %arg10[%get3A_1239, %get3A_1240] {strides = array<i32>} : memref<64x128xf32, #tpu.memory_space<vmem>>, vector<16xf32>,
          %get3A_1242 = arith.index_cast %add3A_1196 : i32 to index
          %get3A_1243 = arith.constant 112 : index
          %get3A_1244 = tpu.vector_load %arg10[%get3A_1242, %get3A_1243] {strides = array<i32>} : memref<64x128xf32, #tpu.memory_space<vmem>>, vector<16xf32>,
          %mul3A_1245 = arith.mulf %get3A_1126, %get3A_1150 : vector<16xf32>
          %mul3A_1246 = arith.mulf %get3A_1129, %get3A_1153 : vector<16xf32>
          %mul3A_1247 = arith.mulf %get3A_1132, %get3A_1156 : vector<16xf32>
          %mul3A_1248 = arith.mulf %get3A_1135, %get3A_1159 : vector<16xf32>
          %mul3A_1249 = arith.mulf %get3A_1138, %get3A_1162 : vector<16xf32>
          %mul3A_1250 = arith.mulf %get3A_1141, %get3A_1165 : vector<16xf32>
          %mul3A_1251 = arith.mulf %get3A_1144, %get3A_1168 : vector<16xf32>
          %mul3A_1252 = arith.mulf %get3A_1147, %get3A_1171 : vector<16xf32>
          %add3A_1253 = arith.addf %mul3A_1245, %mul3A_1246 : vector<16xf32>
          %add3A_1254 = arith.addf %mul3A_1247, %mul3A_1248 : vector<16xf32>
          %add3A_1255 = arith.addf %mul3A_1249, %mul3A_1250 : vector<16xf32>
          %add3A_1256 = arith.addf %mul3A_1251, %mul3A_1252 : vector<16xf32>
          %add3A_1257 = arith.addf %add3A_1253, %add3A_1254 : vector<16xf32>
          %add3A_1258 = arith.addf %add3A_1255, %add3A_1256 : vector<16xf32>
          %add3A_1259 = arith.addf %add3A_1257, %add3A_1258 : vector<16xf32>
          %swap3A_1260 = arith.constant 13 : i32
          %swap3A_1261 = arith.index_cast %swap3A_1260 : i32 to index
          %swap3A_1262 = arith.constant 0 : index
          %swap3A_1263 = tpu.vector_load %arg13[%swap3A_1261, %swap3A_1262] {strides = array<i32>} : memref<16x17xf32, #tpu.memory_space<vmem>>, vector<16xf32>,
          tpu.vector_store %arg13[%swap3A_1261, %swap3A_1262], %add3A_1259 {strides = array<i32>} : memref<16x17xf32, #tpu.memory_space<vmem>>, vector<16xf32>,
          %mul3A_1264 = arith.constant 16 : i32
          %mul3A_1265 = arith.muli %scan3A_189, %mul3A_1264 : i32
          %add3A_1266 = arith.constant 14 : i32
          %add3A_1267 = arith.addi %mul3A_1265, %add3A_1266 : i32
          %add3A_1268 = arith.constant 1 : i32
          %add3A_1269 = arith.addi %add3A_1267, %add3A_1268 : i32
          %get3A_1270 = arith.index_cast %add3A_1269 : i32 to index
          %get3A_1271 = arith.constant 0 : index
          %get3A_1272 = tpu.vector_load %arg8[%get3A_1270, %get3A_1271] {strides = array<i32>} : memref<64x128xf32, #tpu.memory_space<vmem>>, vector<16xf32>,
          %get3A_1273 = arith.index_cast %add3A_1269 : i32 to index
          %get3A_1274 = arith.constant 16 : index
          %get3A_1275 = tpu.vector_load %arg8[%get3A_1273, %get3A_1274] {strides = array<i32>} : memref<64x128xf32, #tpu.memory_space<vmem>>, vector<16xf32>,
          %get3A_1276 = arith.index_cast %add3A_1269 : i32 to index
          %get3A_1277 = arith.constant 32 : index
          %get3A_1278 = tpu.vector_load %arg8[%get3A_1276, %get3A_1277] {strides = array<i32>} : memref<64x128xf32, #tpu.memory_space<vmem>>, vector<16xf32>,
          %get3A_1279 = arith.index_cast %add3A_1269 : i32 to index
          %get3A_1280 = arith.constant 48 : index
          %get3A_1281 = tpu.vector_load %arg8[%get3A_1279, %get3A_1280] {strides = array<i32>} : memref<64x128xf32, #tpu.memory_space<vmem>>, vector<16xf32>,
          %get3A_1282 = arith.index_cast %add3A_1269 : i32 to index
          %get3A_1283 = arith.constant 64 : index
          %get3A_1284 = tpu.vector_load %arg8[%get3A_1282, %get3A_1283] {strides = array<i32>} : memref<64x128xf32, #tpu.memory_space<vmem>>, vector<16xf32>,
          %get3A_1285 = arith.index_cast %add3A_1269 : i32 to index
          %get3A_1286 = arith.constant 80 : index
          %get3A_1287 = tpu.vector_load %arg8[%get3A_1285, %get3A_1286] {strides = array<i32>} : memref<64x128xf32, #tpu.memory_space<vmem>>, vector<16xf32>,
          %get3A_1288 = arith.index_cast %add3A_1269 : i32 to index
          %get3A_1289 = arith.constant 96 : index
          %get3A_1290 = tpu.vector_load %arg8[%get3A_1288, %get3A_1289] {strides = array<i32>} : memref<64x128xf32, #tpu.memory_space<vmem>>, vector<16xf32>,
          %get3A_1291 = arith.index_cast %add3A_1269 : i32 to index
          %get3A_1292 = arith.constant 112 : index
          %get3A_1293 = tpu.vector_load %arg8[%get3A_1291, %get3A_1292] {strides = array<i32>} : memref<64x128xf32, #tpu.memory_space<vmem>>, vector<16xf32>,
          %get3A_1294 = arith.index_cast %add3A_1269 : i32 to index
          %get3A_1295 = arith.constant 0 : index
          %get3A_1296 = tpu.vector_load %arg10[%get3A_1294, %get3A_1295] {strides = array<i32>} : memref<64x128xf32, #tpu.memory_space<vmem>>, vector<16xf32>,
          %get3A_1297 = arith.index_cast %add3A_1269 : i32 to index
          %get3A_1298 = arith.constant 16 : index
          %get3A_1299 = tpu.vector_load %arg10[%get3A_1297, %get3A_1298] {strides = array<i32>} : memref<64x128xf32, #tpu.memory_space<vmem>>, vector<16xf32>,
          %get3A_1300 = arith.index_cast %add3A_1269 : i32 to index
          %get3A_1301 = arith.constant 32 : index
          %get3A_1302 = tpu.vector_load %arg10[%get3A_1300, %get3A_1301] {strides = array<i32>} : memref<64x128xf32, #tpu.memory_space<vmem>>, vector<16xf32>,
          %get3A_1303 = arith.index_cast %add3A_1269 : i32 to index
          %get3A_1304 = arith.constant 48 : index
          %get3A_1305 = tpu.vector_load %arg10[%get3A_1303, %get3A_1304] {strides = array<i32>} : memref<64x128xf32, #tpu.memory_space<vmem>>, vector<16xf32>,
          %get3A_1306 = arith.index_cast %add3A_1269 : i32 to index
          %get3A_1307 = arith.constant 64 : index
          %get3A_1308 = tpu.vector_load %arg10[%get3A_1306, %get3A_1307] {strides = array<i32>} : memref<64x128xf32, #tpu.memory_space<vmem>>, vector<16xf32>,
          %get3A_1309 = arith.index_cast %add3A_1269 : i32 to index
          %get3A_1310 = arith.constant 80 : index
          %get3A_1311 = tpu.vector_load %arg10[%get3A_1309, %get3A_1310] {strides = array<i32>} : memref<64x128xf32, #tpu.memory_space<vmem>>, vector<16xf32>,
          %get3A_1312 = arith.index_cast %add3A_1269 : i32 to index
          %get3A_1313 = arith.constant 96 : index
          %get3A_1314 = tpu.vector_load %arg10[%get3A_1312, %get3A_1313] {strides = array<i32>} : memref<64x128xf32, #tpu.memory_space<vmem>>, vector<16xf32>,
          %get3A_1315 = arith.index_cast %add3A_1269 : i32 to index
          %get3A_1316 = arith.constant 112 : index
          %get3A_1317 = tpu.vector_load %arg10[%get3A_1315, %get3A_1316] {strides = array<i32>} : memref<64x128xf32, #tpu.memory_space<vmem>>, vector<16xf32>,
          %mul3A_1318 = arith.mulf %get3A_1199, %get3A_1223 : vector<16xf32>
          %mul3A_1319 = arith.mulf %get3A_1202, %get3A_1226 : vector<16xf32>
          %mul3A_1320 = arith.mulf %get3A_1205, %get3A_1229 : vector<16xf32>
          %mul3A_1321 = arith.mulf %get3A_1208, %get3A_1232 : vector<16xf32>
          %mul3A_1322 = arith.mulf %get3A_1211, %get3A_1235 : vector<16xf32>
          %mul3A_1323 = arith.mulf %get3A_1214, %get3A_1238 : vector<16xf32>
          %mul3A_1324 = arith.mulf %get3A_1217, %get3A_1241 : vector<16xf32>
          %mul3A_1325 = arith.mulf %get3A_1220, %get3A_1244 : vector<16xf32>
          %add3A_1326 = arith.addf %mul3A_1318, %mul3A_1319 : vector<16xf32>
          %add3A_1327 = arith.addf %mul3A_1320, %mul3A_1321 : vector<16xf32>
          %add3A_1328 = arith.addf %mul3A_1322, %mul3A_1323 : vector<16xf32>
          %add3A_1329 = arith.addf %mul3A_1324, %mul3A_1325 : vector<16xf32>
          %add3A_1330 = arith.addf %add3A_1326, %add3A_1327 : vector<16xf32>
          %add3A_1331 = arith.addf %add3A_1328, %add3A_1329 : vector<16xf32>
          %add3A_1332 = arith.addf %add3A_1330, %add3A_1331 : vector<16xf32>
          %swap3A_1333 = arith.constant 14 : i32
          %swap3A_1334 = arith.index_cast %swap3A_1333 : i32 to index
          %swap3A_1335 = arith.constant 0 : index
          %swap3A_1336 = tpu.vector_load %arg13[%swap3A_1334, %swap3A_1335] {strides = array<i32>} : memref<16x17xf32, #tpu.memory_space<vmem>>, vector<16xf32>,
          tpu.vector_store %arg13[%swap3A_1334, %swap3A_1335], %add3A_1332 {strides = array<i32>} : memref<16x17xf32, #tpu.memory_space<vmem>>, vector<16xf32>,
          %mul3A_1337 = arith.mulf %get3A_1272, %get3A_1296 : vector<16xf32>
          %mul3A_1338 = arith.mulf %get3A_1275, %get3A_1299 : vector<16xf32>
          %mul3A_1339 = arith.mulf %get3A_1278, %get3A_1302 : vector<16xf32>
          %mul3A_1340 = arith.mulf %get3A_1281, %get3A_1305 : vector<16xf32>
          %mul3A_1341 = arith.mulf %get3A_1284, %get3A_1308 : vector<16xf32>
          %mul3A_1342 = arith.mulf %get3A_1287, %get3A_1311 : vector<16xf32>
          %mul3A_1343 = arith.mulf %get3A_1290, %get3A_1314 : vector<16xf32>
          %mul3A_1344 = arith.mulf %get3A_1293, %get3A_1317 : vector<16xf32>
          %add3A_1345 = arith.addf %mul3A_1337, %mul3A_1338 : vector<16xf32>
          %add3A_1346 = arith.addf %mul3A_1339, %mul3A_1340 : vector<16xf32>
          %add3A_1347 = arith.addf %mul3A_1341, %mul3A_1342 : vector<16xf32>
          %add3A_1348 = arith.addf %mul3A_1343, %mul3A_1344 : vector<16xf32>
          %add3A_1349 = arith.addf %add3A_1345, %add3A_1346 : vector<16xf32>
          %add3A_1350 = arith.addf %add3A_1347, %add3A_1348 : vector<16xf32>
          %add3A_1351 = arith.addf %add3A_1349, %add3A_1350 : vector<16xf32>
          %swap3A_1352 = arith.constant 15 : i32
          %swap3A_1353 = arith.index_cast %swap3A_1352 : i32 to index
          %swap3A_1354 = arith.constant 0 : index
          %swap3A_1355 = tpu.vector_load %arg13[%swap3A_1353, %swap3A_1354] {strides = array<i32>} : memref<16x17xf32, #tpu.memory_space<vmem>>, vector<16xf32>,
          tpu.vector_store %arg13[%swap3A_1353, %swap3A_1354], %add3A_1351 {strides = array<i32>} : memref<16x17xf32, #tpu.memory_space<vmem>>, vector<16xf32>,
          %broadcast_in_dim3A = arith.constant 0 : i32
          %broadcast_in_dim3A_1356 = vector.broadcast %broadcast_in_dim3A : i32 to vector<16xi32>
          %gather3A = tpu.vector_load_idx %arg13[%iota3A, %broadcast_in_dim3A_1356] : memref<16x17xf32, #tpu.memory_space<vmem>>[vector<16xi32>, vector<16xi32>], vector<16xf32>,
          %broadcast_in_dim3A_1357 = arith.constant 1 : i32
          %broadcast_in_dim3A_1358 = vector.broadcast %broadcast_in_dim3A_1357 : i32 to vector<16xi32>
          %gather3A_1359 = tpu.vector_load_idx %arg13[%iota3A, %broadcast_in_dim3A_1358] : memref<16x17xf32, #tpu.memory_space<vmem>>[vector<16xi32>, vector<16xi32>], vector<16xf32>,
          %broadcast_in_dim3A_1360 = arith.constant 2 : i32
          %broadcast_in_dim3A_1361 = vector.broadcast %broadcast_in_dim3A_1360 : i32 to vector<16xi32>
          %gather3A_1362 = tpu.vector_load_idx %arg13[%iota3A, %broadcast_in_dim3A_1361] : memref<16x17xf32, #tpu.memory_space<vmem>>[vector<16xi32>, vector<16xi32>], vector<16xf32>,
          %broadcast_in_dim3A_1363 = arith.constant 3 : i32
          %broadcast_in_dim3A_1364 = vector.broadcast %broadcast_in_dim3A_1363 : i32 to vector<16xi32>
          %gather3A_1365 = tpu.vector_load_idx %arg13[%iota3A, %broadcast_in_dim3A_1364] : memref<16x17xf32, #tpu.memory_space<vmem>>[vector<16xi32>, vector<16xi32>], vector<16xf32>,
          %broadcast_in_dim3A_1366 = arith.constant 4 : i32
          %broadcast_in_dim3A_1367 = vector.broadcast %broadcast_in_dim3A_1366 : i32 to vector<16xi32>
          %gather3A_1368 = tpu.vector_load_idx %arg13[%iota3A, %broadcast_in_dim3A_1367] : memref<16x17xf32, #tpu.memory_space<vmem>>[vector<16xi32>, vector<16xi32>], vector<16xf32>,
          %broadcast_in_dim3A_1369 = arith.constant 5 : i32
          %broadcast_in_dim3A_1370 = vector.broadcast %broadcast_in_dim3A_1369 : i32 to vector<16xi32>
          %gather3A_1371 = tpu.vector_load_idx %arg13[%iota3A, %broadcast_in_dim3A_1370] : memref<16x17xf32, #tpu.memory_space<vmem>>[vector<16xi32>, vector<16xi32>], vector<16xf32>,
          %broadcast_in_dim3A_1372 = arith.constant 6 : i32
          %broadcast_in_dim3A_1373 = vector.broadcast %broadcast_in_dim3A_1372 : i32 to vector<16xi32>
          %gather3A_1374 = tpu.vector_load_idx %arg13[%iota3A, %broadcast_in_dim3A_1373] : memref<16x17xf32, #tpu.memory_space<vmem>>[vector<16xi32>, vector<16xi32>], vector<16xf32>,
          %broadcast_in_dim3A_1375 = arith.constant 7 : i32
          %broadcast_in_dim3A_1376 = vector.broadcast %broadcast_in_dim3A_1375 : i32 to vector<16xi32>
          %gather3A_1377 = tpu.vector_load_idx %arg13[%iota3A, %broadcast_in_dim3A_1376] : memref<16x17xf32, #tpu.memory_space<vmem>>[vector<16xi32>, vector<16xi32>], vector<16xf32>,
          %broadcast_in_dim3A_1378 = arith.constant 8 : i32
          %broadcast_in_dim3A_1379 = vector.broadcast %broadcast_in_dim3A_1378 : i32 to vector<16xi32>
          %gather3A_1380 = tpu.vector_load_idx %arg13[%iota3A, %broadcast_in_dim3A_1379] : memref<16x17xf32, #tpu.memory_space<vmem>>[vector<16xi32>, vector<16xi32>], vector<16xf32>,
          %broadcast_in_dim3A_1381 = arith.constant 9 : i32
          %broadcast_in_dim3A_1382 = vector.broadcast %broadcast_in_dim3A_1381 : i32 to vector<16xi32>
          %gather3A_1383 = tpu.vector_load_idx %arg13[%iota3A, %broadcast_in_dim3A_1382] : memref<16x17xf32, #tpu.memory_space<vmem>>[vector<16xi32>, vector<16xi32>], vector<16xf32>,
          %broadcast_in_dim3A_1384 = arith.constant 10 : i32
          %broadcast_in_dim3A_1385 = vector.broadcast %broadcast_in_dim3A_1384 : i32 to vector<16xi32>
          %gather3A_1386 = tpu.vector_load_idx %arg13[%iota3A, %broadcast_in_dim3A_1385] : memref<16x17xf32, #tpu.memory_space<vmem>>[vector<16xi32>, vector<16xi32>], vector<16xf32>,
          %broadcast_in_dim3A_1387 = arith.constant 11 : i32
          %broadcast_in_dim3A_1388 = vector.broadcast %broadcast_in_dim3A_1387 : i32 to vector<16xi32>
          %gather3A_1389 = tpu.vector_load_idx %arg13[%iota3A, %broadcast_in_dim3A_1388] : memref<16x17xf32, #tpu.memory_space<vmem>>[vector<16xi32>, vector<16xi32>], vector<16xf32>,
          %broadcast_in_dim3A_1390 = arith.constant 12 : i32
          %broadcast_in_dim3A_1391 = vector.broadcast %broadcast_in_dim3A_1390 : i32 to vector<16xi32>
          %gather3A_1392 = tpu.vector_load_idx %arg13[%iota3A, %broadcast_in_dim3A_1391] : memref<16x17xf32, #tpu.memory_space<vmem>>[vector<16xi32>, vector<16xi32>], vector<16xf32>,
          %broadcast_in_dim3A_1393 = arith.constant 13 : i32
          %broadcast_in_dim3A_1394 = vector.broadcast %broadcast_in_dim3A_1393 : i32 to vector<16xi32>
          %gather3A_1395 = tpu.vector_load_idx %arg13[%iota3A, %broadcast_in_dim3A_1394] : memref<16x17xf32, #tpu.memory_space<vmem>>[vector<16xi32>, vector<16xi32>], vector<16xf32>,
          %broadcast_in_dim3A_1396 = arith.constant 14 : i32
          %broadcast_in_dim3A_1397 = vector.broadcast %broadcast_in_dim3A_1396 : i32 to vector<16xi32>
          %gather3A_1398 = tpu.vector_load_idx %arg13[%iota3A, %broadcast_in_dim3A_1397] : memref<16x17xf32, #tpu.memory_space<vmem>>[vector<16xi32>, vector<16xi32>], vector<16xf32>,
          %broadcast_in_dim3A_1399 = arith.constant 15 : i32
          %broadcast_in_dim3A_1400 = vector.broadcast %broadcast_in_dim3A_1399 : i32 to vector<16xi32>
          %gather3A_1401 = tpu.vector_load_idx %arg13[%iota3A, %broadcast_in_dim3A_1400] : memref<16x17xf32, #tpu.memory_space<vmem>>[vector<16xi32>, vector<16xi32>], vector<16xf32>,
          %add3A_1402 = arith.addf %gather3A, %gather3A_1359 : vector<16xf32>
          %add3A_1403 = arith.addf %gather3A_1362, %gather3A_1365 : vector<16xf32>
          %add3A_1404 = arith.addf %gather3A_1368, %gather3A_1371 : vector<16xf32>
          %add3A_1405 = arith.addf %gather3A_1374, %gather3A_1377 : vector<16xf32>
          %add3A_1406 = arith.addf %gather3A_1380, %gather3A_1383 : vector<16xf32>
          %add3A_1407 = arith.addf %gather3A_1386, %gather3A_1389 : vector<16xf32>
          %add3A_1408 = arith.addf %gather3A_1392, %gather3A_1395 : vector<16xf32>
          %add3A_1409 = arith.addf %gather3A_1398, %gather3A_1401 : vector<16xf32>
          %add3A_1410 = arith.addf %add3A_1402, %add3A_1403 : vector<16xf32>
          %add3A_1411 = arith.addf %add3A_1404, %add3A_1405 : vector<16xf32>
          %add3A_1412 = arith.addf %add3A_1406, %add3A_1407 : vector<16xf32>
          %add3A_1413 = arith.addf %add3A_1408, %add3A_1409 : vector<16xf32>
          %add3A_1414 = arith.addf %add3A_1410, %add3A_1411 : vector<16xf32>
          %add3A_1415 = arith.addf %add3A_1412, %add3A_1413 : vector<16xf32>
          %add3A_1416 = arith.addf %add3A_1414, %add3A_1415 : vector<16xf32>
          tpu.vector_store_idx %arg12[%add3A_193], %add3A_1416 : memref<64xf32, #tpu.memory_space<vmem>>[vector<16xi32>], vector<16xf32>,
        }
        %scan3A_185 = arith.constant 4 : i32
        %mul3A_186 = arith.constant 64 : i32
        %mul3A_187 = arith.muli %add3A_170, %mul3A_186 : i32
        %dma_start3A = tpu.memref_slice %arg4[%mul3A_187] : memref<320000xf32, #tpu.memory_space<hbm>> -> memref<64xf32, #tpu.memory_space<hbm>>
        %dma_start3A_188 = tpu.memref_slice %arg4[%mul3A_187] : memref<320000xf32, #tpu.memory_space<hbm>> -> memref<64xf32, #tpu.memory_space<hbm>>
        tpu.enqueue_dma source(%arg12 : memref<64xf32, #tpu.memory_space<vmem>>) target(%dma_start3A_188 : memref<64xf32, #tpu.memory_space<hbm>>) target_semaphore(%arg22 : memref<!tpu.dma_semaphore, #tpu.memory_space<semaphore_mem>>)
      } else {
      }
    }
    %scan3A_47 = arith.constant 79 : i32
    %sub3A = arith.constant 5000 : i32
    %sub3A_48 = arith.subi %sub3A, %add3A : i32
    %add3A_49 = arith.constant 32 : i32
    %add3A_50 = arith.addi %sub3A_48, %add3A_49 : i32
    %sub3A_51 = arith.constant 1 : i32
    %sub3A_52 = arith.subi %add3A_50, %sub3A_51 : i32
    %jit3A = arith.constant 32 : i32
    %div3A = arith.divsi %sub3A_52, %jit3A : i32
    %sign3A = arith.constant 0 : i32
    %sign3A_53 = arith.cmpi sgt, %sub3A_52, %sign3A : i32
    %sign3A_54 = arith.extui %sign3A_53 : i1 to i32
    %sign3A_55 = arith.constant 0 : i32
    %sign3A_56 = arith.cmpi slt, %sub3A_52, %sign3A_55 : i32
    %sign3A_57 = arith.extui %sign3A_56 : i1 to i32
    %sign3A_58 = arith.subi %sign3A_54, %sign3A_57 : i32
    %sign3A_59 = arith.constant 0 : i32
    %sign3A_60 = arith.cmpi sgt, %jit3A, %sign3A_59 : i32
    %sign3A_61 = arith.extui %sign3A_60 : i1 to i32
    %sign3A_62 = arith.constant 0 : i32
    %sign3A_63 = arith.cmpi slt, %jit3A, %sign3A_62 : i32
    %sign3A_64 = arith.extui %sign3A_63 : i1 to i32
    %sign3A_65 = arith.subi %sign3A_61, %sign3A_64 : i32
    %ne3A = arith.cmpi ne, %sign3A_58, %sign3A_65 : i32
    %rem3A = arith.remsi %sub3A_52, %jit3A : i32
    %ne3A_66 = arith.constant 0 : i32
    %ne3A_67 = arith.cmpi ne, %rem3A, %ne3A_66 : i32
    %and3A = arith.andi %ne3A, %ne3A_67 : i1
    %sub3A_68 = arith.constant 1 : i32
    %sub3A_69 = arith.subi %div3A, %sub3A_68 : i32
    %select_n3A = arith.select %and3A, %sub3A_69, %div3A : i32
    %gt3A = arith.constant 0 : i32
    %gt3A_70 = arith.cmpi sgt, %select_n3A, %gt3A : i32
    %convert_element_type3A_71 = arith.extui %gt3A_70 : i1 to i32
    %cond3A_72 = arith.constant 0 : i32
    %cond3A_73 = arith.cmpi ne, %convert_element_type3A_71, %cond3A_72 : i32
    scf.if %cond3A_73 {
      %dma_wait3A = arith.constant 0 : i32
      %dma_wait3A_79 = tpu.memref_slice %arg4[%dma_wait3A] : memref<320000xf32, #tpu.memory_space<hbm>> -> memref<64xf32, #tpu.memory_space<hbm>>
      %dma_wait3A_80 = arith.constant 0 : i32
      %dma_wait3A_81 = tpu.memref_slice %arg4[%dma_wait3A_80] : memref<320000xf32, #tpu.memory_space<hbm>> -> memref<64xf32, #tpu.memory_space<hbm>>
      tpu.wait_dma2 semaphore(%arg21 : memref<!tpu.dma_semaphore, #tpu.memory_space<semaphore_mem>>) src(%arg11 : memref<64xf32, #tpu.memory_space<vmem>>) dst(%dma_wait3A_81 : memref<64xf32, #tpu.memory_space<hbm>>)
    } else {
    }
    %gt3A_74 = arith.constant 1 : i32
    %gt3A_75 = arith.cmpi sgt, %select_n3A, %gt3A_74 : i32
    %convert_element_type3A_76 = arith.extui %gt3A_75 : i1 to i32
    %cond3A_77 = arith.constant 0 : i32
    %cond3A_78 = arith.cmpi ne, %convert_element_type3A_76, %cond3A_77 : i32
    scf.if %cond3A_78 {
      %dma_wait3A = arith.constant 0 : i32
      %dma_wait3A_79 = tpu.memref_slice %arg4[%dma_wait3A] : memref<320000xf32, #tpu.memory_space<hbm>> -> memref<64xf32, #tpu.memory_space<hbm>>
      %dma_wait3A_80 = arith.constant 0 : i32
      %dma_wait3A_81 = tpu.memref_slice %arg4[%dma_wait3A_80] : memref<320000xf32, #tpu.memory_space<hbm>> -> memref<64xf32, #tpu.memory_space<hbm>>
      tpu.wait_dma2 semaphore(%arg22 : memref<!tpu.dma_semaphore, #tpu.memory_space<semaphore_mem>>) src(%arg12 : memref<64xf32, #tpu.memory_space<vmem>>) dst(%dma_wait3A_81 : memref<64xf32, #tpu.memory_space<hbm>>)
    } else {
    }
    return
  }
}

</mosaic_0001>

<sc_bundles>
// kernel: kernel.3.cloned.1.call-start
scs
__scs_entry_jumppad:
0x0: {  	(pc) =	sbr.rel $0x88, $3  }
0x1: {  	(tag) =	ssettag $0x0;
	lr =	simm.s32 $0x1  }
0x2: {  	[smem:$0x3F9F] =	sst lr;
	_ =	strace $0xD0000000  }
0x3: {  	_ = 	snop  }
0x4: {  	_ = 	snop  }
0x5: {  	_ = 	snop  }
0x6: {  	_ = 	snop  }
0x7: {  	_ = 	snop  }
__scs_overlays_trampoline_lowered:
0x8: {  	[smem:$0x3FAE] =	sst s0  }
0x9: {  	[smem:$0x3FAF] =	sst s1  }
0xa: {  	[smem:$0x3FB0] =	sst s2  }
0xb: {  	[smem:$0x3FB1] =	sst s3  }
0xc: {  	[smem:$0x3FB2] =	sst s4  }
0xd: {  	[smem:$0x3FB3] =	sst s5  }
0xe: {  	[smem:$0x3FB4] =	sst s6  }
0xf: {  	[smem:$0x3FB5] =	sst s7  }
0x10: {  	[smem:$0x3FB6] =	sst s8  }
0x11: {  	[smem:$0x3FB7] =	sst s9;
	s0 =	simm.s32 @!p0 $0x0  }
0x12: {  	s1 =	sld [smem:$0x3F9D];
	s0 =	simm.s32 @p0 $0x1  }
0x13: {  	[smem:$0x3FB8] =	sst s0;
	s0 =	simm.s32 @!p1 $0x0  }
0x14: {  	s2 =	sld [smem:$0x3F9C];
	s0 =	simm.s32 @p1 $0x1  }
0x15: {  	[smem:$0x3FB9] =	sst s0;
	s0 =	simm.s32 @!p2 $0x0  }
0x16: {  	s3 =	sld [smem:$0x3FDB];
	s0 =	simm.s32 @p2 $0x1  }
0x17: {  	s4 =	simm.s32 $0x1BF5;
	[smem:$0x3FBB] =	sst s0  }
0x18: {  	s0 =	sld [smem:$0x3F9E];
	_ =	swait.ge [sflag:s4], $0x0  }
0x19: {  	s7 =	sld [smem:$0x3F9F]  }
0x1a: {  	s8 =	sadd.s32 $0xFFFFE003, lr  }
0x1b: {  	s9 =	sadd.s32 $0xFFFFFEF7, lr;
	s5 =	simm.s32 $0xFFFFFFFF;
	p2 =	slt.u32 s8, $0xFFFFF086  }
0x1c: {  	p1 =	slt.u32 s9, $0xF7A;
	s5 =	simm.s32 @!p2 $0x0  }
0x1d: {  	s5 =	simm.s32 @p1 $0x1;
	p0 =	seq.s32 s7, s2  }
0x1e: {  	s7 =	smul.u32 @!p0 $0xF7A, s2;
	p2 =	seq.s32 @!p0 s5, $0x0  }
0x1f: {  	s9 =	smul.u32 $0xF7A, s1;
	s8 =	simm.s32 @!p0 $0x1BF5;
	p2 =	por !p2, p0  }
0x20: {  	[sflag:s8] =	ssyncset.s32 @!p0 $0xFFFFF086;
	s6 =	sadd.s32 @!p0 s3, s7;
	s7 =	simm.s32 @!p0 $0x108  }
0x21: {  	s3 =	sadd.s32 s3, s9;
	s6 =	sadd.s32 @!p0 $0x88, s6;
	s7 =	simm.s32 @p2 $0x1082  }
0x22: {  	[simem:s7], [sflag:s8] =	dma.local @!p0 [hbm:s6], $0xF7A  }
0x23: {  	s9 =	sor.u32 $0xD0000000, s2;
	s6 =	simm.s32 $0x108;
	_ =	swait.ge @!p0 [sflag:s8], $0x0  }
0x24: {  	s3 =	sadd.s32 $0x88, s3;
	s6 =	simm.s32 @!p1 $0x1082;
	[sflag:s4] =	ssyncset.s32 $0xFFFFF086  }
0x25: {  	[simem:s6], [sflag:s4] =	dma.local [hbm:s3], $0xF7A  }
0x26: {  	[smem:$0x3F9F] =	sst s1;
	(tag) =	ssettag s2;
	_ =	strace s9  }
0x27: {  	s1 =	sld [smem:$0x3FAF]  }
0x28: {  	s2 =	sld [smem:$0x3FB0]  }
0x29: {  	s4 =	sld [smem:$0x3FB2]  }
0x2a: {  	p0 =	seq.s32 s5, $0x0;
	s5 =	sld [smem:$0x3FB3]  }
0x2b: {  	s6 =	sld [smem:$0x3FB4]  }
0x2c: {  	s7 =	sld [smem:$0x3FB5]  }
0x2d: {  	s3 =	simm.s32 $0x108;
	s8 =	sld [smem:$0x3FB6]  }
0x2e: {  	s3 =	simm.s32 @!p0 $0x1082;
	s9 =	sld [smem:$0x3FB7]  }
0x2f: {  	lr =	sadd.s32 s0, s3;
	s0 =	sld [smem:$0x3FAE]  }
0x30: {  	s3 =	sld [smem:$0x3FB1]  }
0x31: {  	[smem:$0x3FBA] =	sst s10  }
0x32: {  	s10 =	sld [smem:$0x3FB8];
	_ =	sdelay $0x3  }
0x33: {  	p0 =	seq.s32 s10, $0x1;
	s10 =	sld [smem:$0x3FBA];
	_ =	sdelay $0x3  }
0x34: {  	[smem:$0x3FBA] =	sst s10  }
0x35: {  	s10 =	sld [smem:$0x3FB9];
	_ =	sdelay $0x3  }
0x36: {  	p1 =	seq.s32 s10, $0x1;
	s10 =	sld [smem:$0x3FBA];
	_ =	sdelay $0x3  }
0x37: {  	[smem:$0x3FBA] =	sst s10  }
0x38: {  	s10 =	sld [smem:$0x3FBB]  }
0x39: {  	_ = 	snop;
	(pc) =	sbr.ind lr, $3  }
0x3a: {  	_ = 	snop  }
0x3b: {  	_ = 	snop  }
0x3c: {  	p2 =	seq.s32 s10, $0x1;
	s10 =	sld [smem:$0x3FBA]  }
0x3d: {  	_ =	shalt  }
0x3e: {  	_ =	shalt  }
0x3f: {  	_ =	shalt  }
0x40: {  	_ =	shalt  }
0x41: {  	_ =	shalt  }
0x42: {  	_ =	shalt  }
0x43: {  	_ =	shalt  }
0x44: {  	_ =	shalt  }
0x45: {  	_ =	shalt  }
0x46: {  	_ =	shalt  }
0x47: {  	_ =	shalt  }
0x48: {  	_ =	shalt  }
0x49: {  	_ =	shalt  }
0x4a: {  	_ =	shalt  }
0x4b: {  	_ =	shalt  }
0x4c: {  	_ =	shalt  }
0x4d: {  	_ =	shalt  }
0x4e: {  	_ =	shalt  }
0x4f: {  	_ =	shalt  }
0x50: {  	_ =	shalt  }
0x51: {  	_ =	shalt  }
0x52: {  	_ =	shalt  }
0x53: {  	_ =	shalt  }
0x54: {  	_ =	shalt  }
0x55: {  	_ =	shalt  }
0x56: {  	_ =	shalt  }
0x57: {  	_ =	shalt  }
0x58: {  	_ =	shalt  }
0x59: {  	_ =	shalt  }
0x5a: {  	_ =	shalt  }
0x5b: {  	_ =	shalt  }
0x5c: {  	_ =	shalt  }
0x5d: {  	_ =	shalt  }
0x5e: {  	_ =	shalt  }
0x5f: {  	_ =	shalt  }
0x60: {  	_ =	shalt  }
0x61: {  	_ =	shalt  }
0x62: {  	_ =	shalt  }
0x63: {  	_ =	shalt  }
0x64: {  	_ =	shalt  }
0x65: {  	_ =	shalt  }
0x66: {  	_ =	shalt  }
0x67: {  	_ =	shalt  }
0x68: {  	_ =	shalt  }
0x69: {  	_ =	shalt  }
0x6a: {  	_ =	shalt  }
0x6b: {  	_ =	shalt  }
0x6c: {  	_ =	shalt  }
0x6d: {  	_ =	shalt  }
0x6e: {  	_ =	shalt  }
0x6f: {  	_ =	shalt  }
0x70: {  	_ =	shalt  }
0x71: {  	_ =	shalt  }
0x72: {  	_ =	shalt  }
0x73: {  	_ =	shalt  }
0x74: {  	_ =	shalt  }
0x75: {  	_ =	shalt  }
0x76: {  	_ =	shalt  }
0x77: {  	_ =	shalt  }
0x78: {  	_ =	shalt  }
0x79: {  	_ =	shalt  }
0x7a: {  	_ =	shalt  }
0x7b: {  	_ =	shalt  }
0x7c: {  	_ =	shalt  }
0x7d: {  	_ =	shalt  }
0x7e: {  	_ =	shalt  }
0x7f: {  	_ =	shalt  }
0x80: {  	_ =	shalt  }
0x81: {  	_ =	shalt  }
0x82: {  	_ =	shalt  }
0x83: {  	_ =	shalt  }
0x84: {  	_ =	shalt  }
0x85: {  	_ =	shalt  }
0x86: {  	_ =	shalt  }
0x87: {  	_ =	shalt  }
.Lfunc_end0:
.L_simem_size_0:
called_computation_lowered:
.L_overlay_start_0:
0x88: {  	s2 =	sld [smem:$0x3FD9]  }
0x89: {  	s3 =	sld [smem:$0x3FFE];
	_ =	sdelay $0x1  }
0x8a: {  	s1 =	srdreg.scid  }
0x8b: {  	s0 =	sand.u32 $0x1, s1  }
0x8c: {  	s17 =	sshll.u32 s0, $0xA;
	s2 =	sadd.s32 s3, s2  }
0x8d: {  	s2 =	sadd.s32 s2, s17  }
0x8e: {  	[smem:$0x3FC6] =	sst s2  }
0x8f: {  	_ = 	snop  }
0x90: {  	s2 =	sld [smem:$0x3FC9]  }
0x91: {  	s18 =	sld [smem:$0x3FD0];
	(tm) =	ssettm $0x1  }
0x92: {  	s4 =	sld [smem:$0x3FFB];
	_ =	sdelay $0x3  }
0x93: {  	_ =	strace s4  }
0x94: {  	s4 =	sld [smem:$0x3FFC];
	_ =	sdelay $0x3  }
0x95: {  	_ =	strace s4  }
0x96: {  	s4 =	sld [smem:$0x3FFD];
	_ =	sdelay $0x3  }
0x97: {  	_ =	strace s4  }
0x98: {  	_ =	strace $0x8FFFFFFF  }
0x99: {  	s19 =	sld [smem:$0x3FDB];
	_ =	sdelay $0x1  }
0x9a: {  	s5 =	simm.s32 $_scs_section_size  }
0x9b: {  	s6 =	simm.s32 $_size__tile_overlayer_lowered;
	s7 =	simm.s32 $_tile_overlayer_lowered  }
0x9c: {  	s22 =	simm.s32 $0x1BFF;
	s21 =	sshll.u32 s7, $0x1;
	s4 =	sadd.s32 s5, s19  }
0x9d: {  	s8 =	simm.s32 $0x0;
	s20 =	sshll.u32 s6, $0x1;
	s6 =	sadd.s32 s21, s4  }
0x9e: {  	[timem:s8], [sflag:s22] =	dma.local [hbm:s6], s20  }
0x9f: {  	_ =	swait.ge [sflag:s22], s20  }
0xa0: {  	s5 =	ssub.s32 $0x0, s20;
	[sflag:s22] =	ssyncset.done $0x0  }
0xa1: {  	[sflag:s22] =	ssyncadd.s32 s5;
	_ =	sdelay $0x1  }
0xa2: {  	s23 =	simm.s32 $0x1B8B  }
0xa3: {  	_ =	swait.ge [sflag:s23], $0x1  }
0xa4: {  	[sflag:s23] =	ssyncset.done $0x0  }
0xa5: {  	s25 =	simm.s32 $0x1B8E;
	s24 =	sld [smem:$0x3FFE];
	[sflag:s23] =	ssyncadd.s32 $0xFFFFFFFF  }
0xa6: {  	s26 =	simm.s32 $execute0_lowered;
	[smem:$0x3FD2] =	sst s25  }
0xa7: {  	s6 =	sshll.u32 s26, $0x1;
	_ =	strace $0x80000046;
	[dreg:$0x1] =	wrdreg $0xFFFFFFFF  }
0xa8: {  	s28 =	simm.s32 $_size_execute0_lowered;
	s4 =	sadd.s32 s4, s6;
	[dreg:$0x0] =	wrdreg $0x0  }
0xa9: {  	s6 =	sshll.u32 s28, $0x1;
	[dreg:$0x2] =	wrdreg s4  }
0xaa: {  	[dreg:$0x3] =	wrdreg s6  }
0xab: {  	[dreg:$0x4] =	wrdreg $0xC0  }
0xac: {  	_ =	task [dreg:s8], $0x5FFFF  }
0xad: {  	[dreg:$0x1] =	wrdreg $0xFFFFFFFF  }
0xae: {  	[dreg:$0x0] =	wrdreg $0x60  }
0xaf: {  	[dreg:$0x2] =	wrdreg s24  }
0xb0: {  	[dreg:$0x3] =	wrdreg s2  }
0xb1: {  	[dreg:$0x4] =	wrdreg s18  }
0xb2: {  	[dreg:$0x5] =	wrdreg $0x8B000  }
0xb3: {  	[dreg:$0x6] =	wrdreg $0x9  }
0xb4: {  	_ =	task.clear_ibuf [dreg:s8], $0x7FFFF;
	_ =	strace $0x90000046  }
0xb5: {  	s29 =	simm.s32 $0x9;
	_ =	strace $0x80000048  }
0xb6: {  	_ =	swait.ge [sflag:s29], $0x1  }
0xb7: {  	[sflag:s29] =	ssyncadd.s32 $0xFFFFFFFF  }
0xb8: {  	_ =	strace $0x90000048  }
0xb9: {  	_ =	sfence  }
0xba: {  	s30 =	sld [smem:$0x0];
	_ =	sdelay $0x2  }
0xbb: {  	s31 =	sshll.u32 s1, $0xD;
	s1 =	sshrl.u32 s1, $0x2  }
0xbc: {  	s3 =	sand.u32 $0x4000, s31;
	s1 =	sadd.s32 s1, s30  }
0xbd: {  	s0 =	sor.u32 s3, s0;
	s1 =	sshll.u32 s1, $0x11  }
0xbe: {  	s0 =	sor.u32 s1, s0  }
0xbf: {  	s0 =	sadd.s32 $0x8F2B, s0  }
0xc0: {  	[sflag:s0] =	ssyncadd.remote.s32 $0x1  }
0xc1: {  	_ =	sfence.sel $0xFFFF  }
0xc2: {  	[dreg:$0x0] =	wrdreg $0xFFFFFFFF;
	(pc) =	sbr.abs _section_cstart, $3  }
0xc3: {  	[dreg:$0x1] =	wrdreg $0xFFFFFFFF  }
0xc4: {  	_ =	task.clear_ibuf [dreg:s8], $0x2FFFF;
	_ =	strace $0x9FFFFFFF  }
0xc5: {  	(tm) =	ssettm $0x7FFFFFFF  }
tec
execute0_lowered:
.L_overlay_start_1:
0x0: {  	(tag) =	ssettag $0x1  }
0x1: {  	s0 =	rddreg [dreg:$0x0]  }
0x2: {  	s1 =	rddreg [dreg:$0x1]  }
0x3: {  	s2 =	rddreg [dreg:$0x2]  }
0x4: {  	s3 =	rddreg [dreg:$0x3];
	s5 =	srdreg.scid;
	s4 =	simm.s32 $0x0  }
0x5: {  	s7 =	stileid.u32;
	s16 =	simm.s32 $0x9;
	s18 =	simm.s32 $0x5  }
0x6: {  	s19 =	simm.s32 $0x40;
	s28 =	simm.s32 $0x7;
	s29 =	simm.s32 $0x8  }
0x7: {  	s30 =	simm.s32 $0x0;
	s6 =	sand.u32 $0x1, s5;
	[smem:$0x7FF] =	sst s4  }
0x8: {  	s9 =	smul.u32 $0x4E000, s7;
	s5 =	sadd.s32 $0x400, s0;
	s10 =	sshll.u32 s7, $0x1  }
0x9: {  	s11 =	smul.u32 $0x2700, s7;
	s26 =	sshll.u32 s7, $0x6;
	s17 =	sadd.s32 $0x138000, s3  }
0xa: {  	v0 =	vlaneseq.u32;
	p0 =	sne.s32 s7, $0x0;
	s8 =	ssub.s32 $0x2, s6;
	_ =	strace $0x80000047  }
0xb: {  	v1 =	vmul.u32 $0x80, v0;
	s6 =	sor.u32 s6, s10;
	s10 =	sadd.s32 $0x27000, s1;
	s17 =	sshrl.u32 @!p0 s17, $0x3  }
0xc: {  	s24 =	sshrl.u32 s8, $0x1;
	s9 =	sshrl.u32 s9, $0x2;
	s25 =	sadd.s32 s1, s11  }
.Ltmp0:
0xd: {  	s31 =	sshll.u32 s6, $0x5;
	s12 =	sor.u32 $0x40, s6;
	v2 =	vor.u32 $0x1, v1;
	v3 =	vor.u32 $0x2, v1;
	v4 =	vor.u32 $0x3, v1;
	(pc) =	sbr.rel .LBB2_1-.Ltmp0, $4  }
0xe: {  	s13 =	sor.u32 $0x60, s6;
	v5 =	vor.u32 $0x4, v1;
	v6 =	vor.u32 $0x5, v1;
	v7 =	vor.u32 $0x6, v1;
	s0 =	ssub.s32 s8, s24;
	s15 =	sadd.s32 s9, s3  }
0xf: {  	v8 =	vor.u32 $0x7, v1;
	v9 =	vor.u32 $0x8, v1;
	v10 =	vor.u32 $0x9, v1;
	[dreg:$0x5] =	wrdreg s25;
	s8 =	sor.u32 $0x1C09, s26;
	s9 =	sadd.s32 s5, s31  }
0x10: {  	v11 =	vor.u32 $0xA, v1;
	v12 =	vor.u32 $0xB, v1;
	v13 =	vor.u32 $0xC, v1;
	s24 =	simm.s32 $0x8300;
	s25 =	simm.s32 $0x8200;
	s26 =	simm.s32 $0x8280  }
0x11: {  	v14 =	vor.u32 $0xD, v1;
	v15 =	vor.u32 $0xE, v1;
	v16 =	vor.u32 $0xF, v1;
	s11 =	sadd.s32 $0x400, s9;
	s14 =	smax.u32 s0, $0x1;
	s15 =	sshrl.u32 s15, $0x3  }
.LBB2_11:
0x12: {  	s30 =	sadd.s32 $0x1, s30  }
0x13: {  	_ =	swait.ge [sflag:s28], $0x40;
	p1 =	sne.s32 s30, s14  }
.Ltmp1:
0x14: {  	[sflag:s28] =	ssyncset.done $0x0;
	(pc) =	sbr.rel @!p1 .LBB2_12-.Ltmp1, $4  }
0x15: {  	[sflag:s28] =	ssyncadd.s32 $0xFFFFFFC0  }
0x16: {  	_ =	swait.ge [sflag:s29], $0x40  }
0x17: {  	[sflag:s29] =	ssyncset.done $0x0  }
0x18: {  	[sflag:s29] =	ssyncadd.s32 $0xFFFFFFC0  }
.LBB2_1:
0x19: {  	s0 =	rddreg [dreg:$0x5]  }
0x1a: {  	[spmem:s15], [sflag:s8] =	dma.local [hbm:s0], $0x2700  }
0x1b: {  	_ =	swait.ge [sflag:s16], $0x2700  }
0x1c: {  	[sflag:s16] =	ssyncset.done $0x0  }
0x1d: {  	s0 =	simm.s32 @!p0 $0x9;
	[sflag:s16] =	ssyncadd.s32 $0xFFFFD900  }
0x1e: {  	[spmem:s17], [sflag:s8] =	dma.local @!p0 [hbm:s10], $0x100  }
0x1f: {  	_ =	swait.ge @!p0 [sflag:s0], $0x100  }
0x20: {  	[sflag:s0] =	ssyncset.done @!p0 $0x0  }
0x21: {  	[sflag:s0] =	ssyncadd.s32 @!p0 $0xFFFFFF00  }
0x22: {  	[bflag:$0x0] =	sbarrier.arrive $0xFFFF  }
0x23: {  	[tilespmem:s4], [sflag:$0x5] =	stream.linear.gather [hbm4b:s9+s4], $0x100, $0x38;
	[tilespmem:$0x1C380] =	vst v63  }
0x24: {  	_ =	swait.ge [sflag:s18], $0x100  }
0x25: {  	[sflag:s18] =	ssyncset.done $0x0  }
0x26: {  	s21 =	simm.s32 $0x200;
	[sflag:s18] =	ssyncadd.s32 $0xFFFFFF00  }
0x27: {  	[tilespmem:s21], [sflag:$0x1] =	stream.indirect.gather [spmem:s3], $0x80, s4, s19, $0xb8;
	[tilespmem:$0x1C380] =	vst v63  }
.Ltmp2:
0x28: {  	_ = 	snop;
	(pc) =	sbr.rel .LBB2_2-.Ltmp2, $4  }
0x29: {  	s22 =	simm.s32 $0x80;
	s7 =	simm.s32 $0x4200  }
0x2a: {  	[tilespmem:s7], [sflag:$0x3] =	stream.indirect.gather [hbm4b:s1+s19], $0x80, s22, s19, $0xb8;
	[tilespmem:$0x1C380] =	vst v63  }
0x2b: {  	s23 =	simm.s32 $0x100;
	s31 =	simm.s32 $0x0  }
0x2c: {  	[tilespmem:s23], [sflag:$0x6] =	stream.linear.gather [hbm4b:s11+s4], $0x100, $0x38;
	[tilespmem:$0x1C380] =	vst v63  }
.LBB2_10:
0x2d: {  	s31 =	sadd.s32 $0x1, s31  }
0x2e: {  	p1 =	sne.s32 s31, $0x4F  }
.Ltmp3:
0x2f: {  	_ = 	snop;
	(pc) =	sbr.rel @!p1 .LBB2_11-.Ltmp3, $1  }
0x30: {  	_ =	sdelay $0x3  }
.LBB2_2:
0x31: {  	s20 =	sshll.u32 s31, $0x6  }
0x32: {  	s21 =	sor.u32 s6, s20  }
0x33: {  	s0 =	sor.u32 $0x20, s21  }
0x34: {  	p1 =	sgt.u32 s0, $0x1387  }
0x35: {  	s7 =	simm.s32 @!p1 $0x6  }
0x36: {  	_ =	swait.ge @!p1 [sflag:s7], $0x100  }
0x37: {  	s22 =	simm.s32 @!p1 $0x100;
	[sflag:s7] =	ssyncset.done @!p1 $0x0  }
0x38: {  	s23 =	simm.s32 @!p1 $0x2200;
	[sflag:s7] =	ssyncadd.s32 @!p1 $0xFFFFFF00;
	s7 =	simm.s32 @!p1 $0x40  }
0x39: {  	[tilespmem:s23], [sflag:$0x2] =	stream.indirect.gather @!p1 [spmem:s3], $0x80, s22, s7, $0xb8;
	[tilespmem:$0x1C380] =	vst v63  }
0x3a: {  	p4 =	sgt.u32 s21, $0x1387;
	s22 =	simm.s32 @!p1 $0x180;
	s23 =	simm.s32 @!p1 $0x6200  }
0x3b: {  	[tilespmem:s23], [sflag:$0x4] =	stream.indirect.gather @!p1 [hbm4b:s1+s7], $0x80, s22, s7, $0xb8;
	[tilespmem:$0x1C380] =	vst v63  }
0x3c: {  	s7 =	simm.s32 @!p4 $0x1  }
0x3d: {  	_ =	swait.ge @!p4 [sflag:s7], $0x2000  }
0x3e: {  	s22 =	sadd.s32 s12, s20;
	[sflag:s7] =	ssyncset.done @!p4 $0x0  }
.Ltmp4:
0x3f: {  	[sflag:s7] =	ssyncadd.s32 @!p4 $0xFFFFE000;
	s7 =	simm.s32 @!p4 $0x3;
	(pc) =	sbr.rel @p4 .LBB2_6-.Ltmp4, $4  }
0x40: {  	p3 =	sgt.u32 s22, $0x1387;
	_ =	swait.ge @!p4 [sflag:s7], $0x2000  }
0x41: {  	p2 =	seq.s32 s31, $0x0;
	s22 =	sshll.u32 @!p3 s22, $0x5;
	[sflag:s7] =	ssyncset.done @!p4 $0x0  }
0x42: {  	[sflag:s7] =	ssyncadd.s32 @!p4 $0xFFFFE000;
	s7 =	sadd.s32 @!p3 s5, s22;
	s22 =	simm.s32 @!p3 $0x0  }
0x43: {  	[tilespmem:s22], [sflag:$0x5] =	stream.linear.gather @!p3 [hbm4b:s7+s22], $0x100, $0x38;
	[tilespmem:$0x1C380] =	vst v63  }
0x44: {  	s7 =	simm.s32 @!p2 $0x7  }
0x45: {  	_ =	swait.ge @!p2 [sflag:s7], $0x40  }
0x46: {  	[sflag:s7] =	ssyncset.done @!p2 $0x0  }
0x47: {  	s23 =	simm.s32 $0x0;
	[sflag:s7] =	ssyncadd.s32 @!p2 $0xFFFFFFC0  }
.LBB2_4:
0x48: {  	s7 =	sshll.u32 s23, $0xB  }
0x49: {  	v17 =	vld [tilespmem:s7+$0x200]  }
0x4a: {  	v18 =	vld [tilespmem:s7+$0x210]  }
0x4b: {  	v19 =	vld [tilespmem:s7+$0x220]  }
0x4c: {  	v20 =	vld [tilespmem:s7+$0x230]  }
0x4d: {  	v21 =	vld [tilespmem:s7+$0x240]  }
0x4e: {  	v22 =	vld [tilespmem:s7+$0x250]  }
0x4f: {  	v23 =	vld [tilespmem:s7+$0x260]  }
0x50: {  	v24 =	vld [tilespmem:s7+$0x270]  }
0x51: {  	v25 =	vld [tilespmem:s7+$0x4200]  }
0x52: {  	v26 =	vld [tilespmem:s7+$0x4210]  }
0x53: {  	v27 =	vld [tilespmem:s7+$0x4220]  }
0x54: {  	v28 =	vld [tilespmem:s7+$0x4230]  }
0x55: {  	v29 =	vld [tilespmem:s7+$0x4240]  }
0x56: {  	v30 =	vld [tilespmem:s7+$0x4250]  }
0x57: {  	v31 =	vld [tilespmem:s7+$0x4260]  }
0x58: {  	v32 =	vld [tilespmem:s7+$0x4270]  }
0x59: {  	v33 =	vld [tilespmem:s7+$0x280]  }
0x5a: {  	v34 =	vld [tilespmem:s7+$0x290]  }
0x5b: {  	v35 =	vld [tilespmem:s7+$0x2A0]  }
0x5c: {  	v36 =	vld [tilespmem:s7+$0x2B0]  }
0x5d: {  	v37 =	vld [tilespmem:s7+$0x2C0];
	v17 =	vmul.f32 v25, v17;
	v18 =	vmul.f32 v26, v18  }
0x5e: {  	v38 =	vld [tilespmem:s7+$0x2D0];
	v19 =	vmul.f32 v27, v19;
	v20 =	vmul.f32 v28, v20  }
0x5f: {  	v40 =	vld [tilespmem:s7+$0x2E0];
	v21 =	vmul.f32 v29, v21;
	v22 =	vmul.f32 v30, v22  }
0x60: {  	v41 =	vld [tilespmem:s7+$0x2F0];
	v23 =	vmul.f32 v31, v23;
	v24 =	vmul.f32 v32, v24  }
0x61: {  	v42 =	vld [tilespmem:s7+$0x4280];
	v17 =	vadd.f32 v18, v17;
	v18 =	vadd.f32 v20, v19  }
0x62: {  	v43 =	vld [tilespmem:s7+$0x4290];
	v44 =	vadd.f32 v22, v21;
	v45 =	vadd.f32 v24, v23  }
0x63: {  	v46 =	vld [tilespmem:s7+$0x42B0]  }
0x64: {  	v47 =	vld [tilespmem:s7+$0x42C0];
	v17 =	vadd.f32 v18, v17;
	v18 =	vadd.f32 v45, v44  }
0x65: {  	v48 =	vld [tilespmem:s7+$0x42D0]  }
0x66: {  	v49 =	vld [tilespmem:s7+$0x42E0];
	v17 =	vadd.f32 v18, v17  }
0x67: {  	v19 =	vld [tilespmem:s7+$0x42A0]  }
0x68: {  	v18 =	vld [tilespmem:s7+$0x42F0];
	[tilespmem:$0x8300] =	vst v17  }
0x69: {  	v17 =	vld [tilespmem:s7+$0x300]  }
0x6a: {  	v50 =	vld [tilespmem:s7+$0x310]  }
0x6b: {  	v51 =	vld [tilespmem:s7+$0x320]  }
0x6c: {  	v52 =	vld [tilespmem:s7+$0x330]  }
0x6d: {  	v27 =	vmul.f32 v42, v33;
	v28 =	vmul.f32 v43, v34;
	v53 =	vld [tilespmem:s7+$0x340]  }
0x6e: {  	v22 =	vmul.f32 v46, v36;
	v23 =	vmul.f32 v47, v37;
	v54 =	vld [tilespmem:s7+$0x350]  }
0x6f: {  	v20 =	vmul.f32 v48, v38;
	v21 =	vmul.f32 v49, v40;
	v55 =	vld [tilespmem:s7+$0x360]  }
0x70: {  	v19 =	vmul.f32 v19, v35;
	v56 =	vld [tilespmem:s7+$0x370];
	v18 =	vmul.f32 v18, v41  }
0x71: {  	v59 =	vadd.f32 v28, v27;
	v20 =	vadd.f32 v20, v23;
	v57 =	vld [tilespmem:s7+$0x4300]  }
0x72: {  	v58 =	vld [tilespmem:s7+$0x4310];
	v19 =	vadd.f32 v22, v19;
	v18 =	vadd.f32 v18, v21  }
0x73: {  	v60 =	vld [tilespmem:s7+$0x4320]  }
0x74: {  	v61 =	vld [tilespmem:s7+$0x4330];
	v19 =	vadd.f32 v19, v59;
	v18 =	vadd.f32 v18, v20  }
0x75: {  	v62 =	vld [tilespmem:s7+$0x4340]  }
0x76: {  	v63 =	vld [tilespmem:s7+$0x4350];
	v18 =	vadd.f32 v18, v19  }
0x77: {  	v40 =	vld [tilespmem:s7+$0x4360]  }
0x78: {  	v19 =	vld [tilespmem:s7+$0x4370];
	[tilespmem:$0x8380] =	vst v18  }
0x79: {  	v18 =	vld [tilespmem:s7+$0x380]  }
0x7a: {  	v41 =	vld [tilespmem:s7+$0x390]  }
0x7b: {  	v42 =	vld [tilespmem:s7+$0x3A0]  }
0x7c: {  	v43 =	vld [tilespmem:s7+$0x3B0]  }
0x7d: {  	v17 =	vmul.f32 v57, v17;
	v24 =	vmul.f32 v58, v50;
	v44 =	vld [tilespmem:s7+$0x3C0]  }
0x7e: {  	v22 =	vmul.f32 v60, v51;
	v21 =	vmul.f32 v61, v52;
	v45 =	vld [tilespmem:s7+$0x3D0]  }
0x7f: {  	v23 =	vmul.f32 v62, v53;
	v26 =	vmul.f32 v40, v55;
	v46 =	vld [tilespmem:s7+$0x3E0]  }
0x80: {  	v20 =	vmul.f32 v63, v54;
	v47 =	vld [tilespmem:s7+$0x3F0];
	v19 =	vmul.f32 v19, v56  }
0x81: {  	v17 =	vadd.f32 v24, v17;
	v21 =	vadd.f32 v21, v22;
	v48 =	vld [tilespmem:s7+$0x4380]  }
0x82: {  	v20 =	vadd.f32 v20, v23;
	v49 =	vld [tilespmem:s7+$0x4390];
	v19 =	vadd.f32 v19, v26  }
0x83: {  	v50 =	vld [tilespmem:s7+$0x43A0]  }
0x84: {  	v17 =	vadd.f32 v21, v17;
	v51 =	vld [tilespmem:s7+$0x43B0];
	v19 =	vadd.f32 v19, v20  }
0x85: {  	v52 =	vld [tilespmem:s7+$0x43C0]  }
0x86: {  	v53 =	vld [tilespmem:s7+$0x43D0];
	v17 =	vadd.f32 v19, v17  }
0x87: {  	v54 =	vld [tilespmem:s7+$0x43E0]  }
0x88: {  	v19 =	vld [tilespmem:s7+$0x43F0];
	[tilespmem:$0x8400] =	vst v17  }
0x89: {  	v17 =	vld [tilespmem:s7+$0x400]  }
0x8a: {  	v55 =	vld [tilespmem:s7+$0x410]  }
0x8b: {  	v56 =	vld [tilespmem:s7+$0x420]  }
0x8c: {  	v57 =	vld [tilespmem:s7+$0x430]  }
0x8d: {  	v18 =	vmul.f32 v48, v18;
	v27 =	vmul.f32 v49, v41;
	v58 =	vld [tilespmem:s7+$0x440]  }
0x8e: {  	v22 =	vmul.f32 v50, v42;
	v23 =	vmul.f32 v51, v43;
	v59 =	vld [tilespmem:s7+$0x450]  }
0x8f: {  	v24 =	vmul.f32 v52, v44;
	v21 =	vmul.f32 v54, v46;
	v60 =	vld [tilespmem:s7+$0x460]  }
0x90: {  	v20 =	vmul.f32 v53, v45;
	v61 =	vld [tilespmem:s7+$0x470];
	v19 =	vmul.f32 v19, v47  }
0x91: {  	v18 =	vadd.f32 v27, v18;
	v22 =	vadd.f32 v23, v22;
	v62 =	vld [tilespmem:s7+$0x4400]  }
0x92: {  	v20 =	vadd.f32 v20, v24;
	v63 =	vld [tilespmem:s7+$0x4410];
	v19 =	vadd.f32 v19, v21  }
0x93: {  	v40 =	vld [tilespmem:s7+$0x4420]  }
0x94: {  	v18 =	vadd.f32 v22, v18;
	v41 =	vld [tilespmem:s7+$0x4430];
	v19 =	vadd.f32 v19, v20  }
0x95: {  	v42 =	vld [tilespmem:s7+$0x4440]  }
0x96: {  	v43 =	vld [tilespmem:s7+$0x4450];
	v18 =	vadd.f32 v19, v18  }
0x97: {  	v44 =	vld [tilespmem:s7+$0x4460]  }
0x98: {  	v19 =	vld [tilespmem:s7+$0x4470];
	[tilespmem:$0x8480] =	vst v18  }
0x99: {  	v18 =	vld [tilespmem:s7+$0x480]  }
0x9a: {  	v45 =	vld [tilespmem:s7+$0x490]  }
0x9b: {  	v46 =	vld [tilespmem:s7+$0x4A0]  }
0x9c: {  	v47 =	vld [tilespmem:s7+$0x4B0]  }
0x9d: {  	v17 =	vmul.f32 v62, v17;
	v25 =	vmul.f32 v63, v55;
	v48 =	vld [tilespmem:s7+$0x4C0]  }
0x9e: {  	v23 =	vmul.f32 v40, v56;
	v21 =	vmul.f32 v41, v57;
	v49 =	vld [tilespmem:s7+$0x4D0]  }
0x9f: {  	v24 =	vmul.f32 v42, v58;
	v22 =	vmul.f32 v44, v60;
	v50 =	vld [tilespmem:s7+$0x4E0]  }
0xa0: {  	v20 =	vmul.f32 v43, v59;
	v51 =	vld [tilespmem:s7+$0x4F0];
	v19 =	vmul.f32 v19, v61  }
0xa1: {  	v17 =	vadd.f32 v25, v17;
	v21 =	vadd.f32 v21, v23;
	v52 =	vld [tilespmem:s7+$0x4480]  }
0xa2: {  	v20 =	vadd.f32 v20, v24;
	v53 =	vld [tilespmem:s7+$0x4490];
	v19 =	vadd.f32 v19, v22  }
0xa3: {  	v54 =	vld [tilespmem:s7+$0x44A0]  }
0xa4: {  	v17 =	vadd.f32 v21, v17;
	v55 =	vld [tilespmem:s7+$0x44B0];
	v19 =	vadd.f32 v19, v20  }
0xa5: {  	v56 =	vld [tilespmem:s7+$0x44C0]  }
0xa6: {  	v57 =	vld [tilespmem:s7+$0x44D0];
	v17 =	vadd.f32 v19, v17  }
0xa7: {  	v58 =	vld [tilespmem:s7+$0x44E0]  }
0xa8: {  	v19 =	vld [tilespmem:s7+$0x44F0];
	[tilespmem:$0x8500] =	vst v17  }
0xa9: {  	v17 =	vld [tilespmem:s7+$0x500]  }
0xaa: {  	v59 =	vld [tilespmem:s7+$0x510]  }
0xab: {  	v60 =	vld [tilespmem:s7+$0x520]  }
0xac: {  	v61 =	vld [tilespmem:s7+$0x530]  }
0xad: {  	v18 =	vmul.f32 v52, v18;
	v27 =	vmul.f32 v53, v45;
	v62 =	vld [tilespmem:s7+$0x540]  }
0xae: {  	v23 =	vmul.f32 v54, v46;
	v22 =	vmul.f32 v55, v47;
	v63 =	vld [tilespmem:s7+$0x550]  }
0xaf: {  	v24 =	vmul.f32 v56, v48;
	v21 =	vmul.f32 v58, v50;
	v40 =	vld [tilespmem:s7+$0x560]  }
0xb0: {  	v20 =	vmul.f32 v57, v49;
	v41 =	vld [tilespmem:s7+$0x570];
	v19 =	vmul.f32 v19, v51  }
0xb1: {  	v18 =	vadd.f32 v27, v18;
	v22 =	vadd.f32 v22, v23;
	v42 =	vld [tilespmem:s7+$0x4500]  }
0xb2: {  	v20 =	vadd.f32 v20, v24;
	v43 =	vld [tilespmem:s7+$0x4510];
	v19 =	vadd.f32 v19, v21  }
0xb3: {  	v44 =	vld [tilespmem:s7+$0x4520]  }
0xb4: {  	v18 =	vadd.f32 v22, v18;
	v45 =	vld [tilespmem:s7+$0x4530];
	v19 =	vadd.f32 v19, v20  }
0xb5: {  	v46 =	vld [tilespmem:s7+$0x4540]  }
0xb6: {  	v47 =	vld [tilespmem:s7+$0x4550];
	v18 =	vadd.f32 v19, v18  }
0xb7: {  	v48 =	vld [tilespmem:s7+$0x4560]  }
0xb8: {  	v19 =	vld [tilespmem:s7+$0x4570];
	[tilespmem:$0x8580] =	vst v18  }
0xb9: {  	v18 =	vld [tilespmem:s7+$0x580]  }
0xba: {  	v49 =	vld [tilespmem:s7+$0x590]  }
0xbb: {  	v50 =	vld [tilespmem:s7+$0x5A0]  }
0xbc: {  	v51 =	vld [tilespmem:s7+$0x5B0]  }
0xbd: {  	v17 =	vmul.f32 v42, v17;
	v25 =	vmul.f32 v43, v59;
	v52 =	vld [tilespmem:s7+$0x5C0]  }
0xbe: {  	v23 =	vmul.f32 v44, v60;
	v21 =	vmul.f32 v45, v61;
	v53 =	vld [tilespmem:s7+$0x5D0]  }
0xbf: {  	v24 =	vmul.f32 v46, v62;
	v22 =	vmul.f32 v48, v40;
	v54 =	vld [tilespmem:s7+$0x5E0]  }
0xc0: {  	v20 =	vmul.f32 v47, v63;
	v55 =	vld [tilespmem:s7+$0x5F0];
	v19 =	vmul.f32 v19, v41  }
0xc1: {  	v17 =	vadd.f32 v25, v17;
	v21 =	vadd.f32 v21, v23;
	v56 =	vld [tilespmem:s7+$0x4580]  }
0xc2: {  	v20 =	vadd.f32 v20, v24;
	v57 =	vld [tilespmem:s7+$0x4590];
	v19 =	vadd.f32 v19, v22  }
0xc3: {  	v58 =	vld [tilespmem:s7+$0x45A0]  }
0xc4: {  	v17 =	vadd.f32 v21, v17;
	v59 =	vld [tilespmem:s7+$0x45B0];
	v19 =	vadd.f32 v19, v20  }
0xc5: {  	v60 =	vld [tilespmem:s7+$0x45C0]  }
0xc6: {  	v61 =	vld [tilespmem:s7+$0x45D0];
	v17 =	vadd.f32 v19, v17  }
0xc7: {  	v62 =	vld [tilespmem:s7+$0x45E0]  }
0xc8: {  	v19 =	vld [tilespmem:s7+$0x45F0];
	[tilespmem:$0x8600] =	vst v17  }
0xc9: {  	v17 =	vld [tilespmem:s7+$0x600]  }
0xca: {  	v63 =	vld [tilespmem:s7+$0x610]  }
0xcb: {  	v40 =	vld [tilespmem:s7+$0x620]  }
0xcc: {  	v41 =	vld [tilespmem:s7+$0x630]  }
0xcd: {  	v18 =	vmul.f32 v56, v18;
	v27 =	vmul.f32 v57, v49;
	v42 =	vld [tilespmem:s7+$0x640]  }
0xce: {  	v23 =	vmul.f32 v58, v50;
	v22 =	vmul.f32 v59, v51;
	v43 =	vld [tilespmem:s7+$0x650]  }
0xcf: {  	v24 =	vmul.f32 v60, v52;
	v21 =	vmul.f32 v62, v54;
	v44 =	vld [tilespmem:s7+$0x660]  }
0xd0: {  	v20 =	vmul.f32 v61, v53;
	v45 =	vld [tilespmem:s7+$0x670];
	v19 =	vmul.f32 v19, v55  }
0xd1: {  	v18 =	vadd.f32 v27, v18;
	v22 =	vadd.f32 v22, v23;
	v46 =	vld [tilespmem:s7+$0x4600]  }
0xd2: {  	v20 =	vadd.f32 v20, v24;
	v47 =	vld [tilespmem:s7+$0x4610];
	v19 =	vadd.f32 v19, v21  }
0xd3: {  	v48 =	vld [tilespmem:s7+$0x4620]  }
0xd4: {  	v18 =	vadd.f32 v22, v18;
	v49 =	vld [tilespmem:s7+$0x4630];
	v19 =	vadd.f32 v19, v20  }
0xd5: {  	v50 =	vld [tilespmem:s7+$0x4640]  }
0xd6: {  	v51 =	vld [tilespmem:s7+$0x4650];
	v18 =	vadd.f32 v19, v18  }
0xd7: {  	v52 =	vld [tilespmem:s7+$0x4660]  }
0xd8: {  	v19 =	vld [tilespmem:s7+$0x4670];
	[tilespmem:$0x8680] =	vst v18  }
0xd9: {  	v18 =	vld [tilespmem:s7+$0x680]  }
0xda: {  	v53 =	vld [tilespmem:s7+$0x690]  }
0xdb: {  	v54 =	vld [tilespmem:s7+$0x6A0]  }
0xdc: {  	v55 =	vld [tilespmem:s7+$0x6B0]  }
0xdd: {  	v17 =	vmul.f32 v46, v17;
	v25 =	vmul.f32 v47, v63;
	v56 =	vld [tilespmem:s7+$0x6C0]  }
0xde: {  	v23 =	vmul.f32 v48, v40;
	v21 =	vmul.f32 v49, v41;
	v57 =	vld [tilespmem:s7+$0x6D0]  }
0xdf: {  	v24 =	vmul.f32 v50, v42;
	v22 =	vmul.f32 v52, v44;
	v58 =	vld [tilespmem:s7+$0x6E0]  }
0xe0: {  	v20 =	vmul.f32 v51, v43;
	v59 =	vld [tilespmem:s7+$0x6F0];
	v19 =	vmul.f32 v19, v45  }
0xe1: {  	v17 =	vadd.f32 v25, v17;
	v21 =	vadd.f32 v21, v23;
	v60 =	vld [tilespmem:s7+$0x4680]  }
0xe2: {  	v20 =	vadd.f32 v20, v24;
	v61 =	vld [tilespmem:s7+$0x4690];
	v19 =	vadd.f32 v19, v22  }
0xe3: {  	v62 =	vld [tilespmem:s7+$0x46A0]  }
0xe4: {  	v17 =	vadd.f32 v21, v17;
	v63 =	vld [tilespmem:s7+$0x46B0];
	v19 =	vadd.f32 v19, v20  }
0xe5: {  	v39 =	vld [tilespmem:s7+$0x46C0]  }
0xe6: {  	v40 =	vld [tilespmem:s7+$0x46D0];
	v17 =	vadd.f32 v19, v17  }
0xe7: {  	v41 =	vld [tilespmem:s7+$0x46E0]  }
0xe8: {  	v19 =	vld [tilespmem:s7+$0x46F0];
	[tilespmem:$0x8700] =	vst v17  }
0xe9: {  	v17 =	vld [tilespmem:s7+$0x700]  }
0xea: {  	v42 =	vld [tilespmem:s7+$0x710]  }
0xeb: {  	v43 =	vld [tilespmem:s7+$0x720]  }
0xec: {  	v44 =	vld [tilespmem:s7+$0x730]  }
0xed: {  	v18 =	vmul.f32 v60, v18;
	v27 =	vmul.f32 v61, v53;
	v45 =	vld [tilespmem:s7+$0x740]  }
0xee: {  	v23 =	vmul.f32 v62, v54;
	v22 =	vmul.f32 v63, v55;
	v46 =	vld [tilespmem:s7+$0x750]  }
0xef: {  	v24 =	vmul.f32 v39, v56;
	v21 =	vmul.f32 v41, v58;
	v47 =	vld [tilespmem:s7+$0x760]  }
0xf0: {  	v20 =	vmul.f32 v40, v57;
	v48 =	vld [tilespmem:s7+$0x770];
	v19 =	vmul.f32 v19, v59  }
0xf1: {  	v18 =	vadd.f32 v27, v18;
	v22 =	vadd.f32 v22, v23;
	v49 =	vld [tilespmem:s7+$0x4700]  }
0xf2: {  	v20 =	vadd.f32 v20, v24;
	v50 =	vld [tilespmem:s7+$0x4710];
	v19 =	vadd.f32 v19, v21  }
0xf3: {  	v51 =	vld [tilespmem:s7+$0x4720]  }
0xf4: {  	v18 =	vadd.f32 v22, v18;
	v52 =	vld [tilespmem:s7+$0x4730];
	v19 =	vadd.f32 v19, v20  }
0xf5: {  	v53 =	vld [tilespmem:s7+$0x4740]  }
0xf6: {  	v54 =	vld [tilespmem:s7+$0x4750];
	v18 =	vadd.f32 v19, v18  }
0xf7: {  	v55 =	vld [tilespmem:s7+$0x4760]  }
0xf8: {  	v19 =	vld [tilespmem:s7+$0x4770];
	[tilespmem:$0x8780] =	vst v18  }
0xf9: {  	v18 =	vld [tilespmem:s7+$0x780]  }
0xfa: {  	v56 =	vld [tilespmem:s7+$0x790]  }
0xfb: {  	v57 =	vld [tilespmem:s7+$0x7A0]  }
0xfc: {  	v58 =	vld [tilespmem:s7+$0x7B0]  }
0xfd: {  	v17 =	vmul.f32 v49, v17;
	v25 =	vmul.f32 v50, v42;
	v59 =	vld [tilespmem:s7+$0x7C0]  }
0xfe: {  	v23 =	vmul.f32 v51, v43;
	v21 =	vmul.f32 v52, v44;
	v60 =	vld [tilespmem:s7+$0x7D0]  }
0xff: {  	v24 =	vmul.f32 v53, v45;
	v22 =	vmul.f32 v55, v47;
	v61 =	vld [tilespmem:s7+$0x7E0]  }
0x100: {  	v20 =	vmul.f32 v54, v46;
	v62 =	vld [tilespmem:s7+$0x7F0];
	v19 =	vmul.f32 v19, v48  }
0x101: {  	v17 =	vadd.f32 v25, v17;
	v21 =	vadd.f32 v21, v23;
	v63 =	vld [tilespmem:s7+$0x4780]  }
0x102: {  	v20 =	vadd.f32 v20, v24;
	v39 =	vld [tilespmem:s7+$0x4790];
	v19 =	vadd.f32 v19, v22  }
0x103: {  	v40 =	vld [tilespmem:s7+$0x47A0]  }
0x104: {  	v17 =	vadd.f32 v21, v17;
	v41 =	vld [tilespmem:s7+$0x47B0];
	v19 =	vadd.f32 v19, v20  }
0x105: {  	v42 =	vld [tilespmem:s7+$0x47C0]  }
0x106: {  	v43 =	vld [tilespmem:s7+$0x47D0];
	v17 =	vadd.f32 v19, v17  }
0x107: {  	v44 =	vld [tilespmem:s7+$0x47E0]  }
0x108: {  	v19 =	vld [tilespmem:s7+$0x47F0];
	[tilespmem:$0x8800] =	vst v17  }
0x109: {  	v17 =	vld [tilespmem:s7+$0x800]  }
0x10a: {  	v45 =	vld [tilespmem:s7+$0x810]  }
0x10b: {  	v46 =	vld [tilespmem:s7+$0x820]  }
0x10c: {  	v47 =	vld [tilespmem:s7+$0x830]  }
0x10d: {  	v18 =	vmul.f32 v63, v18;
	v27 =	vmul.f32 v39, v56;
	v48 =	vld [tilespmem:s7+$0x840]  }
0x10e: {  	v23 =	vmul.f32 v40, v57;
	v22 =	vmul.f32 v41, v58;
	v49 =	vld [tilespmem:s7+$0x850]  }
0x10f: {  	v24 =	vmul.f32 v42, v59;
	v21 =	vmul.f32 v44, v61;
	v50 =	vld [tilespmem:s7+$0x860]  }
0x110: {  	v20 =	vmul.f32 v43, v60;
	v51 =	vld [tilespmem:s7+$0x870];
	v19 =	vmul.f32 v19, v62  }
0x111: {  	v18 =	vadd.f32 v27, v18;
	v22 =	vadd.f32 v22, v23;
	v52 =	vld [tilespmem:s7+$0x4800]  }
0x112: {  	v20 =	vadd.f32 v20, v24;
	v53 =	vld [tilespmem:s7+$0x4810];
	v19 =	vadd.f32 v19, v21  }
0x113: {  	v54 =	vld [tilespmem:s7+$0x4820]  }
0x114: {  	v18 =	vadd.f32 v22, v18;
	v55 =	vld [tilespmem:s7+$0x4830];
	v19 =	vadd.f32 v19, v20  }
0x115: {  	v56 =	vld [tilespmem:s7+$0x4840]  }
0x116: {  	v57 =	vld [tilespmem:s7+$0x4850];
	v18 =	vadd.f32 v19, v18  }
0x117: {  	v58 =	vld [tilespmem:s7+$0x4860]  }
0x118: {  	v19 =	vld [tilespmem:s7+$0x4870];
	[tilespmem:$0x8880] =	vst v18  }
0x119: {  	v18 =	vld [tilespmem:s7+$0x880]  }
0x11a: {  	v59 =	vld [tilespmem:s7+$0x890]  }
0x11b: {  	v60 =	vld [tilespmem:s7+$0x8A0]  }
0x11c: {  	v61 =	vld [tilespmem:s7+$0x8B0]  }
0x11d: {  	v17 =	vmul.f32 v52, v17;
	v25 =	vmul.f32 v53, v45;
	v62 =	vld [tilespmem:s7+$0x8C0]  }
0x11e: {  	v23 =	vmul.f32 v54, v46;
	v21 =	vmul.f32 v55, v47;
	v63 =	vld [tilespmem:s7+$0x8D0]  }
0x11f: {  	v24 =	vmul.f32 v56, v48;
	v22 =	vmul.f32 v58, v50;
	v39 =	vld [tilespmem:s7+$0x8E0]  }
0x120: {  	v20 =	vmul.f32 v57, v49;
	v40 =	vld [tilespmem:s7+$0x8F0];
	v19 =	vmul.f32 v19, v51  }
0x121: {  	v17 =	vadd.f32 v25, v17;
	v21 =	vadd.f32 v21, v23;
	v41 =	vld [tilespmem:s7+$0x4880]  }
0x122: {  	v20 =	vadd.f32 v20, v24;
	v42 =	vld [tilespmem:s7+$0x4890];
	v19 =	vadd.f32 v19, v22  }
0x123: {  	v43 =	vld [tilespmem:s7+$0x48A0]  }
0x124: {  	v17 =	vadd.f32 v21, v17;
	v44 =	vld [tilespmem:s7+$0x48B0];
	v19 =	vadd.f32 v19, v20  }
0x125: {  	v45 =	vld [tilespmem:s7+$0x48C0]  }
0x126: {  	v46 =	vld [tilespmem:s7+$0x48D0];
	v17 =	vadd.f32 v19, v17  }
0x127: {  	v47 =	vld [tilespmem:s7+$0x48E0]  }
0x128: {  	v19 =	vld [tilespmem:s7+$0x48F0];
	[tilespmem:$0x8900] =	vst v17  }
0x129: {  	v17 =	vld [tilespmem:s7+$0x900]  }
0x12a: {  	v25 =	vld [tilespmem:s7+$0x910]  }
0x12b: {  	v29 =	vld [tilespmem:s7+$0x920]  }
0x12c: {  	v33 =	vld [tilespmem:s7+$0x930]  }
0x12d: {  	v18 =	vmul.f32 v41, v18;
	v27 =	vmul.f32 v42, v59;
	v48 =	vld [tilespmem:s7+$0x940]  }
0x12e: {  	v23 =	vmul.f32 v43, v60;
	v22 =	vmul.f32 v44, v61;
	v49 =	vld [tilespmem:s7+$0x950]  }
0x12f: {  	v24 =	vmul.f32 v45, v62;
	v21 =	vmul.f32 v47, v39;
	v50 =	vld [tilespmem:s7+$0x960]  }
0x130: {  	v20 =	vmul.f32 v46, v63;
	v51 =	vld [tilespmem:s7+$0x970];
	v19 =	vmul.f32 v19, v40  }
0x131: {  	v18 =	vadd.f32 v27, v18;
	v22 =	vadd.f32 v22, v23;
	v52 =	vld [tilespmem:s7+$0x4900]  }
0x132: {  	v20 =	vadd.f32 v20, v24;
	v53 =	vld [tilespmem:s7+$0x4910];
	v19 =	vadd.f32 v19, v21  }
0x133: {  	v54 =	vld [tilespmem:s7+$0x4920]  }
0x134: {  	v18 =	vadd.f32 v22, v18;
	v55 =	vld [tilespmem:s7+$0x4930];
	v19 =	vadd.f32 v19, v20  }
0x135: {  	v56 =	vld [tilespmem:s7+$0x4940]  }
0x136: {  	v57 =	vld [tilespmem:s7+$0x4950];
	v18 =	vadd.f32 v19, v18  }
0x137: {  	v58 =	vld [tilespmem:s7+$0x4960]  }
0x138: {  	v19 =	vld [tilespmem:s7+$0x4970];
	[tilespmem:$0x8980] =	vst v18  }
0x139: {  	v18 =	vld [tilespmem:s7+$0x980]  }
0x13a: {  	v59 =	vld [tilespmem:s7+$0x990]  }
0x13b: {  	v60 =	vld [tilespmem:s7+$0x9A0]  }
0x13c: {  	v61 =	vld [tilespmem:s7+$0x9B0]  }
0x13d: {  	v62 =	vld [tilespmem:s7+$0x9C0]  }
0x13e: {  	v63 =	vld [tilespmem:s7+$0x9D0]  }
0x13f: {  	v39 =	vld [tilespmem:s7+$0x9E0]  }
0x140: {  	v40 =	vld [tilespmem:s7+$0x9F0]  }
0x141: {  	v41 =	vld [tilespmem:s7+$0x4980]  }
0x142: {  	v42 =	vld [tilespmem:s7+$0x4990]  }
0x143: {  	v43 =	vld [tilespmem:s7+$0x49A0]  }
0x144: {  	v44 =	vld [tilespmem:s7+$0x49B0]  }
0x145: {  	v45 =	vld [tilespmem:s7+$0x49C0]  }
0x146: {  	v17 =	vmul.f32 v52, v17;
	v25 =	vmul.f32 v53, v25;
	v46 =	vld [tilespmem:s7+$0x49D0]  }
0x147: {  	v23 =	vmul.f32 v54, v29;
	v21 =	vmul.f32 v55, v33;
	v32 =	vld [tilespmem:s7+$0x49E0]  }
0x148: {  	v24 =	vmul.f32 v56, v48;
	v22 =	vmul.f32 v58, v50;
	v33 =	vld [tilespmem:s7+$0x49F0]  }
0x149: {  	v20 =	vmul.f32 v57, v49;
	v19 =	vmul.f32 v19, v51  }
0x14a: {  	v17 =	vadd.f32 v25, v17;
	v18 =	vmul.f32 v41, v18;
	v34 =	vmul.f32 v42, v59  }
0x14b: {  	v21 =	vadd.f32 v21, v23;
	v35 =	vmul.f32 v43, v60;
	v36 =	vmul.f32 v44, v61  }
0x14c: {  	v20 =	vadd.f32 v20, v24;
	v37 =	vmul.f32 v45, v62;
	v38 =	vmul.f32 v46, v63  }
0x14d: {  	v19 =	vadd.f32 v19, v22;
	v41 =	vmul.f32 v32, v39;
	v42 =	vmul.f32 v33, v40  }
0x14e: {  	v18 =	vadd.f32 v34, v18;
	v23 =	vadd.f32 v36, v35  }
0x14f: {  	v24 =	vadd.f32 v38, v37;
	v22 =	vadd.f32 v42, v41  }
0x150: {  	v17 =	vadd.f32 v21, v17;
	v19 =	vadd.f32 v19, v20  }
0x151: {  	v18 =	vadd.f32 v23, v18;
	v43 =	vadd.f32 v22, v24  }
0x152: {  	v17 =	vadd.f32 v19, v17  }
0x153: {  	v18 =	vadd.f32 v43, v18  }
0x154: {  	[tilespmem:$0x8A00] =	vst v17  }
0x155: {  	[tilespmem:$0x8A80] =	vst v18  }
0x156: {  	v17 =	vld.idx.msk [tilespmem:v1+s24+$0x0], $0xffff  }
0x157: {  	v18 =	vld.idx.msk [tilespmem:v2+s24+$0x0], $0xffff  }
0x158: {  	v19 =	vld.idx.msk [tilespmem:v3+s24+$0x0], $0xffff  }
0x159: {  	v44 =	vld.idx.msk [tilespmem:v4+s24+$0x0], $0xffff  }
0x15a: {  	v45 =	vld.idx.msk [tilespmem:v5+s24+$0x0], $0xffff  }
0x15b: {  	v46 =	vld.idx.msk [tilespmem:v6+s24+$0x0], $0xffff  }
0x15c: {  	v47 =	vld.idx.msk [tilespmem:v7+s24+$0x0], $0xffff  }
0x15d: {  	v48 =	vld.idx.msk [tilespmem:v8+s24+$0x0], $0xffff  }
0x15e: {  	v49 =	vld.idx.msk [tilespmem:v9+s24+$0x0], $0xffff  }
0x15f: {  	v50 =	vld.idx.msk [tilespmem:v10+s24+$0x0], $0xffff  }
0x160: {  	v51 =	vld.idx.msk [tilespmem:v11+s24+$0x0], $0xffff  }
0x161: {  	v52 =	vld.idx.msk [tilespmem:v12+s24+$0x0], $0xffff  }
0x162: {  	v53 =	vld.idx.msk [tilespmem:v13+s24+$0x0], $0xffff  }
0x163: {  	v54 =	vld.idx.msk [tilespmem:v14+s24+$0x0], $0xffff  }
0x164: {  	v55 =	vld.idx.msk [tilespmem:v15+s24+$0x0], $0xffff  }
0x165: {  	v56 =	vld.idx.msk [tilespmem:v16+s24+$0x0], $0xffff;
	_ =	sdelay $0x1  }
0x166: {  	v17 =	vadd.f32 v18, v17;
	v18 =	vadd.f32 v44, v19  }
0x167: {  	v19 =	vadd.f32 v46, v45;
	v57 =	vadd.f32 v48, v47  }
0x168: {  	v58 =	vadd.f32 v50, v49;
	v59 =	vadd.f32 v52, v51  }
0x169: {  	v60 =	vadd.f32 v54, v53;
	v61 =	vadd.f32 v56, v55  }
0x16a: {  	v17 =	vadd.f32 v18, v17;
	v18 =	vadd.f32 v57, v19  }
0x16b: {  	s7 =	sshll.u32 s23, $0x4;
	v19 =	vadd.f32 v59, v58;
	v62 =	vadd.f32 v61, v60  }
0x16c: {  	p4 =	sne.s32 s23, $0x3;
	v63 =	vor.u32 s7, v0  }
.Ltmp5:
0x16d: {  	v17 =	vadd.f32 v18, v17;
	v18 =	vadd.f32 v62, v19;
	(pc) =	sbr.rel @p4 .LBB2_4-.Ltmp5, $3  }
0x16e: {  	_ = 	snop  }
0x16f: {  	v17 =	vadd.f32 v18, v17;
	_ =	sdelay $0x1  }
0x170: {  	s23 =	sadd.s32 $0x1, s23;
	[tilespmem:v63+s25+$0x0] =	vst.idx.msk $0xffff, v17  }
0x171: {  	s7 =	sshll.u32 s21, $0x3  }
0x172: {  	s7 =	sadd.s32 s2, s7  }
0x173: {  	[hbm4b:s7+s4] =	stream.linear.scatter [tilespmem:s25], [sflag:$0x7], $0x40, $0x38;
	[tilespmem:$0x1C380] =	vst v63  }
.LBB2_6:
0x174: {  	s7 =	simm.s32 @!p3 $0x5  }
0x175: {  	_ =	swait.ge @!p3 [sflag:s7], $0x100  }
0x176: {  	[sflag:s7] =	ssyncset.done @!p3 $0x0  }
0x177: {  	s21 =	simm.s32 @!p3 $0x200;
	[sflag:s7] =	ssyncadd.s32 @!p3 $0xFFFFFF00;
	s7 =	simm.s32 @!p3 $0x40  }
0x178: {  	[tilespmem:s21], [sflag:$0x1] =	stream.indirect.gather @!p3 [spmem:s3], $0x80, s22, s7, $0xb8;
	[tilespmem:$0x1C380] =	vst v63  }
0x179: {  	s21 =	simm.s32 @!p3 $0x80;
	s22 =	simm.s32 @!p3 $0x4200  }
0x17a: {  	[tilespmem:s22], [sflag:$0x3] =	stream.indirect.gather @!p3 [hbm4b:s1+s7], $0x80, s21, s7, $0xb8;
	[tilespmem:$0x1C380] =	vst v63  }
0x17b: {  	s7 =	simm.s32 @!p1 $0x2  }
0x17c: {  	_ =	swait.ge @!p1 [sflag:s7], $0x2000  }
0x17d: {  	[sflag:s7] =	ssyncset.done @!p1 $0x0  }
0x17e: {  	[sflag:s7] =	ssyncadd.s32 @!p1 $0xFFFFE000;
	s7 =	simm.s32 @!p1 $0x4  }
.Ltmp6:
0x17f: {  	s20 =	sadd.s32 s13, s20;
	_ =	swait.ge @!p1 [sflag:s7], $0x2000;
	(pc) =	sbr.rel @p1 .LBB2_10-.Ltmp6, $4  }
0x180: {  	p3 =	sgt.u32 s20, $0x1387;
	[sflag:s7] =	ssyncset.done @!p1 $0x0  }
0x181: {  	[sflag:s7] =	ssyncadd.s32 @!p1 $0xFFFFE000;
	s7 =	sshll.u32 @!p3 s20, $0x5  }
0x182: {  	s21 =	simm.s32 @!p3 $0x100;
	s20 =	simm.s32 @!p3 $0x0;
	s7 =	sadd.s32 @!p3 s5, s7  }
0x183: {  	[tilespmem:s21], [sflag:$0x6] =	stream.linear.gather @!p3 [hbm4b:s7+s20], $0x100, $0x38;
	[tilespmem:$0x1C380] =	vst v63  }
0x184: {  	s7 =	simm.s32 @!p2 $0x8  }
0x185: {  	_ =	swait.ge @!p2 [sflag:s7], $0x40  }
0x186: {  	[sflag:s7] =	ssyncset.done @!p2 $0x0  }
0x187: {  	s20 =	simm.s32 $0x0;
	[sflag:s7] =	ssyncadd.s32 @!p2 $0xFFFFFFC0  }
.LBB2_8:
0x188: {  	s7 =	sshll.u32 s20, $0xB  }
0x189: {  	v17 =	vld [tilespmem:s7+$0x2200]  }
0x18a: {  	v18 =	vld [tilespmem:s7+$0x2210]  }
0x18b: {  	v19 =	vld [tilespmem:s7+$0x2220]  }
0x18c: {  	v20 =	vld [tilespmem:s7+$0x2230]  }
0x18d: {  	v21 =	vld [tilespmem:s7+$0x2240]  }
0x18e: {  	v22 =	vld [tilespmem:s7+$0x2250]  }
0x18f: {  	v23 =	vld [tilespmem:s7+$0x2260]  }
0x190: {  	v24 =	vld [tilespmem:s7+$0x2270]  }
0x191: {  	v25 =	vld [tilespmem:s7+$0x6200]  }
0x192: {  	v26 =	vld [tilespmem:s7+$0x6210]  }
0x193: {  	v27 =	vld [tilespmem:s7+$0x6220]  }
0x194: {  	v28 =	vld [tilespmem:s7+$0x6230]  }
0x195: {  	v29 =	vld [tilespmem:s7+$0x6240]  }
0x196: {  	v30 =	vld [tilespmem:s7+$0x6250]  }
0x197: {  	v31 =	vld [tilespmem:s7+$0x6260]  }
0x198: {  	v32 =	vld [tilespmem:s7+$0x6270]  }
0x199: {  	v33 =	vld [tilespmem:s7+$0x2280]  }
0x19a: {  	v34 =	vld [tilespmem:s7+$0x2290]  }
0x19b: {  	v35 =	vld [tilespmem:s7+$0x22A0]  }
0x19c: {  	v36 =	vld [tilespmem:s7+$0x22B0]  }
0x19d: {  	v37 =	vld [tilespmem:s7+$0x22C0];
	v17 =	vmul.f32 v25, v17;
	v18 =	vmul.f32 v26, v18  }
0x19e: {  	v38 =	vld [tilespmem:s7+$0x22D0];
	v19 =	vmul.f32 v27, v19;
	v20 =	vmul.f32 v28, v20  }
0x19f: {  	v40 =	vld [tilespmem:s7+$0x22E0];
	v21 =	vmul.f32 v29, v21;
	v22 =	vmul.f32 v30, v22  }
0x1a0: {  	v41 =	vld [tilespmem:s7+$0x22F0];
	v23 =	vmul.f32 v31, v23;
	v24 =	vmul.f32 v32, v24  }
0x1a1: {  	v42 =	vld [tilespmem:s7+$0x6280];
	v17 =	vadd.f32 v18, v17;
	v18 =	vadd.f32 v20, v19  }
0x1a2: {  	v43 =	vld [tilespmem:s7+$0x6290];
	v44 =	vadd.f32 v22, v21;
	v45 =	vadd.f32 v24, v23  }
0x1a3: {  	v46 =	vld [tilespmem:s7+$0x62B0]  }
0x1a4: {  	v47 =	vld [tilespmem:s7+$0x62C0];
	v17 =	vadd.f32 v18, v17;
	v18 =	vadd.f32 v45, v44  }
0x1a5: {  	v48 =	vld [tilespmem:s7+$0x62D0]  }
0x1a6: {  	v49 =	vld [tilespmem:s7+$0x62E0];
	v17 =	vadd.f32 v18, v17  }
0x1a7: {  	v19 =	vld [tilespmem:s7+$0x62A0]  }
0x1a8: {  	v18 =	vld [tilespmem:s7+$0x62F0];
	[tilespmem:$0x8300] =	vst v17  }
0x1a9: {  	v17 =	vld [tilespmem:s7+$0x2300]  }
0x1aa: {  	v50 =	vld [tilespmem:s7+$0x2310]  }
0x1ab: {  	v51 =	vld [tilespmem:s7+$0x2320]  }
0x1ac: {  	v52 =	vld [tilespmem:s7+$0x2330]  }
0x1ad: {  	v27 =	vmul.f32 v42, v33;
	v28 =	vmul.f32 v43, v34;
	v53 =	vld [tilespmem:s7+$0x2340]  }
0x1ae: {  	v22 =	vmul.f32 v46, v36;
	v23 =	vmul.f32 v47, v37;
	v54 =	vld [tilespmem:s7+$0x2350]  }
0x1af: {  	v20 =	vmul.f32 v48, v38;
	v21 =	vmul.f32 v49, v40;
	v55 =	vld [tilespmem:s7+$0x2360]  }
0x1b0: {  	v19 =	vmul.f32 v19, v35;
	v56 =	vld [tilespmem:s7+$0x2370];
	v18 =	vmul.f32 v18, v41  }
0x1b1: {  	v59 =	vadd.f32 v28, v27;
	v20 =	vadd.f32 v20, v23;
	v57 =	vld [tilespmem:s7+$0x6300]  }
0x1b2: {  	v58 =	vld [tilespmem:s7+$0x6310];
	v19 =	vadd.f32 v22, v19;
	v18 =	vadd.f32 v18, v21  }
0x1b3: {  	v60 =	vld [tilespmem:s7+$0x6320]  }
0x1b4: {  	v61 =	vld [tilespmem:s7+$0x6330];
	v19 =	vadd.f32 v19, v59;
	v18 =	vadd.f32 v18, v20  }
0x1b5: {  	v62 =	vld [tilespmem:s7+$0x6340]  }
0x1b6: {  	v63 =	vld [tilespmem:s7+$0x6350];
	v18 =	vadd.f32 v18, v19  }
0x1b7: {  	v40 =	vld [tilespmem:s7+$0x6360]  }
0x1b8: {  	v19 =	vld [tilespmem:s7+$0x6370];
	[tilespmem:$0x8380] =	vst v18  }
0x1b9: {  	v18 =	vld [tilespmem:s7+$0x2380]  }
0x1ba: {  	v41 =	vld [tilespmem:s7+$0x2390]  }
0x1bb: {  	v42 =	vld [tilespmem:s7+$0x23A0]  }
0x1bc: {  	v43 =	vld [tilespmem:s7+$0x23B0]  }
0x1bd: {  	v17 =	vmul.f32 v57, v17;
	v24 =	vmul.f32 v58, v50;
	v44 =	vld [tilespmem:s7+$0x23C0]  }
0x1be: {  	v22 =	vmul.f32 v60, v51;
	v21 =	vmul.f32 v61, v52;
	v45 =	vld [tilespmem:s7+$0x23D0]  }
0x1bf: {  	v23 =	vmul.f32 v62, v53;
	v26 =	vmul.f32 v40, v55;
	v46 =	vld [tilespmem:s7+$0x23E0]  }
0x1c0: {  	v20 =	vmul.f32 v63, v54;
	v47 =	vld [tilespmem:s7+$0x23F0];
	v19 =	vmul.f32 v19, v56  }
0x1c1: {  	v17 =	vadd.f32 v24, v17;
	v21 =	vadd.f32 v21, v22;
	v48 =	vld [tilespmem:s7+$0x6380]  }
0x1c2: {  	v20 =	vadd.f32 v20, v23;
	v49 =	vld [tilespmem:s7+$0x6390];
	v19 =	vadd.f32 v19, v26  }
0x1c3: {  	v50 =	vld [tilespmem:s7+$0x63A0]  }
0x1c4: {  	v17 =	vadd.f32 v21, v17;
	v51 =	vld [tilespmem:s7+$0x63B0];
	v19 =	vadd.f32 v19, v20  }
0x1c5: {  	v52 =	vld [tilespmem:s7+$0x63C0]  }
0x1c6: {  	v53 =	vld [tilespmem:s7+$0x63D0];
	v17 =	vadd.f32 v19, v17  }
0x1c7: {  	v54 =	vld [tilespmem:s7+$0x63E0]  }
0x1c8: {  	v19 =	vld [tilespmem:s7+$0x63F0];
	[tilespmem:$0x8400] =	vst v17  }
0x1c9: {  	v17 =	vld [tilespmem:s7+$0x2400]  }
0x1ca: {  	v55 =	vld [tilespmem:s7+$0x2410]  }
0x1cb: {  	v56 =	vld [tilespmem:s7+$0x2420]  }
0x1cc: {  	v57 =	vld [tilespmem:s7+$0x2430]  }
0x1cd: {  	v18 =	vmul.f32 v48, v18;
	v27 =	vmul.f32 v49, v41;
	v58 =	vld [tilespmem:s7+$0x2440]  }
0x1ce: {  	v22 =	vmul.f32 v50, v42;
	v23 =	vmul.f32 v51, v43;
	v59 =	vld [tilespmem:s7+$0x2450]  }
0x1cf: {  	v24 =	vmul.f32 v52, v44;
	v21 =	vmul.f32 v54, v46;
	v60 =	vld [tilespmem:s7+$0x2460]  }
0x1d0: {  	v20 =	vmul.f32 v53, v45;
	v61 =	vld [tilespmem:s7+$0x2470];
	v19 =	vmul.f32 v19, v47  }
0x1d1: {  	v18 =	vadd.f32 v27, v18;
	v22 =	vadd.f32 v23, v22;
	v62 =	vld [tilespmem:s7+$0x6400]  }
0x1d2: {  	v20 =	vadd.f32 v20, v24;
	v63 =	vld [tilespmem:s7+$0x6410];
	v19 =	vadd.f32 v19, v21  }
0x1d3: {  	v40 =	vld [tilespmem:s7+$0x6420]  }
0x1d4: {  	v18 =	vadd.f32 v22, v18;
	v41 =	vld [tilespmem:s7+$0x6430];
	v19 =	vadd.f32 v19, v20  }
0x1d5: {  	v42 =	vld [tilespmem:s7+$0x6440]  }
0x1d6: {  	v43 =	vld [tilespmem:s7+$0x6450];
	v18 =	vadd.f32 v19, v18  }
0x1d7: {  	v44 =	vld [tilespmem:s7+$0x6460]  }
0x1d8: {  	v19 =	vld [tilespmem:s7+$0x6470];
	[tilespmem:$0x8480] =	vst v18  }
0x1d9: {  	v18 =	vld [tilespmem:s7+$0x2480]  }
0x1da: {  	v45 =	vld [tilespmem:s7+$0x2490]  }
0x1db: {  	v46 =	vld [tilespmem:s7+$0x24A0]  }
0x1dc: {  	v47 =	vld [tilespmem:s7+$0x24B0]  }
0x1dd: {  	v17 =	vmul.f32 v62, v17;
	v25 =	vmul.f32 v63, v55;
	v48 =	vld [tilespmem:s7+$0x24C0]  }
0x1de: {  	v23 =	vmul.f32 v40, v56;
	v21 =	vmul.f32 v41, v57;
	v49 =	vld [tilespmem:s7+$0x24D0]  }
0x1df: {  	v24 =	vmul.f32 v42, v58;
	v22 =	vmul.f32 v44, v60;
	v50 =	vld [tilespmem:s7+$0x24E0]  }
0x1e0: {  	v20 =	vmul.f32 v43, v59;
	v51 =	vld [tilespmem:s7+$0x24F0];
	v19 =	vmul.f32 v19, v61  }
0x1e1: {  	v17 =	vadd.f32 v25, v17;
	v21 =	vadd.f32 v21, v23;
	v52 =	vld [tilespmem:s7+$0x6480]  }
0x1e2: {  	v20 =	vadd.f32 v20, v24;
	v53 =	vld [tilespmem:s7+$0x6490];
	v19 =	vadd.f32 v19, v22  }
0x1e3: {  	v54 =	vld [tilespmem:s7+$0x64A0]  }
0x1e4: {  	v17 =	vadd.f32 v21, v17;
	v55 =	vld [tilespmem:s7+$0x64B0];
	v19 =	vadd.f32 v19, v20  }
0x1e5: {  	v56 =	vld [tilespmem:s7+$0x64C0]  }
0x1e6: {  	v57 =	vld [tilespmem:s7+$0x64D0];
	v17 =	vadd.f32 v19, v17  }
0x1e7: {  	v58 =	vld [tilespmem:s7+$0x64E0]  }
0x1e8: {  	v19 =	vld [tilespmem:s7+$0x64F0];
	[tilespmem:$0x8500] =	vst v17  }
0x1e9: {  	v17 =	vld [tilespmem:s7+$0x2500]  }
0x1ea: {  	v59 =	vld [tilespmem:s7+$0x2510]  }
0x1eb: {  	v60 =	vld [tilespmem:s7+$0x2520]  }
0x1ec: {  	v61 =	vld [tilespmem:s7+$0x2530]  }
0x1ed: {  	v18 =	vmul.f32 v52, v18;
	v27 =	vmul.f32 v53, v45;
	v62 =	vld [tilespmem:s7+$0x2540]  }
0x1ee: {  	v23 =	vmul.f32 v54, v46;
	v22 =	vmul.f32 v55, v47;
	v63 =	vld [tilespmem:s7+$0x2550]  }
0x1ef: {  	v24 =	vmul.f32 v56, v48;
	v21 =	vmul.f32 v58, v50;
	v40 =	vld [tilespmem:s7+$0x2560]  }
0x1f0: {  	v20 =	vmul.f32 v57, v49;
	v41 =	vld [tilespmem:s7+$0x2570];
	v19 =	vmul.f32 v19, v51  }
0x1f1: {  	v18 =	vadd.f32 v27, v18;
	v22 =	vadd.f32 v22, v23;
	v42 =	vld [tilespmem:s7+$0x6500]  }
0x1f2: {  	v20 =	vadd.f32 v20, v24;
	v43 =	vld [tilespmem:s7+$0x6510];
	v19 =	vadd.f32 v19, v21  }
0x1f3: {  	v44 =	vld [tilespmem:s7+$0x6520]  }
0x1f4: {  	v18 =	vadd.f32 v22, v18;
	v45 =	vld [tilespmem:s7+$0x6530];
	v19 =	vadd.f32 v19, v20  }
0x1f5: {  	v46 =	vld [tilespmem:s7+$0x6540]  }
0x1f6: {  	v47 =	vld [tilespmem:s7+$0x6550];
	v18 =	vadd.f32 v19, v18  }
0x1f7: {  	v48 =	vld [tilespmem:s7+$0x6560]  }
0x1f8: {  	v19 =	vld [tilespmem:s7+$0x6570];
	[tilespmem:$0x8580] =	vst v18  }
0x1f9: {  	v18 =	vld [tilespmem:s7+$0x2580]  }
0x1fa: {  	v49 =	vld [tilespmem:s7+$0x2590]  }
0x1fb: {  	v50 =	vld [tilespmem:s7+$0x25A0]  }
0x1fc: {  	v51 =	vld [tilespmem:s7+$0x25B0]  }
0x1fd: {  	v17 =	vmul.f32 v42, v17;
	v25 =	vmul.f32 v43, v59;
	v52 =	vld [tilespmem:s7+$0x25C0]  }
0x1fe: {  	v23 =	vmul.f32 v44, v60;
	v21 =	vmul.f32 v45, v61;
	v53 =	vld [tilespmem:s7+$0x25D0]  }
0x1ff: {  	v24 =	vmul.f32 v46, v62;
	v22 =	vmul.f32 v48, v40;
	v54 =	vld [tilespmem:s7+$0x25E0]  }
0x200: {  	v20 =	vmul.f32 v47, v63;
	v55 =	vld [tilespmem:s7+$0x25F0];
	v19 =	vmul.f32 v19, v41  }
0x201: {  	v17 =	vadd.f32 v25, v17;
	v21 =	vadd.f32 v21, v23;
	v56 =	vld [tilespmem:s7+$0x6580]  }
0x202: {  	v20 =	vadd.f32 v20, v24;
	v57 =	vld [tilespmem:s7+$0x6590];
	v19 =	vadd.f32 v19, v22  }
0x203: {  	v58 =	vld [tilespmem:s7+$0x65A0]  }
0x204: {  	v17 =	vadd.f32 v21, v17;
	v59 =	vld [tilespmem:s7+$0x65B0];
	v19 =	vadd.f32 v19, v20  }
0x205: {  	v60 =	vld [tilespmem:s7+$0x65C0]  }
0x206: {  	v61 =	vld [tilespmem:s7+$0x65D0];
	v17 =	vadd.f32 v19, v17  }
0x207: {  	v62 =	vld [tilespmem:s7+$0x65E0]  }
0x208: {  	v19 =	vld [tilespmem:s7+$0x65F0];
	[tilespmem:$0x8600] =	vst v17  }
0x209: {  	v17 =	vld [tilespmem:s7+$0x2600]  }
0x20a: {  	v63 =	vld [tilespmem:s7+$0x2610]  }
0x20b: {  	v40 =	vld [tilespmem:s7+$0x2620]  }
0x20c: {  	v41 =	vld [tilespmem:s7+$0x2630]  }
0x20d: {  	v18 =	vmul.f32 v56, v18;
	v27 =	vmul.f32 v57, v49;
	v42 =	vld [tilespmem:s7+$0x2640]  }
0x20e: {  	v23 =	vmul.f32 v58, v50;
	v22 =	vmul.f32 v59, v51;
	v43 =	vld [tilespmem:s7+$0x2650]  }
0x20f: {  	v24 =	vmul.f32 v60, v52;
	v21 =	vmul.f32 v62, v54;
	v44 =	vld [tilespmem:s7+$0x2660]  }
0x210: {  	v20 =	vmul.f32 v61, v53;
	v45 =	vld [tilespmem:s7+$0x2670];
	v19 =	vmul.f32 v19, v55  }
0x211: {  	v18 =	vadd.f32 v27, v18;
	v22 =	vadd.f32 v22, v23;
	v46 =	vld [tilespmem:s7+$0x6600]  }
0x212: {  	v20 =	vadd.f32 v20, v24;
	v47 =	vld [tilespmem:s7+$0x6610];
	v19 =	vadd.f32 v19, v21  }
0x213: {  	v48 =	vld [tilespmem:s7+$0x6620]  }
0x214: {  	v18 =	vadd.f32 v22, v18;
	v49 =	vld [tilespmem:s7+$0x6630];
	v19 =	vadd.f32 v19, v20  }
0x215: {  	v50 =	vld [tilespmem:s7+$0x6640]  }
0x216: {  	v51 =	vld [tilespmem:s7+$0x6650];
	v18 =	vadd.f32 v19, v18  }
0x217: {  	v52 =	vld [tilespmem:s7+$0x6660]  }
0x218: {  	v19 =	vld [tilespmem:s7+$0x6670];
	[tilespmem:$0x8680] =	vst v18  }
0x219: {  	v18 =	vld [tilespmem:s7+$0x2680]  }
0x21a: {  	v53 =	vld [tilespmem:s7+$0x2690]  }
0x21b: {  	v54 =	vld [tilespmem:s7+$0x26A0]  }
0x21c: {  	v55 =	vld [tilespmem:s7+$0x26B0]  }
0x21d: {  	v17 =	vmul.f32 v46, v17;
	v25 =	vmul.f32 v47, v63;
	v56 =	vld [tilespmem:s7+$0x26C0]  }
0x21e: {  	v23 =	vmul.f32 v48, v40;
	v21 =	vmul.f32 v49, v41;
	v57 =	vld [tilespmem:s7+$0x26D0]  }
0x21f: {  	v24 =	vmul.f32 v50, v42;
	v22 =	vmul.f32 v52, v44;
	v58 =	vld [tilespmem:s7+$0x26E0]  }
0x220: {  	v20 =	vmul.f32 v51, v43;
	v59 =	vld [tilespmem:s7+$0x26F0];
	v19 =	vmul.f32 v19, v45  }
0x221: {  	v17 =	vadd.f32 v25, v17;
	v21 =	vadd.f32 v21, v23;
	v60 =	vld [tilespmem:s7+$0x6680]  }
0x222: {  	v20 =	vadd.f32 v20, v24;
	v61 =	vld [tilespmem:s7+$0x6690];
	v19 =	vadd.f32 v19, v22  }
0x223: {  	v62 =	vld [tilespmem:s7+$0x66A0]  }
0x224: {  	v17 =	vadd.f32 v21, v17;
	v63 =	vld [tilespmem:s7+$0x66B0];
	v19 =	vadd.f32 v19, v20  }
0x225: {  	v39 =	vld [tilespmem:s7+$0x66C0]  }
0x226: {  	v40 =	vld [tilespmem:s7+$0x66D0];
	v17 =	vadd.f32 v19, v17  }
0x227: {  	v41 =	vld [tilespmem:s7+$0x66E0]  }
0x228: {  	v19 =	vld [tilespmem:s7+$0x66F0];
	[tilespmem:$0x8700] =	vst v17  }
0x229: {  	v17 =	vld [tilespmem:s7+$0x2700]  }
0x22a: {  	v42 =	vld [tilespmem:s7+$0x2710]  }
0x22b: {  	v43 =	vld [tilespmem:s7+$0x2720]  }
0x22c: {  	v44 =	vld [tilespmem:s7+$0x2730]  }
0x22d: {  	v18 =	vmul.f32 v60, v18;
	v27 =	vmul.f32 v61, v53;
	v45 =	vld [tilespmem:s7+$0x2740]  }
0x22e: {  	v23 =	vmul.f32 v62, v54;
	v22 =	vmul.f32 v63, v55;
	v46 =	vld [tilespmem:s7+$0x2750]  }
0x22f: {  	v24 =	vmul.f32 v39, v56;
	v21 =	vmul.f32 v41, v58;
	v47 =	vld [tilespmem:s7+$0x2760]  }
0x230: {  	v20 =	vmul.f32 v40, v57;
	v48 =	vld [tilespmem:s7+$0x2770];
	v19 =	vmul.f32 v19, v59  }
0x231: {  	v18 =	vadd.f32 v27, v18;
	v22 =	vadd.f32 v22, v23;
	v49 =	vld [tilespmem:s7+$0x6700]  }
0x232: {  	v20 =	vadd.f32 v20, v24;
	v50 =	vld [tilespmem:s7+$0x6710];
	v19 =	vadd.f32 v19, v21  }
0x233: {  	v51 =	vld [tilespmem:s7+$0x6720]  }
0x234: {  	v18 =	vadd.f32 v22, v18;
	v52 =	vld [tilespmem:s7+$0x6730];
	v19 =	vadd.f32 v19, v20  }
0x235: {  	v53 =	vld [tilespmem:s7+$0x6740]  }
0x236: {  	v54 =	vld [tilespmem:s7+$0x6750];
	v18 =	vadd.f32 v19, v18  }
0x237: {  	v55 =	vld [tilespmem:s7+$0x6760]  }
0x238: {  	v19 =	vld [tilespmem:s7+$0x6770];
	[tilespmem:$0x8780] =	vst v18  }
0x239: {  	v18 =	vld [tilespmem:s7+$0x2780]  }
0x23a: {  	v56 =	vld [tilespmem:s7+$0x2790]  }
0x23b: {  	v57 =	vld [tilespmem:s7+$0x27A0]  }
0x23c: {  	v58 =	vld [tilespmem:s7+$0x27B0]  }
0x23d: {  	v17 =	vmul.f32 v49, v17;
	v25 =	vmul.f32 v50, v42;
	v59 =	vld [tilespmem:s7+$0x27C0]  }
0x23e: {  	v23 =	vmul.f32 v51, v43;
	v21 =	vmul.f32 v52, v44;
	v60 =	vld [tilespmem:s7+$0x27D0]  }
0x23f: {  	v24 =	vmul.f32 v53, v45;
	v22 =	vmul.f32 v55, v47;
	v61 =	vld [tilespmem:s7+$0x27E0]  }
0x240: {  	v20 =	vmul.f32 v54, v46;
	v62 =	vld [tilespmem:s7+$0x27F0];
	v19 =	vmul.f32 v19, v48  }
0x241: {  	v17 =	vadd.f32 v25, v17;
	v21 =	vadd.f32 v21, v23;
	v63 =	vld [tilespmem:s7+$0x6780]  }
0x242: {  	v20 =	vadd.f32 v20, v24;
	v39 =	vld [tilespmem:s7+$0x6790];
	v19 =	vadd.f32 v19, v22  }
0x243: {  	v40 =	vld [tilespmem:s7+$0x67A0]  }
0x244: {  	v17 =	vadd.f32 v21, v17;
	v41 =	vld [tilespmem:s7+$0x67B0];
	v19 =	vadd.f32 v19, v20  }
0x245: {  	v42 =	vld [tilespmem:s7+$0x67C0]  }
0x246: {  	v43 =	vld [tilespmem:s7+$0x67D0];
	v17 =	vadd.f32 v19, v17  }
0x247: {  	v44 =	vld [tilespmem:s7+$0x67E0]  }
0x248: {  	v19 =	vld [tilespmem:s7+$0x67F0];
	[tilespmem:$0x8800] =	vst v17  }
0x249: {  	v17 =	vld [tilespmem:s7+$0x2800]  }
0x24a: {  	v45 =	vld [tilespmem:s7+$0x2810]  }
0x24b: {  	v46 =	vld [tilespmem:s7+$0x2820]  }
0x24c: {  	v47 =	vld [tilespmem:s7+$0x2830]  }
0x24d: {  	v18 =	vmul.f32 v63, v18;
	v27 =	vmul.f32 v39, v56;
	v48 =	vld [tilespmem:s7+$0x2840]  }
0x24e: {  	v23 =	vmul.f32 v40, v57;
	v22 =	vmul.f32 v41, v58;
	v49 =	vld [tilespmem:s7+$0x2850]  }
0x24f: {  	v24 =	vmul.f32 v42, v59;
	v21 =	vmul.f32 v44, v61;
	v50 =	vld [tilespmem:s7+$0x2860]  }
0x250: {  	v20 =	vmul.f32 v43, v60;
	v51 =	vld [tilespmem:s7+$0x2870];
	v19 =	vmul.f32 v19, v62  }
0x251: {  	v18 =	vadd.f32 v27, v18;
	v22 =	vadd.f32 v22, v23;
	v52 =	vld [tilespmem:s7+$0x6800]  }
0x252: {  	v20 =	vadd.f32 v20, v24;
	v53 =	vld [tilespmem:s7+$0x6810];
	v19 =	vadd.f32 v19, v21  }
0x253: {  	v54 =	vld [tilespmem:s7+$0x6820]  }
0x254: {  	v18 =	vadd.f32 v22, v18;
	v55 =	vld [tilespmem:s7+$0x6830];
	v19 =	vadd.f32 v19, v20  }
0x255: {  	v56 =	vld [tilespmem:s7+$0x6840]  }
0x256: {  	v57 =	vld [tilespmem:s7+$0x6850];
	v18 =	vadd.f32 v19, v18  }
0x257: {  	v58 =	vld [tilespmem:s7+$0x6860]  }
0x258: {  	v19 =	vld [tilespmem:s7+$0x6870];
	[tilespmem:$0x8880] =	vst v18  }
0x259: {  	v18 =	vld [tilespmem:s7+$0x2880]  }
0x25a: {  	v59 =	vld [tilespmem:s7+$0x2890]  }
0x25b: {  	v60 =	vld [tilespmem:s7+$0x28A0]  }
0x25c: {  	v61 =	vld [tilespmem:s7+$0x28B0]  }
0x25d: {  	v17 =	vmul.f32 v52, v17;
	v25 =	vmul.f32 v53, v45;
	v62 =	vld [tilespmem:s7+$0x28C0]  }
0x25e: {  	v23 =	vmul.f32 v54, v46;
	v21 =	vmul.f32 v55, v47;
	v63 =	vld [tilespmem:s7+$0x28D0]  }
0x25f: {  	v24 =	vmul.f32 v56, v48;
	v22 =	vmul.f32 v58, v50;
	v39 =	vld [tilespmem:s7+$0x28E0]  }
0x260: {  	v20 =	vmul.f32 v57, v49;
	v40 =	vld [tilespmem:s7+$0x28F0];
	v19 =	vmul.f32 v19, v51  }
0x261: {  	v17 =	vadd.f32 v25, v17;
	v21 =	vadd.f32 v21, v23;
	v41 =	vld [tilespmem:s7+$0x6880]  }
0x262: {  	v20 =	vadd.f32 v20, v24;
	v42 =	vld [tilespmem:s7+$0x6890];
	v19 =	vadd.f32 v19, v22  }
0x263: {  	v43 =	vld [tilespmem:s7+$0x68A0]  }
0x264: {  	v17 =	vadd.f32 v21, v17;
	v44 =	vld [tilespmem:s7+$0x68B0];
	v19 =	vadd.f32 v19, v20  }
0x265: {  	v45 =	vld [tilespmem:s7+$0x68C0]  }
0x266: {  	v46 =	vld [tilespmem:s7+$0x68D0];
	v17 =	vadd.f32 v19, v17  }
0x267: {  	v47 =	vld [tilespmem:s7+$0x68E0]  }
0x268: {  	v19 =	vld [tilespmem:s7+$0x68F0];
	[tilespmem:$0x8900] =	vst v17  }
0x269: {  	v17 =	vld [tilespmem:s7+$0x2900]  }
0x26a: {  	v25 =	vld [tilespmem:s7+$0x2910]  }
0x26b: {  	v29 =	vld [tilespmem:s7+$0x2920]  }
0x26c: {  	v33 =	vld [tilespmem:s7+$0x2930]  }
0x26d: {  	v18 =	vmul.f32 v41, v18;
	v27 =	vmul.f32 v42, v59;
	v48 =	vld [tilespmem:s7+$0x2940]  }
0x26e: {  	v23 =	vmul.f32 v43, v60;
	v22 =	vmul.f32 v44, v61;
	v49 =	vld [tilespmem:s7+$0x2950]  }
0x26f: {  	v24 =	vmul.f32 v45, v62;
	v21 =	vmul.f32 v47, v39;
	v50 =	vld [tilespmem:s7+$0x2960]  }
0x270: {  	v20 =	vmul.f32 v46, v63;
	v51 =	vld [tilespmem:s7+$0x2970];
	v19 =	vmul.f32 v19, v40  }
0x271: {  	v18 =	vadd.f32 v27, v18;
	v22 =	vadd.f32 v22, v23;
	v52 =	vld [tilespmem:s7+$0x6900]  }
0x272: {  	v20 =	vadd.f32 v20, v24;
	v53 =	vld [tilespmem:s7+$0x6910];
	v19 =	vadd.f32 v19, v21  }
0x273: {  	v54 =	vld [tilespmem:s7+$0x6920]  }
0x274: {  	v18 =	vadd.f32 v22, v18;
	v55 =	vld [tilespmem:s7+$0x6930];
	v19 =	vadd.f32 v19, v20  }
0x275: {  	v56 =	vld [tilespmem:s7+$0x6940]  }
0x276: {  	v57 =	vld [tilespmem:s7+$0x6950];
	v18 =	vadd.f32 v19, v18  }
0x277: {  	v58 =	vld [tilespmem:s7+$0x6960]  }
0x278: {  	v19 =	vld [tilespmem:s7+$0x6970];
	[tilespmem:$0x8980] =	vst v18  }
0x279: {  	v18 =	vld [tilespmem:s7+$0x2980]  }
0x27a: {  	v59 =	vld [tilespmem:s7+$0x2990]  }
0x27b: {  	v60 =	vld [tilespmem:s7+$0x29A0]  }
0x27c: {  	v61 =	vld [tilespmem:s7+$0x29B0]  }
0x27d: {  	v62 =	vld [tilespmem:s7+$0x29C0]  }
0x27e: {  	v63 =	vld [tilespmem:s7+$0x29D0]  }
0x27f: {  	v39 =	vld [tilespmem:s7+$0x29E0]  }
0x280: {  	v40 =	vld [tilespmem:s7+$0x29F0]  }
0x281: {  	v41 =	vld [tilespmem:s7+$0x6980]  }
0x282: {  	v42 =	vld [tilespmem:s7+$0x6990]  }
0x283: {  	v43 =	vld [tilespmem:s7+$0x69A0]  }
0x284: {  	v44 =	vld [tilespmem:s7+$0x69B0]  }
0x285: {  	v45 =	vld [tilespmem:s7+$0x69C0]  }
0x286: {  	v17 =	vmul.f32 v52, v17;
	v25 =	vmul.f32 v53, v25;
	v46 =	vld [tilespmem:s7+$0x69D0]  }
0x287: {  	v23 =	vmul.f32 v54, v29;
	v21 =	vmul.f32 v55, v33;
	v32 =	vld [tilespmem:s7+$0x69E0]  }
0x288: {  	v24 =	vmul.f32 v56, v48;
	v22 =	vmul.f32 v58, v50;
	v33 =	vld [tilespmem:s7+$0x69F0]  }
0x289: {  	v20 =	vmul.f32 v57, v49;
	v19 =	vmul.f32 v19, v51  }
0x28a: {  	v17 =	vadd.f32 v25, v17;
	v18 =	vmul.f32 v41, v18;
	v34 =	vmul.f32 v42, v59  }
0x28b: {  	v21 =	vadd.f32 v21, v23;
	v35 =	vmul.f32 v43, v60;
	v36 =	vmul.f32 v44, v61  }
0x28c: {  	v20 =	vadd.f32 v20, v24;
	v37 =	vmul.f32 v45, v62;
	v38 =	vmul.f32 v46, v63  }
0x28d: {  	v19 =	vadd.f32 v19, v22;
	v41 =	vmul.f32 v32, v39;
	v42 =	vmul.f32 v33, v40  }
0x28e: {  	v18 =	vadd.f32 v34, v18;
	v23 =	vadd.f32 v36, v35  }
0x28f: {  	v24 =	vadd.f32 v38, v37;
	v22 =	vadd.f32 v42, v41  }
0x290: {  	v17 =	vadd.f32 v21, v17;
	v19 =	vadd.f32 v19, v20  }
0x291: {  	v18 =	vadd.f32 v23, v18;
	v43 =	vadd.f32 v22, v24  }
0x292: {  	v17 =	vadd.f32 v19, v17  }
0x293: {  	v18 =	vadd.f32 v43, v18  }
0x294: {  	[tilespmem:$0x8A00] =	vst v17  }
0x295: {  	[tilespmem:$0x8A80] =	vst v18  }
0x296: {  	v17 =	vld.idx.msk [tilespmem:v1+s24+$0x0], $0xffff  }
0x297: {  	v18 =	vld.idx.msk [tilespmem:v2+s24+$0x0], $0xffff  }
0x298: {  	v19 =	vld.idx.msk [tilespmem:v3+s24+$0x0], $0xffff  }
0x299: {  	v44 =	vld.idx.msk [tilespmem:v4+s24+$0x0], $0xffff  }
0x29a: {  	v45 =	vld.idx.msk [tilespmem:v5+s24+$0x0], $0xffff  }
0x29b: {  	v46 =	vld.idx.msk [tilespmem:v6+s24+$0x0], $0xffff  }
0x29c: {  	v47 =	vld.idx.msk [tilespmem:v7+s24+$0x0], $0xffff  }
0x29d: {  	v48 =	vld.idx.msk [tilespmem:v8+s24+$0x0], $0xffff  }
0x29e: {  	v49 =	vld.idx.msk [tilespmem:v9+s24+$0x0], $0xffff  }
0x29f: {  	v50 =	vld.idx.msk [tilespmem:v10+s24+$0x0], $0xffff  }
0x2a0: {  	v51 =	vld.idx.msk [tilespmem:v11+s24+$0x0], $0xffff  }
0x2a1: {  	v52 =	vld.idx.msk [tilespmem:v12+s24+$0x0], $0xffff  }
0x2a2: {  	v53 =	vld.idx.msk [tilespmem:v13+s24+$0x0], $0xffff  }
0x2a3: {  	v54 =	vld.idx.msk [tilespmem:v14+s24+$0x0], $0xffff  }
0x2a4: {  	v55 =	vld.idx.msk [tilespmem:v15+s24+$0x0], $0xffff  }
0x2a5: {  	v56 =	vld.idx.msk [tilespmem:v16+s24+$0x0], $0xffff;
	_ =	sdelay $0x1  }
0x2a6: {  	v17 =	vadd.f32 v18, v17;
	v18 =	vadd.f32 v44, v19  }
0x2a7: {  	v19 =	vadd.f32 v46, v45;
	v57 =	vadd.f32 v48, v47  }
0x2a8: {  	v58 =	vadd.f32 v50, v49;
	v59 =	vadd.f32 v52, v51  }
0x2a9: {  	v60 =	vadd.f32 v54, v53;
	v61 =	vadd.f32 v56, v55  }
0x2aa: {  	v17 =	vadd.f32 v18, v17;
	v18 =	vadd.f32 v57, v19  }
0x2ab: {  	s23 =	sshll.u32 s20, $0x4;
	v19 =	vadd.f32 v59, v58;
	v62 =	vadd.f32 v61, v60  }
0x2ac: {  	p1 =	sne.s32 s20, $0x3;
	v63 =	vor.u32 s23, v0  }
.Ltmp7:
0x2ad: {  	v17 =	vadd.f32 v18, v17;
	v18 =	vadd.f32 v62, v19;
	(pc) =	sbr.rel @p1 .LBB2_8-.Ltmp7, $3  }
0x2ae: {  	_ = 	snop  }
0x2af: {  	v17 =	vadd.f32 v18, v17;
	_ =	sdelay $0x1  }
0x2b0: {  	s20 =	sadd.s32 $0x1, s20;
	[tilespmem:v63+s26+$0x0] =	vst.idx.msk $0xffff, v17  }
.Ltmp8:
0x2b1: {  	(pc) =	sbr.rel .LBB2_10-.Ltmp8, $4  }
0x2b2: {  	_ = 	snop  }
0x2b3: {  	s0 =	sshll.u32 s0, $0x3  }
0x2b4: {  	s0 =	sadd.s32 s2, s0  }
0x2b5: {  	[hbm4b:s0+s4] =	stream.linear.scatter [tilespmem:s26], [sflag:$0x8], $0x40, $0x38;
	[tilespmem:$0x1C380] =	vst v63  }
.LBB2_12:
0x2b6: {  	_ =	sfence.sel $0x180000  }
0x2b7: {  	[bflag:$0x0] =	sbarrier.arrive $0xFFFF  }
0x2b8: {  	_ =	strace $0x90000047  }
0x2b9: {  	[bflag:$0x2] =	sbarrier.arrive $0xFFFF  }
0x2ba: {  	s0 =	rddreg [dreg:$0x4]  }
0x2bb: {  	s0 =	sadd.s32 @!p0 $0x100000, s0  }
0x2bc: {  	[sflag:s0] =	ssyncadd.tile.s32 @!p0 $0x1;
	_ =	shalt  }
.Lfunc_end2:
_tile_overlayer_lowered:
.L_overlay_start_2:
0x2bd: {  	(tag) =	ssettag $0x2  }
0x2be: {  	s0 =	rddreg [dreg:$0x0];
	s2 =	stileid.u32  }
0x2bf: {  	s1 =	rddreg [dreg:$0x1];
	p0 =	sne.s32 s2, $0x0  }
0x2c0: {  	s3 =	rddreg [dreg:$0x2];
	[bflag:$0x3] =	sbarrier.arrive $0xFFFF;
	s2 =	simm.s32 @!p0 $0x1C09  }
0x2c1: {  	[timem:s3], [sflag:s2] =	dma.local @!p0 [hbm:s0], s1  }
0x2c2: {  	s0 =	simm.s32 @!p0 $0x9  }
0x2c3: {  	_ =	swait.ge @!p0 [sflag:s0], s1  }
0x2c4: {  	s1 =	ssub.s32 @!p0 $0x0, s1;
	[sflag:s0] =	ssyncset.done @!p0 $0x0  }
0x2c5: {  	[sflag:s0] =	ssyncadd.s32 @!p0 s1  }
0x2c6: {  	[bflag:$0x3] =	sbarrier.arrive $0xFFFF  }
0x2c7: {  	_ =	shalt  }

</sc_bundles>
